<compile_context>
chip_gen: v7x
topology: tpu7x:2x2x1
jax: 0.10.2.dev20260603
libtpu: 0.0.44.dev20260713+nightly
codegen_flags: <defaults>
</compile_context>

<pallas_src>
import functools

import jax
import jax.numpy as jnp
from jax import lax
from jax.experimental import pallas as pl
from jax.experimental.pallas import tpu as pltpu
from jax.experimental.pallas import tpu_sc as plsc

N = 10000
E = 320000
F_IN = 128
H = 128
HH = H // 2
OUT = 64
G = 64

NPAD = 10240
NSUB = 16
CHUNK = 128
NCHUNK = 160
EPT = CHUNK * NCHUNK
EPAD = NSUB * EPT
STRIPE = NPAD // NSUB

_mesh = plsc.VectorSubcoreMesh(core_axis_name="c", subcore_axis_name="s")
_sc_params = pltpu.CompilerParams(needs_layout_passes=False)
_sc_agg_params = pltpu.CompilerParams(use_tc_tiling_on_sc=False)



@functools.partial(
    pl.kernel,
    mesh=_mesh,
    out_type=jax.ShapeDtypeStruct((2 * NSUB, NPAD), jnp.float32),
    scratch_types=[
        pltpu.VMEM((NCHUNK // 2, CHUNK), jnp.int32),
        pltpu.VMEM((NPAD,), jnp.float32),
        pltpu.SemaphoreType.DMA,
    ],
    compiler_params=_sc_params,
)
def _sc_count(dst_hbm, out_hbm, idx_v, cnt_v, sem):
    c = lax.axis_index("c")
    s = lax.axis_index("s")
    wid = s * 2 + c
    pltpu.async_copy(dst_hbm.at[s, pl.ds(c * (NCHUNK // 2), NCHUNK // 2)],
                     idx_v, sem).wait()

    @pl.loop(0, NPAD, step=16)
    def _(i):
        cnt_v[pl.ds(i, 16)] = jnp.zeros((16,), jnp.float32)

    ones = jnp.ones((16,), jnp.float32)

    @pl.loop(0, NCHUNK // 2)
    def _(j):
        @pl.loop(0, CHUNK, step=16)
        def _(l):
            idx16 = idx_v[j, pl.ds(l, 16)]
            plsc.addupdate_scatter(cnt_v, [idx16], ones)

    pltpu.async_copy(cnt_v, out_hbm.at[wid], sem).wait()


NBUF = 8
DEPTH = NBUF // 2
NPH = 2
NCH_PH = NCHUNK // NPH


@functools.partial(
    pl.kernel,
    mesh=_mesh,
    out_type=jax.ShapeDtypeStruct((NPAD, H), jnp.float32),
    scratch_types=[
        pltpu.VMEM((NCH_PH, CHUNK), jnp.int32),
        pltpu.VMEM((NCH_PH, CHUNK), jnp.int32),
    ] + [pltpu.VMEM((CHUNK, HH), jnp.float32) for _ in range(NBUF)] + [
        pltpu.VMEM_SHARED((NPAD, HH), jnp.float32),
    ] + [pltpu.SemaphoreType.DMA for _ in range(2 * NBUF + 1)],
    compiler_params=_sc_agg_params,
)
def _sc_agg(hws_hbm, src_hbm, dst_hbm, zero_hbm, out_hbm,
            src_v, dst_v, *rest):
    bufs = rest[:NBUF]
    acc_sp = rest[NBUF]
    sg = rest[NBUF + 1:2 * NBUF + 1]
    ss = rest[2 * NBUF + 1:3 * NBUF + 1]
    saux = rest[3 * NBUF + 1]

    c = lax.axis_index("c")
    s = lax.axis_index("s")
    base = s * STRIPE

    pltpu.async_copy(zero_hbm.at[pl.ds(base, STRIPE)],
                     acc_sp.at[pl.ds(base, STRIPE)], saux).wait()
    plsc.subcore_barrier()

    @pl.loop(0, NPH)
    def _(p):
        off = p * NCH_PH
        cp_src = pltpu.async_copy(
            src_hbm.at[c, s, pl.ds(off, NCH_PH)], src_v, sg[0])
        cp_dst = pltpu.async_copy(
            dst_hbm.at[s, pl.ds(off, NCH_PH)], dst_v, sg[1])
        cp_src.wait()
        cp_dst.wait()

        for j in range(DEPTH):
            pltpu.async_copy(hws_hbm.at[src_v.at[j]], bufs[j], sg[j])

        @pl.loop(0, NCH_PH // NBUF)
        def _(k):
            j0 = NBUF * k
            for b in range(NBUF):
                j = j0 + b
                b2 = (b + DEPTH) % NBUF

                @pl.when(j >= DEPTH)
                def _():
                    pltpu.make_async_copy(
                        bufs[b2], acc_sp.at[dst_v.at[j - DEPTH]],
                        ss[b2]).wait()

                @pl.when(j + DEPTH < NCH_PH)
                def _():
                    pltpu.async_copy(hws_hbm.at[src_v.at[j + DEPTH]],
                                     bufs[b2], sg[b2])

                pltpu.make_async_copy(hws_hbm.at[src_v.at[j]], bufs[b],
                                      sg[b]).wait()
                pltpu.async_copy(bufs[b], acc_sp.at[dst_v.at[j]], ss[b],
                                 add=True)

        for j in range(NCH_PH - DEPTH, NCH_PH):
            pltpu.make_async_copy(bufs[j % NBUF], acc_sp.at[dst_v.at[j]],
                                  ss[j % NBUF]).wait()

    plsc.subcore_barrier()
    pltpu.async_copy(acc_sp.at[pl.ds(base, STRIPE)],
                     out_hbm.at[pl.ds(base, STRIPE), pl.ds(c * HH, HH)],
                     saux).wait()



def _pre_body(cnt_ref, x_ref, w1_ref, b1_ref, wc1_ref, dinv_ref, hws_ref):
    deg = 1.0 + jnp.sum(cnt_ref[...], axis=0)
    dinv = lax.rsqrt(deg)
    dinv_ref[...] = dinv
    h = jnp.maximum(
        jnp.dot(x_ref[...], w1_ref[...], preferred_element_type=jnp.float32)
        + b1_ref[...][None, :], 0.0)
    hw1 = jnp.dot(h, wc1_ref[...], preferred_element_type=jnp.float32)
    hws_ref[:N, :] = hw1 * dinv[:N, None]
    hws_ref[N:, :] = jnp.zeros((NPAD - N, H), jnp.float32)


def _fused2_body(p_ref, hws_ref, dinv_ref, bc1_ref, w2_ref, b2_ref, wc2_ref,
                 out_ref):
    dinv = dinv_ref[:N]
    agg = p_ref[:N, :] + hws_ref[:N, :]
    h1 = jnp.maximum(agg * dinv[:, None] + bc1_ref[...][None, :], 0.0)
    h2 = jnp.maximum(
        jnp.dot(h1, w2_ref[...], preferred_element_type=jnp.float32)
        + b2_ref[...][None, :], 0.0)
    hw2 = jnp.dot(h2, wc2_ref[...], preferred_element_type=jnp.float32)
    out_ref[:N, :] = hw2 * dinv[:, None]
    out_ref[N:, :] = jnp.zeros((NPAD - N, H), jnp.float32)


def _fused3_body(p_ref, hws_ref, dinv_ref, bc2_ref, wf_ref, bf_ref, batch_ref,
                 out_ref):
    dinv = dinv_ref[:N]
    agg = p_ref[:N, :] + hws_ref[:N, :]
    h3 = jnp.maximum(agg * dinv[:, None] + bc2_ref[...][None, :], 0.0)
    o = jnp.dot(h3, wf_ref[...], preferred_element_type=jnp.float32) \
        + bf_ref[...][None, :]
    seg = batch_ref[...]
    onehot = (seg[:, None]
              == lax.broadcasted_iota(jnp.int32, (N, G), 1)
              ).astype(jnp.float32)
    sums = lax.dot_general(onehot, o, (((0,), (0,)), ((), ())),
                           preferred_element_type=jnp.float32)
    cnts = jnp.sum(onehot, axis=0)
    out_ref[...] = sums / jnp.maximum(cnts, 1.0)[:, None]



def kernel(x, edge_index, batch, W_fc1, b_fc1, W_c1, b_c1,
           W_fc2, b_fc2, W_c2, b_c2, W_fc, b_fc):
    f32 = jnp.float32

    zeros2d = jnp.zeros((NPAD, HH), dtype=f32)

    pad_idx = (jnp.arange(EPAD - E, dtype=jnp.int32) % 16) + N
    eip = jnp.concatenate(
        [edge_index, jnp.broadcast_to(pad_idx, (2, EPAD - E))], axis=1
    ).reshape(2, NSUB, NCHUNK, CHUNK)
    src_t = eip[0]
    dst_t = eip[1]
    src_tc = jnp.stack([2 * src_t, 2 * src_t + 1])

    cnt_parts = _sc_count(dst_t)

    dinv, hws1 = pl.pallas_call(
        _pre_body,
        out_shape=(jax.ShapeDtypeStruct((NPAD,), f32),
                   jax.ShapeDtypeStruct((NPAD, H), f32)),
    )(cnt_parts, x, W_fc1, b_fc1, W_c1)

    parts1 = _sc_agg(hws1.reshape(2 * NPAD, HH), src_tc, dst_t, zeros2d)

    hws2 = pl.pallas_call(
        _fused2_body,
        out_shape=jax.ShapeDtypeStruct((NPAD, H), f32),
    )(parts1, hws1, dinv, b_c1, W_fc2, b_fc2, W_c2)

    parts2 = _sc_agg(hws2.reshape(2 * NPAD, HH), src_tc, dst_t, zeros2d)

    out = pl.pallas_call(
        _fused3_body,
        out_shape=jax.ShapeDtypeStruct((G, OUT), f32),
    )(parts2, hws2, dinv, b_c2, W_fc, b_fc, batch)

    return out

# --- scband reference (transcript-rebuilt; emitter-appended) ---
"""Pipeline reference for scband-mixed-n-25958782337848 (READ-ONLY COPY).

The authoritative reference and input builder live on the scoring server;
editing this copy changes nothing except your own understanding.
"""

import jax, jax.numpy as jnp
import numpy as np

N = 10000
E = 320000
F_IN = 128
H = 128
OUT = 64
G = 64


def setup_inputs(seed: int = 0) -> dict:
    key = jax.random.key(seed)
    ks = jax.random.split(key, 16)
    x = jax.random.normal(ks[0], (N, F_IN), dtype=jnp.float32)
    edge_index = jax.random.randint(ks[1], (2, E), 0, N, dtype=jnp.int32)
    batch = jnp.sort(jax.random.randint(ks[2], (N,), 0, G, dtype=jnp.int32))
    s = 0.05
    W_fc1 = jax.random.normal(ks[3], (F_IN, H), dtype=jnp.float32) * s
    b_fc1 = jnp.zeros((H,), dtype=jnp.float32)
    W_c1 = jax.random.normal(ks[4], (H, H), dtype=jnp.float32) * s
    b_c1 = jnp.zeros((H,), dtype=jnp.float32)
    W_fc2 = jax.random.normal(ks[5], (H, H), dtype=jnp.float32) * s
    b_fc2 = jnp.zeros((H,), dtype=jnp.float32)
    W_c2 = jax.random.normal(ks[6], (H, H), dtype=jnp.float32) * s
    b_c2 = jnp.zeros((H,), dtype=jnp.float32)
    W_fc = jax.random.normal(ks[7], (H, OUT), dtype=jnp.float32) * s
    b_fc = jnp.zeros((OUT,), dtype=jnp.float32)
    return {"x": x, "edge_index": edge_index, "batch": batch,
            "W_fc1": W_fc1, "b_fc1": b_fc1, "W_c1": W_c1, "b_c1": b_c1,
            "W_fc2": W_fc2, "b_fc2": b_fc2, "W_c2": W_c2, "b_c2": b_c2,
            "W_fc": W_fc, "b_fc": b_fc}


def gcn_conv(h, edge_index, W, b):
    # GCNConv: symmetric-normalized A_hat = D^-1/2 (A + I) D^-1/2, then X W + b
    src = edge_index[0]
    dst = edge_index[1]
    loop = jnp.arange(N, dtype=src.dtype)
    src = jnp.concatenate([src, loop], axis=0)
    dst = jnp.concatenate([dst, loop], axis=0)
    deg = jnp.zeros((N,), dtype=jnp.float32).at[dst].add(1.0)
    dinv = jnp.where(deg > 0, jax.lax.rsqrt(deg), 0.0)
    norm = dinv[src] * dinv[dst]
    hw = h @ W
    msgs = jnp.take(hw, src, axis=0) * norm[:, None]
    out = jnp.zeros_like(hw).at[dst].add(msgs)
    return out + b


def global_mean_pool(h, batch):
    sums = jax.ops.segment_sum(h, batch, num_segments=G)
    cnts = jax.ops.segment_sum(jnp.ones((h.shape[0],), dtype=jnp.float32), batch, num_segments=G)
    return sums / jnp.maximum(cnts, 1.0)[:, None]


def reference(x, edge_index, batch, W_fc1, b_fc1, W_c1, b_c1, W_fc2, b_fc2, W_c2, b_c2, W_fc, b_fc):
    h = jax.nn.relu(x @ W_fc1 + b_fc1)
    h = jax.nn.relu(gcn_conv(h, edge_index, W_c1, b_c1))
    # dropout is identity in eval mode
    h = jax.nn.relu(h @ W_fc2 + b_fc2)
    h = jax.nn.relu(gcn_conv(h, edge_index, W_c2, b_c2))
    h = h @ W_fc + b_fc
    return global_mean_pool(h, batch)

if __name__ == "__main__":
    import jax
    _d = setup_inputs()
    print(jax.jit(kernel)(*tuple(_d.values())))

</pallas_src>

<mosaic_0001>
#map = affine_map<(d0, d1) -> (0, 0, 0)>
#map1 = affine_map<(d0, d1) -> (0, 0)>
module attributes {stable_mosaic.version = 14 : i64} {
  func.func @_sc_count(%arg0: i32, %arg1: i32, %arg2: memref<16x160x128xi32, #tpu.memory_space<hbm>>, %arg3: memref<32x10240xf32, #tpu.memory_space<hbm>>, %arg4: memref<80x128xi32, #tpu.memory_space<vmem>>, %arg5: memref<10240xf32, #tpu.memory_space<vmem>>, %arg6: memref<!tpu.dma_semaphore, #tpu.memory_space<semaphore_mem>>) attributes {dimension_semantics = [#tpu.dimension_semantics<core_parallel>, #tpu.dimension_semantics<subcore_parallel>], iteration_bounds = array<i64: 2, 16>, scalar_prefetch = 0 : i64, scratch_operands = 3 : i64, tpu.core_type = #tpu.core_type<sc_vector_subcore>, window_params = [{transform_indices = #map}, {transform_indices = #map1}]} {
    %mul3A = arith.constant 2 : i32
    %mul3A_0 = arith.muli %arg1, %mul3A : i32
    %add3A = arith.addi %mul3A_0, %arg0 : i32
    %mul3A_1 = arith.constant 80 : i32
    %mul3A_2 = arith.muli %arg0, %mul3A_1 : i32
    %dma_start3A = arith.constant 0 : i32
    %dma_start3A_3 = tpu.memref_slice %arg2[%arg1, %mul3A_2, %dma_start3A] : memref<16x160x128xi32, #tpu.memory_space<hbm>> -> memref<1x80x128xi32, #tpu.memory_space<hbm>>
    %dma_start3A_4 = tpu.memref_squeeze %dma_start3A_3 : memref<1x80x128xi32, #tpu.memory_space<hbm>> -> memref<80x128xi32, #tpu.memory_space<hbm>>
    %dma_start3A_5 = arith.constant 0 : i32
    %dma_start3A_6 = tpu.memref_slice %arg2[%arg1, %mul3A_2, %dma_start3A_5] : memref<16x160x128xi32, #tpu.memory_space<hbm>> -> memref<1x80x128xi32, #tpu.memory_space<hbm>>
    %dma_start3A_7 = tpu.memref_squeeze %dma_start3A_6 : memref<1x80x128xi32, #tpu.memory_space<hbm>> -> memref<80x128xi32, #tpu.memory_space<hbm>>
    tpu.enqueue_dma source(%dma_start3A_7 : memref<80x128xi32, #tpu.memory_space<hbm>>) target(%arg4 : memref<80x128xi32, #tpu.memory_space<vmem>>) target_semaphore(%arg6 : memref<!tpu.dma_semaphore, #tpu.memory_space<semaphore_mem>>)
    %dma_wait3A = arith.constant 0 : i32
    %dma_wait3A_8 = tpu.memref_slice %arg2[%arg1, %mul3A_2, %dma_wait3A] : memref<16x160x128xi32, #tpu.memory_space<hbm>> -> memref<1x80x128xi32, #tpu.memory_space<hbm>>
    %dma_wait3A_9 = tpu.memref_squeeze %dma_wait3A_8 : memref<1x80x128xi32, #tpu.memory_space<hbm>> -> memref<80x128xi32, #tpu.memory_space<hbm>>
    %dma_wait3A_10 = arith.constant 0 : i32
    %dma_wait3A_11 = tpu.memref_slice %arg2[%arg1, %mul3A_2, %dma_wait3A_10] : memref<16x160x128xi32, #tpu.memory_space<hbm>> -> memref<1x80x128xi32, #tpu.memory_space<hbm>>
    %dma_wait3A_12 = tpu.memref_squeeze %dma_wait3A_11 : memref<1x80x128xi32, #tpu.memory_space<hbm>> -> memref<80x128xi32, #tpu.memory_space<hbm>>
    tpu.wait_dma2 semaphore(%arg6 : memref<!tpu.dma_semaphore, #tpu.memory_space<semaphore_mem>>) src(%dma_wait3A_12 : memref<80x128xi32, #tpu.memory_space<hbm>>) dst(%arg4 : memref<80x128xi32, #tpu.memory_space<vmem>>)
    %scan3A = arith.constant 0 : i32
    %scan3A_13 = arith.constant 640 : i32
    %scan3A_14 = arith.addi %scan3A, %scan3A_13 : i32
    %scan3A_15 = arith.constant 1 : i32
    scf.for %scan3A_35 = %scan3A to %scan3A_14 step %scan3A_15  : i32 {
      %mul3A_36 = arith.constant 16 : i32
      %mul3A_37 = arith.muli %scan3A_35, %mul3A_36 : i32
      %add3A_38 = arith.constant 0 : i32
      %add3A_39 = arith.addi %add3A_38, %mul3A_37 : i32
      %broadcast_in_dim3A_40 = arith.constant 0.000000e+00 : f32
      %broadcast_in_dim3A_41 = vector.broadcast %broadcast_in_dim3A_40 : f32 to vector<16xf32>
      %swap3A = arith.index_cast %add3A_39 : i32 to index
      %swap3A_42 = tpu.vector_load %arg5[%swap3A] {strides = array<i32>} : memref<10240xf32, #tpu.memory_space<vmem>>, vector<16xf32>,
      tpu.vector_store %arg5[%swap3A], %broadcast_in_dim3A_41 {strides = array<i32>} : memref<10240xf32, #tpu.memory_space<vmem>>, vector<16xf32>,
    }
    %scan3A_16 = arith.constant 640 : i32
    %broadcast_in_dim3A = arith.constant 1.000000e+00 : f32
    %broadcast_in_dim3A_17 = vector.broadcast %broadcast_in_dim3A : f32 to vector<16xf32>
    %scan3A_18 = arith.constant 0 : i32
    %scan3A_19 = arith.constant 80 : i32
    %scan3A_20 = arith.addi %scan3A_18, %scan3A_19 : i32
    %scan3A_21 = arith.constant 1 : i32
    scf.for %scan3A_35 = %scan3A_18 to %scan3A_20 step %scan3A_21  : i32 {
      %mul3A_36 = arith.constant 1 : i32
      %mul3A_37 = arith.muli %scan3A_35, %mul3A_36 : i32
      %add3A_38 = arith.constant 0 : i32
      %add3A_39 = arith.addi %add3A_38, %mul3A_37 : i32
      %scan3A_40 = arith.constant 0 : i32
      %scan3A_41 = arith.constant 8 : i32
      %scan3A_42 = arith.addi %scan3A_40, %scan3A_41 : i32
      %scan3A_43 = arith.constant 1 : i32
      scf.for %scan3A_45 = %scan3A_40 to %scan3A_42 step %scan3A_43  : i32 {
        %mul3A_46 = arith.constant 16 : i32
        %mul3A_47 = arith.muli %scan3A_45, %mul3A_46 : i32
        %add3A_48 = arith.constant 0 : i32
        %add3A_49 = arith.addi %add3A_48, %mul3A_47 : i32
        %get3A = arith.index_cast %add3A_39 : i32 to index
        %get3A_50 = arith.index_cast %add3A_49 : i32 to index
        %get3A_51 = tpu.vector_load %arg4[%get3A, %get3A_50] {strides = array<i32>} : memref<80x128xi32, #tpu.memory_space<vmem>>, vector<16xi32>,
        tpu.vector_store_idx %arg5[%get3A_51], %broadcast_in_dim3A_17 {add = true} : memref<10240xf32, #tpu.memory_space<vmem>>[vector<16xi32>], vector<16xf32>,
      }
      %scan3A_44 = arith.constant 8 : i32
    }
    %scan3A_22 = arith.constant 80 : i32
    %dma_start3A_23 = arith.constant 0 : i32
    %dma_start3A_24 = tpu.memref_slice %arg3[%add3A, %dma_start3A_23] : memref<32x10240xf32, #tpu.memory_space<hbm>> -> memref<1x10240xf32, #tpu.memory_space<hbm>>
    %dma_start3A_25 = tpu.memref_squeeze %dma_start3A_24 : memref<1x10240xf32, #tpu.memory_space<hbm>> -> memref<10240xf32, #tpu.memory_space<hbm>>
    %dma_start3A_26 = arith.constant 0 : i32
    %dma_start3A_27 = tpu.memref_slice %arg3[%add3A, %dma_start3A_26] : memref<32x10240xf32, #tpu.memory_space<hbm>> -> memref<1x10240xf32, #tpu.memory_space<hbm>>
    %dma_start3A_28 = tpu.memref_squeeze %dma_start3A_27 : memref<1x10240xf32, #tpu.memory_space<hbm>> -> memref<10240xf32, #tpu.memory_space<hbm>>
    tpu.enqueue_dma source(%arg5 : memref<10240xf32, #tpu.memory_space<vmem>>) target(%dma_start3A_28 : memref<10240xf32, #tpu.memory_space<hbm>>) target_semaphore(%arg6 : memref<!tpu.dma_semaphore, #tpu.memory_space<semaphore_mem>>)
    %dma_wait3A_29 = arith.constant 0 : i32
    %dma_wait3A_30 = tpu.memref_slice %arg3[%add3A, %dma_wait3A_29] : memref<32x10240xf32, #tpu.memory_space<hbm>> -> memref<1x10240xf32, #tpu.memory_space<hbm>>
    %dma_wait3A_31 = tpu.memref_squeeze %dma_wait3A_30 : memref<1x10240xf32, #tpu.memory_space<hbm>> -> memref<10240xf32, #tpu.memory_space<hbm>>
    %dma_wait3A_32 = arith.constant 0 : i32
    %dma_wait3A_33 = tpu.memref_slice %arg3[%add3A, %dma_wait3A_32] : memref<32x10240xf32, #tpu.memory_space<hbm>> -> memref<1x10240xf32, #tpu.memory_space<hbm>>
    %dma_wait3A_34 = tpu.memref_squeeze %dma_wait3A_33 : memref<1x10240xf32, #tpu.memory_space<hbm>> -> memref<10240xf32, #tpu.memory_space<hbm>>
    tpu.wait_dma2 semaphore(%arg6 : memref<!tpu.dma_semaphore, #tpu.memory_space<semaphore_mem>>) src(%arg5 : memref<10240xf32, #tpu.memory_space<vmem>>) dst(%dma_wait3A_34 : memref<10240xf32, #tpu.memory_space<hbm>>)
    return
  }
}

#map = affine_map<(d0, d1) -> (0, 0)>
#map1 = affine_map<(d0, d1) -> (0, 0, 0, 0)>
#map2 = affine_map<(d0, d1) -> (0, 0, 0)>
module attributes {stable_mosaic.version = 14 : i64} {
  func.func @_sc_agg(%arg0: i32, %arg1: i32, %arg2: memref<20480x64xf32, #tpu.memory_space<hbm>>, %arg3: memref<2x16x160x128xi32, #tpu.memory_space<hbm>>, %arg4: memref<16x160x128xi32, #tpu.memory_space<hbm>>, %arg5: memref<10240x64xf32, #tpu.memory_space<hbm>>, %arg6: memref<10240x128xf32, #tpu.memory_space<hbm>>, %arg7: memref<80x128xi32, #tpu.memory_space<vmem>>, %arg8: memref<80x128xi32, #tpu.memory_space<vmem>>, %arg9: memref<128x64xf32, #tpu.memory_space<vmem>>, %arg10: memref<128x64xf32, #tpu.memory_space<vmem>>, %arg11: memref<128x64xf32, #tpu.memory_space<vmem>>, %arg12: memref<128x64xf32, #tpu.memory_space<vmem>>, %arg13: memref<128x64xf32, #tpu.memory_space<vmem>>, %arg14: memref<128x64xf32, #tpu.memory_space<vmem>>, %arg15: memref<128x64xf32, #tpu.memory_space<vmem>>, %arg16: memref<128x64xf32, #tpu.memory_space<vmem>>, %arg17: memref<10240x64xf32, #tpu.memory_space<vmem_shared>>, %arg18: memref<!tpu.dma_semaphore, #tpu.memory_space<semaphore_mem>>, %arg19: memref<!tpu.dma_semaphore, #tpu.memory_space<semaphore_mem>>, %arg20: memref<!tpu.dma_semaphore, #tpu.memory_space<semaphore_mem>>, %arg21: memref<!tpu.dma_semaphore, #tpu.memory_space<semaphore_mem>>, %arg22: memref<!tpu.dma_semaphore, #tpu.memory_space<semaphore_mem>>, %arg23: memref<!tpu.dma_semaphore, #tpu.memory_space<semaphore_mem>>, %arg24: memref<!tpu.dma_semaphore, #tpu.memory_space<semaphore_mem>>, %arg25: memref<!tpu.dma_semaphore, #tpu.memory_space<semaphore_mem>>, %arg26: memref<!tpu.dma_semaphore, #tpu.memory_space<semaphore_mem>>, %arg27: memref<!tpu.dma_semaphore, #tpu.memory_space<semaphore_mem>>, %arg28: memref<!tpu.dma_semaphore, #tpu.memory_space<semaphore_mem>>, %arg29: memref<!tpu.dma_semaphore, #tpu.memory_space<semaphore_mem>>, %arg30: memref<!tpu.dma_semaphore, #tpu.memory_space<semaphore_mem>>, %arg31: memref<!tpu.dma_semaphore, #tpu.memory_space<semaphore_mem>>, %arg32: memref<!tpu.dma_semaphore, #tpu.memory_space<semaphore_mem>>, %arg33: memref<!tpu.dma_semaphore, #tpu.memory_space<semaphore_mem>>, %arg34: memref<!tpu.dma_semaphore, #tpu.memory_space<semaphore_mem>>) attributes {dimension_semantics = [#tpu.dimension_semantics<core_parallel>, #tpu.dimension_semantics<subcore_parallel>], iteration_bounds = array<i64: 2, 16>, scalar_prefetch = 0 : i64, scratch_operands = 28 : i64, tpu.core_type = #tpu.core_type<sc_vector_subcore>, window_params = [{transform_indices = #map}, {transform_indices = #map1}, {transform_indices = #map2}, {transform_indices = #map}, {transform_indices = #map}]} {
    %mul3A = arith.constant 640 : i32
    %mul3A_0 = arith.muli %arg1, %mul3A : i32
    %dma_start3A = arith.constant 0 : i32
    %dma_start3A_1 = tpu.memref_slice %arg17[%mul3A_0, %dma_start3A] : memref<10240x64xf32, #tpu.memory_space<vmem_shared>> -> memref<640x64xf32, #tpu.memory_space<vmem_shared>>
    %dma_start3A_2 = arith.constant 0 : i32
    %dma_start3A_3 = tpu.memref_slice %arg5[%mul3A_0, %dma_start3A_2] : memref<10240x64xf32, #tpu.memory_space<hbm>> -> memref<640x64xf32, #tpu.memory_space<hbm>>
    tpu.enqueue_dma source(%dma_start3A_3 : memref<640x64xf32, #tpu.memory_space<hbm>>) target(%dma_start3A_1 : memref<640x64xf32, #tpu.memory_space<vmem_shared>>) target_semaphore(%arg34 : memref<!tpu.dma_semaphore, #tpu.memory_space<semaphore_mem>>)
    %dma_wait3A = arith.constant 0 : i32
    %dma_wait3A_4 = tpu.memref_slice %arg17[%mul3A_0, %dma_wait3A] : memref<10240x64xf32, #tpu.memory_space<vmem_shared>> -> memref<640x64xf32, #tpu.memory_space<vmem_shared>>
    %dma_wait3A_5 = arith.constant 0 : i32
    %dma_wait3A_6 = tpu.memref_slice %arg5[%mul3A_0, %dma_wait3A_5] : memref<10240x64xf32, #tpu.memory_space<hbm>> -> memref<640x64xf32, #tpu.memory_space<hbm>>
    tpu.wait_dma2 semaphore(%arg34 : memref<!tpu.dma_semaphore, #tpu.memory_space<semaphore_mem>>) src(%dma_wait3A_6 : memref<640x64xf32, #tpu.memory_space<hbm>>) dst(%dma_wait3A_4 : memref<640x64xf32, #tpu.memory_space<vmem_shared>>)
    %barrier3A = arith.constant 0 : index
    tpu.barrier barrier_id(%barrier3A)
    %scan3A = arith.constant 0 : i32
    %scan3A_7 = arith.constant 2 : i32
    %scan3A_8 = arith.addi %scan3A, %scan3A_7 : i32
    %scan3A_9 = arith.constant 1 : i32
    scf.for %scan3A_20 = %scan3A to %scan3A_8 step %scan3A_9  : i32 {
      %mul3A_21 = arith.constant 1 : i32
      %mul3A_22 = arith.muli %scan3A_20, %mul3A_21 : i32
      %add3A = arith.constant 0 : i32
      %add3A_23 = arith.addi %add3A, %mul3A_22 : i32
      %mul3A_24 = arith.constant 80 : i32
      %mul3A_25 = arith.muli %add3A_23, %mul3A_24 : i32
      %dma_start3A_26 = arith.constant 0 : i32
      %dma_start3A_27 = tpu.memref_slice %arg3[%arg0, %arg1, %mul3A_25, %dma_start3A_26] : memref<2x16x160x128xi32, #tpu.memory_space<hbm>> -> memref<1x1x80x128xi32, #tpu.memory_space<hbm>>
      %dma_start3A_28 = tpu.memref_squeeze %dma_start3A_27 : memref<1x1x80x128xi32, #tpu.memory_space<hbm>> -> memref<80x128xi32, #tpu.memory_space<hbm>>
      %dma_start3A_29 = arith.constant 0 : i32
      %dma_start3A_30 = tpu.memref_slice %arg3[%arg0, %arg1, %mul3A_25, %dma_start3A_29] : memref<2x16x160x128xi32, #tpu.memory_space<hbm>> -> memref<1x1x80x128xi32, #tpu.memory_space<hbm>>
      %dma_start3A_31 = tpu.memref_squeeze %dma_start3A_30 : memref<1x1x80x128xi32, #tpu.memory_space<hbm>> -> memref<80x128xi32, #tpu.memory_space<hbm>>
      tpu.enqueue_dma source(%dma_start3A_31 : memref<80x128xi32, #tpu.memory_space<hbm>>) target(%arg7 : memref<80x128xi32, #tpu.memory_space<vmem>>) target_semaphore(%arg18 : memref<!tpu.dma_semaphore, #tpu.memory_space<semaphore_mem>>)
      %dma_start3A_32 = arith.constant 0 : i32
      %dma_start3A_33 = tpu.memref_slice %arg4[%arg1, %mul3A_25, %dma_start3A_32] : memref<16x160x128xi32, #tpu.memory_space<hbm>> -> memref<1x80x128xi32, #tpu.memory_space<hbm>>
      %dma_start3A_34 = tpu.memref_squeeze %dma_start3A_33 : memref<1x80x128xi32, #tpu.memory_space<hbm>> -> memref<80x128xi32, #tpu.memory_space<hbm>>
      %dma_start3A_35 = arith.constant 0 : i32
      %dma_start3A_36 = tpu.memref_slice %arg4[%arg1, %mul3A_25, %dma_start3A_35] : memref<16x160x128xi32, #tpu.memory_space<hbm>> -> memref<1x80x128xi32, #tpu.memory_space<hbm>>
      %dma_start3A_37 = tpu.memref_squeeze %dma_start3A_36 : memref<1x80x128xi32, #tpu.memory_space<hbm>> -> memref<80x128xi32, #tpu.memory_space<hbm>>
      tpu.enqueue_dma source(%dma_start3A_37 : memref<80x128xi32, #tpu.memory_space<hbm>>) target(%arg8 : memref<80x128xi32, #tpu.memory_space<vmem>>) target_semaphore(%arg19 : memref<!tpu.dma_semaphore, #tpu.memory_space<semaphore_mem>>)
      %dma_wait3A_38 = arith.constant 0 : i32
      %dma_wait3A_39 = tpu.memref_slice %arg3[%arg0, %arg1, %mul3A_25, %dma_wait3A_38] : memref<2x16x160x128xi32, #tpu.memory_space<hbm>> -> memref<1x1x80x128xi32, #tpu.memory_space<hbm>>
      %dma_wait3A_40 = tpu.memref_squeeze %dma_wait3A_39 : memref<1x1x80x128xi32, #tpu.memory_space<hbm>> -> memref<80x128xi32, #tpu.memory_space<hbm>>
      %dma_wait3A_41 = arith.constant 0 : i32
      %dma_wait3A_42 = tpu.memref_slice %arg3[%arg0, %arg1, %mul3A_25, %dma_wait3A_41] : memref<2x16x160x128xi32, #tpu.memory_space<hbm>> -> memref<1x1x80x128xi32, #tpu.memory_space<hbm>>
      %dma_wait3A_43 = tpu.memref_squeeze %dma_wait3A_42 : memref<1x1x80x128xi32, #tpu.memory_space<hbm>> -> memref<80x128xi32, #tpu.memory_space<hbm>>
      tpu.wait_dma2 semaphore(%arg18 : memref<!tpu.dma_semaphore, #tpu.memory_space<semaphore_mem>>) src(%dma_wait3A_43 : memref<80x128xi32, #tpu.memory_space<hbm>>) dst(%arg7 : memref<80x128xi32, #tpu.memory_space<vmem>>)
      %dma_wait3A_44 = arith.constant 0 : i32
      %dma_wait3A_45 = tpu.memref_slice %arg4[%arg1, %mul3A_25, %dma_wait3A_44] : memref<16x160x128xi32, #tpu.memory_space<hbm>> -> memref<1x80x128xi32, #tpu.memory_space<hbm>>
      %dma_wait3A_46 = tpu.memref_squeeze %dma_wait3A_45 : memref<1x80x128xi32, #tpu.memory_space<hbm>> -> memref<80x128xi32, #tpu.memory_space<hbm>>
      %dma_wait3A_47 = arith.constant 0 : i32
      %dma_wait3A_48 = tpu.memref_slice %arg4[%arg1, %mul3A_25, %dma_wait3A_47] : memref<16x160x128xi32, #tpu.memory_space<hbm>> -> memref<1x80x128xi32, #tpu.memory_space<hbm>>
      %dma_wait3A_49 = tpu.memref_squeeze %dma_wait3A_48 : memref<1x80x128xi32, #tpu.memory_space<hbm>> -> memref<80x128xi32, #tpu.memory_space<hbm>>
      tpu.wait_dma2 semaphore(%arg19 : memref<!tpu.dma_semaphore, #tpu.memory_space<semaphore_mem>>) src(%dma_wait3A_49 : memref<80x128xi32, #tpu.memory_space<hbm>>) dst(%arg8 : memref<80x128xi32, #tpu.memory_space<vmem>>)
      %dma_start3A_50 = arith.constant 0 : i32
      %dma_start3A_51 = arith.constant 0 : i32
      %dma_start3A_52 = tpu.memref_slice %arg7[%dma_start3A_50, %dma_start3A_51] : memref<80x128xi32, #tpu.memory_space<vmem>> -> memref<1x128xi32, #tpu.memory_space<vmem>>
      %dma_start3A_53 = tpu.memref_squeeze %dma_start3A_52 : memref<1x128xi32, #tpu.memory_space<vmem>> -> memref<128xi32, #tpu.memory_space<vmem>>
      %dma_start3A_54 = arith.constant 0 : i32
      %dma_start3A_55 = arith.constant 0 : i32
      %dma_start3A_56 = tpu.memref_slice %arg2[%dma_start3A_54, %dma_start3A_55] : memref<20480x64xf32, #tpu.memory_space<hbm>> -> memref<20480x64xf32, #tpu.memory_space<hbm>>
      tpu.enqueue_indirect_dma source(%dma_start3A_56 : memref<20480x64xf32, #tpu.memory_space<hbm>>) target(%arg9 : memref<128x64xf32, #tpu.memory_space<vmem>>) offsets(%dma_start3A_53 : memref<128xi32, #tpu.memory_space<vmem>>) semaphore(%arg18 : memref<!tpu.dma_semaphore, #tpu.memory_space<semaphore_mem>>)
      %dma_start3A_57 = arith.constant 1 : i32
      %dma_start3A_58 = arith.constant 0 : i32
      %dma_start3A_59 = tpu.memref_slice %arg7[%dma_start3A_57, %dma_start3A_58] : memref<80x128xi32, #tpu.memory_space<vmem>> -> memref<1x128xi32, #tpu.memory_space<vmem>>
      %dma_start3A_60 = tpu.memref_squeeze %dma_start3A_59 : memref<1x128xi32, #tpu.memory_space<vmem>> -> memref<128xi32, #tpu.memory_space<vmem>>
      %dma_start3A_61 = arith.constant 0 : i32
      %dma_start3A_62 = arith.constant 0 : i32
      %dma_start3A_63 = tpu.memref_slice %arg2[%dma_start3A_61, %dma_start3A_62] : memref<20480x64xf32, #tpu.memory_space<hbm>> -> memref<20480x64xf32, #tpu.memory_space<hbm>>
      tpu.enqueue_indirect_dma source(%dma_start3A_63 : memref<20480x64xf32, #tpu.memory_space<hbm>>) target(%arg10 : memref<128x64xf32, #tpu.memory_space<vmem>>) offsets(%dma_start3A_60 : memref<128xi32, #tpu.memory_space<vmem>>) semaphore(%arg19 : memref<!tpu.dma_semaphore, #tpu.memory_space<semaphore_mem>>)
      %dma_start3A_64 = arith.constant 2 : i32
      %dma_start3A_65 = arith.constant 0 : i32
      %dma_start3A_66 = tpu.memref_slice %arg7[%dma_start3A_64, %dma_start3A_65] : memref<80x128xi32, #tpu.memory_space<vmem>> -> memref<1x128xi32, #tpu.memory_space<vmem>>
      %dma_start3A_67 = tpu.memref_squeeze %dma_start3A_66 : memref<1x128xi32, #tpu.memory_space<vmem>> -> memref<128xi32, #tpu.memory_space<vmem>>
      %dma_start3A_68 = arith.constant 0 : i32
      %dma_start3A_69 = arith.constant 0 : i32
      %dma_start3A_70 = tpu.memref_slice %arg2[%dma_start3A_68, %dma_start3A_69] : memref<20480x64xf32, #tpu.memory_space<hbm>> -> memref<20480x64xf32, #tpu.memory_space<hbm>>
      tpu.enqueue_indirect_dma source(%dma_start3A_70 : memref<20480x64xf32, #tpu.memory_space<hbm>>) target(%arg11 : memref<128x64xf32, #tpu.memory_space<vmem>>) offsets(%dma_start3A_67 : memref<128xi32, #tpu.memory_space<vmem>>) semaphore(%arg20 : memref<!tpu.dma_semaphore, #tpu.memory_space<semaphore_mem>>)
      %dma_start3A_71 = arith.constant 3 : i32
      %dma_start3A_72 = arith.constant 0 : i32
      %dma_start3A_73 = tpu.memref_slice %arg7[%dma_start3A_71, %dma_start3A_72] : memref<80x128xi32, #tpu.memory_space<vmem>> -> memref<1x128xi32, #tpu.memory_space<vmem>>
      %dma_start3A_74 = tpu.memref_squeeze %dma_start3A_73 : memref<1x128xi32, #tpu.memory_space<vmem>> -> memref<128xi32, #tpu.memory_space<vmem>>
      %dma_start3A_75 = arith.constant 0 : i32
      %dma_start3A_76 = arith.constant 0 : i32
      %dma_start3A_77 = tpu.memref_slice %arg2[%dma_start3A_75, %dma_start3A_76] : memref<20480x64xf32, #tpu.memory_space<hbm>> -> memref<20480x64xf32, #tpu.memory_space<hbm>>
      tpu.enqueue_indirect_dma source(%dma_start3A_77 : memref<20480x64xf32, #tpu.memory_space<hbm>>) target(%arg12 : memref<128x64xf32, #tpu.memory_space<vmem>>) offsets(%dma_start3A_74 : memref<128xi32, #tpu.memory_space<vmem>>) semaphore(%arg21 : memref<!tpu.dma_semaphore, #tpu.memory_space<semaphore_mem>>)
      %scan3A_78 = arith.constant 0 : i32
      %scan3A_79 = arith.constant 10 : i32
      %scan3A_80 = arith.addi %scan3A_78, %scan3A_79 : i32
      %scan3A_81 = arith.constant 1 : i32
      scf.for %scan3A_111 = %scan3A_78 to %scan3A_80 step %scan3A_81  : i32 {
        %mul3A_112 = arith.constant 1 : i32
        %mul3A_113 = arith.muli %scan3A_111, %mul3A_112 : i32
        %add3A_114 = arith.constant 0 : i32
        %add3A_115 = arith.addi %add3A_114, %mul3A_113 : i32
        %mul3A_116 = arith.constant 8 : i32
        %mul3A_117 = arith.muli %mul3A_116, %add3A_115 : i32
        %add3A_118 = arith.constant 0 : i32
        %add3A_119 = arith.addi %mul3A_117, %add3A_118 : i32
        %ge3A = arith.constant 4 : i32
        %ge3A_120 = arith.cmpi sge, %add3A_119, %ge3A : i32
        %convert_element_type3A = arith.extui %ge3A_120 : i1 to i32
        %cond3A = arith.constant 0 : i32
        %cond3A_121 = arith.cmpi ne, %convert_element_type3A, %cond3A : i32
        scf.if %cond3A_121 {
          %sub3A = arith.constant 4 : i32
          %sub3A_322 = arith.subi %add3A_119, %sub3A : i32
          %dma_wait3A_323 = arith.constant 0 : i32
          %dma_wait3A_324 = tpu.memref_slice %arg8[%sub3A_322, %dma_wait3A_323] : memref<80x128xi32, #tpu.memory_space<vmem>> -> memref<1x128xi32, #tpu.memory_space<vmem>>
          %dma_wait3A_325 = tpu.memref_squeeze %dma_wait3A_324 : memref<1x128xi32, #tpu.memory_space<vmem>> -> memref<128xi32, #tpu.memory_space<vmem>>
          %dma_wait3A_326 = arith.constant 0 : i32
          %dma_wait3A_327 = arith.constant 0 : i32
          %dma_wait3A_328 = tpu.memref_slice %arg17[%dma_wait3A_326, %dma_wait3A_327] : memref<10240x64xf32, #tpu.memory_space<vmem_shared>> -> memref<10240x64xf32, #tpu.memory_space<vmem_shared>>
          tpu.wait_indirect_dma semaphore(%arg30 : memref<!tpu.dma_semaphore, #tpu.memory_space<semaphore_mem>>) src(%arg13 : memref<128x64xf32, #tpu.memory_space<vmem>>) dst(%dma_wait3A_328 : memref<10240x64xf32, #tpu.memory_space<vmem_shared>>)
        } else {
        }
        %add3A_122 = arith.constant 4 : i32
        %add3A_123 = arith.addi %add3A_119, %add3A_122 : i32
        %lt3A = arith.constant 80 : i32
        %lt3A_124 = arith.cmpi slt, %add3A_123, %lt3A : i32
        %convert_element_type3A_125 = arith.extui %lt3A_124 : i1 to i32
        %cond3A_126 = arith.constant 0 : i32
        %cond3A_127 = arith.cmpi ne, %convert_element_type3A_125, %cond3A_126 : i32
        scf.if %cond3A_127 {
          %add3A_322 = arith.constant 4 : i32
          %add3A_323 = arith.addi %add3A_119, %add3A_322 : i32
          %dma_start3A_324 = arith.constant 0 : i32
          %dma_start3A_325 = tpu.memref_slice %arg7[%add3A_323, %dma_start3A_324] : memref<80x128xi32, #tpu.memory_space<vmem>> -> memref<1x128xi32, #tpu.memory_space<vmem>>
          %dma_start3A_326 = tpu.memref_squeeze %dma_start3A_325 : memref<1x128xi32, #tpu.memory_space<vmem>> -> memref<128xi32, #tpu.memory_space<vmem>>
          %dma_start3A_327 = arith.constant 0 : i32
          %dma_start3A_328 = arith.constant 0 : i32
          %dma_start3A_329 = tpu.memref_slice %arg2[%dma_start3A_327, %dma_start3A_328] : memref<20480x64xf32, #tpu.memory_space<hbm>> -> memref<20480x64xf32, #tpu.memory_space<hbm>>
          tpu.enqueue_indirect_dma source(%dma_start3A_329 : memref<20480x64xf32, #tpu.memory_space<hbm>>) target(%arg13 : memref<128x64xf32, #tpu.memory_space<vmem>>) offsets(%dma_start3A_326 : memref<128xi32, #tpu.memory_space<vmem>>) semaphore(%arg22 : memref<!tpu.dma_semaphore, #tpu.memory_space<semaphore_mem>>)
        } else {
        }
        %dma_wait3A_128 = arith.constant 0 : i32
        %dma_wait3A_129 = tpu.memref_slice %arg7[%add3A_119, %dma_wait3A_128] : memref<80x128xi32, #tpu.memory_space<vmem>> -> memref<1x128xi32, #tpu.memory_space<vmem>>
        %dma_wait3A_130 = tpu.memref_squeeze %dma_wait3A_129 : memref<1x128xi32, #tpu.memory_space<vmem>> -> memref<128xi32, #tpu.memory_space<vmem>>
        %dma_wait3A_131 = arith.constant 0 : i32
        %dma_wait3A_132 = arith.constant 0 : i32
        %dma_wait3A_133 = tpu.memref_slice %arg2[%dma_wait3A_131, %dma_wait3A_132] : memref<20480x64xf32, #tpu.memory_space<hbm>> -> memref<20480x64xf32, #tpu.memory_space<hbm>>
        tpu.wait_indirect_dma semaphore(%arg18 : memref<!tpu.dma_semaphore, #tpu.memory_space<semaphore_mem>>) src(%dma_wait3A_133 : memref<20480x64xf32, #tpu.memory_space<hbm>>) dst(%arg9 : memref<128x64xf32, #tpu.memory_space<vmem>>)
        %dma_start3A_134 = arith.constant 0 : i32
        %dma_start3A_135 = tpu.memref_slice %arg8[%add3A_119, %dma_start3A_134] : memref<80x128xi32, #tpu.memory_space<vmem>> -> memref<1x128xi32, #tpu.memory_space<vmem>>
        %dma_start3A_136 = tpu.memref_squeeze %dma_start3A_135 : memref<1x128xi32, #tpu.memory_space<vmem>> -> memref<128xi32, #tpu.memory_space<vmem>>
        %dma_start3A_137 = arith.constant 0 : i32
        %dma_start3A_138 = arith.constant 0 : i32
        %dma_start3A_139 = tpu.memref_slice %arg17[%dma_start3A_137, %dma_start3A_138] : memref<10240x64xf32, #tpu.memory_space<vmem_shared>> -> memref<10240x64xf32, #tpu.memory_space<vmem_shared>>
        tpu.enqueue_indirect_dma source(%arg9 : memref<128x64xf32, #tpu.memory_space<vmem>>) target(%dma_start3A_139 : memref<10240x64xf32, #tpu.memory_space<vmem_shared>>) offsets(%dma_start3A_136 : memref<128xi32, #tpu.memory_space<vmem>>) semaphore(%arg26 : memref<!tpu.dma_semaphore, #tpu.memory_space<semaphore_mem>>) {add = true}
        %add3A_140 = arith.constant 1 : i32
        %add3A_141 = arith.addi %mul3A_117, %add3A_140 : i32
        %ge3A_142 = arith.constant 4 : i32
        %ge3A_143 = arith.cmpi sge, %add3A_141, %ge3A_142 : i32
        %convert_element_type3A_144 = arith.extui %ge3A_143 : i1 to i32
        %cond3A_145 = arith.constant 0 : i32
        %cond3A_146 = arith.cmpi ne, %convert_element_type3A_144, %cond3A_145 : i32
        scf.if %cond3A_146 {
          %sub3A = arith.constant 4 : i32
          %sub3A_322 = arith.subi %add3A_141, %sub3A : i32
          %dma_wait3A_323 = arith.constant 0 : i32
          %dma_wait3A_324 = tpu.memref_slice %arg8[%sub3A_322, %dma_wait3A_323] : memref<80x128xi32, #tpu.memory_space<vmem>> -> memref<1x128xi32, #tpu.memory_space<vmem>>
          %dma_wait3A_325 = tpu.memref_squeeze %dma_wait3A_324 : memref<1x128xi32, #tpu.memory_space<vmem>> -> memref<128xi32, #tpu.memory_space<vmem>>
          %dma_wait3A_326 = arith.constant 0 : i32
          %dma_wait3A_327 = arith.constant 0 : i32
          %dma_wait3A_328 = tpu.memref_slice %arg17[%dma_wait3A_326, %dma_wait3A_327] : memref<10240x64xf32, #tpu.memory_space<vmem_shared>> -> memref<10240x64xf32, #tpu.memory_space<vmem_shared>>
          tpu.wait_indirect_dma semaphore(%arg31 : memref<!tpu.dma_semaphore, #tpu.memory_space<semaphore_mem>>) src(%arg14 : memref<128x64xf32, #tpu.memory_space<vmem>>) dst(%dma_wait3A_328 : memref<10240x64xf32, #tpu.memory_space<vmem_shared>>)
        } else {
        }
        %add3A_147 = arith.constant 4 : i32
        %add3A_148 = arith.addi %add3A_141, %add3A_147 : i32
        %lt3A_149 = arith.constant 80 : i32
        %lt3A_150 = arith.cmpi slt, %add3A_148, %lt3A_149 : i32
        %convert_element_type3A_151 = arith.extui %lt3A_150 : i1 to i32
        %cond3A_152 = arith.constant 0 : i32
        %cond3A_153 = arith.cmpi ne, %convert_element_type3A_151, %cond3A_152 : i32
        scf.if %cond3A_153 {
          %add3A_322 = arith.constant 4 : i32
          %add3A_323 = arith.addi %add3A_141, %add3A_322 : i32
          %dma_start3A_324 = arith.constant 0 : i32
          %dma_start3A_325 = tpu.memref_slice %arg7[%add3A_323, %dma_start3A_324] : memref<80x128xi32, #tpu.memory_space<vmem>> -> memref<1x128xi32, #tpu.memory_space<vmem>>
          %dma_start3A_326 = tpu.memref_squeeze %dma_start3A_325 : memref<1x128xi32, #tpu.memory_space<vmem>> -> memref<128xi32, #tpu.memory_space<vmem>>
          %dma_start3A_327 = arith.constant 0 : i32
          %dma_start3A_328 = arith.constant 0 : i32
          %dma_start3A_329 = tpu.memref_slice %arg2[%dma_start3A_327, %dma_start3A_328] : memref<20480x64xf32, #tpu.memory_space<hbm>> -> memref<20480x64xf32, #tpu.memory_space<hbm>>
          tpu.enqueue_indirect_dma source(%dma_start3A_329 : memref<20480x64xf32, #tpu.memory_space<hbm>>) target(%arg14 : memref<128x64xf32, #tpu.memory_space<vmem>>) offsets(%dma_start3A_326 : memref<128xi32, #tpu.memory_space<vmem>>) semaphore(%arg23 : memref<!tpu.dma_semaphore, #tpu.memory_space<semaphore_mem>>)
        } else {
        }
        %dma_wait3A_154 = arith.constant 0 : i32
        %dma_wait3A_155 = tpu.memref_slice %arg7[%add3A_141, %dma_wait3A_154] : memref<80x128xi32, #tpu.memory_space<vmem>> -> memref<1x128xi32, #tpu.memory_space<vmem>>
        %dma_wait3A_156 = tpu.memref_squeeze %dma_wait3A_155 : memref<1x128xi32, #tpu.memory_space<vmem>> -> memref<128xi32, #tpu.memory_space<vmem>>
        %dma_wait3A_157 = arith.constant 0 : i32
        %dma_wait3A_158 = arith.constant 0 : i32
        %dma_wait3A_159 = tpu.memref_slice %arg2[%dma_wait3A_157, %dma_wait3A_158] : memref<20480x64xf32, #tpu.memory_space<hbm>> -> memref<20480x64xf32, #tpu.memory_space<hbm>>
        tpu.wait_indirect_dma semaphore(%arg19 : memref<!tpu.dma_semaphore, #tpu.memory_space<semaphore_mem>>) src(%dma_wait3A_159 : memref<20480x64xf32, #tpu.memory_space<hbm>>) dst(%arg10 : memref<128x64xf32, #tpu.memory_space<vmem>>)
        %dma_start3A_160 = arith.constant 0 : i32
        %dma_start3A_161 = tpu.memref_slice %arg8[%add3A_141, %dma_start3A_160] : memref<80x128xi32, #tpu.memory_space<vmem>> -> memref<1x128xi32, #tpu.memory_space<vmem>>
        %dma_start3A_162 = tpu.memref_squeeze %dma_start3A_161 : memref<1x128xi32, #tpu.memory_space<vmem>> -> memref<128xi32, #tpu.memory_space<vmem>>
        %dma_start3A_163 = arith.constant 0 : i32
        %dma_start3A_164 = arith.constant 0 : i32
        %dma_start3A_165 = tpu.memref_slice %arg17[%dma_start3A_163, %dma_start3A_164] : memref<10240x64xf32, #tpu.memory_space<vmem_shared>> -> memref<10240x64xf32, #tpu.memory_space<vmem_shared>>
        tpu.enqueue_indirect_dma source(%arg10 : memref<128x64xf32, #tpu.memory_space<vmem>>) target(%dma_start3A_165 : memref<10240x64xf32, #tpu.memory_space<vmem_shared>>) offsets(%dma_start3A_162 : memref<128xi32, #tpu.memory_space<vmem>>) semaphore(%arg27 : memref<!tpu.dma_semaphore, #tpu.memory_space<semaphore_mem>>) {add = true}
        %add3A_166 = arith.constant 2 : i32
        %add3A_167 = arith.addi %mul3A_117, %add3A_166 : i32
        %ge3A_168 = arith.constant 4 : i32
        %ge3A_169 = arith.cmpi sge, %add3A_167, %ge3A_168 : i32
        %convert_element_type3A_170 = arith.extui %ge3A_169 : i1 to i32
        %cond3A_171 = arith.constant 0 : i32
        %cond3A_172 = arith.cmpi ne, %convert_element_type3A_170, %cond3A_171 : i32
        scf.if %cond3A_172 {
          %sub3A = arith.constant 4 : i32
          %sub3A_322 = arith.subi %add3A_167, %sub3A : i32
          %dma_wait3A_323 = arith.constant 0 : i32
          %dma_wait3A_324 = tpu.memref_slice %arg8[%sub3A_322, %dma_wait3A_323] : memref<80x128xi32, #tpu.memory_space<vmem>> -> memref<1x128xi32, #tpu.memory_space<vmem>>
          %dma_wait3A_325 = tpu.memref_squeeze %dma_wait3A_324 : memref<1x128xi32, #tpu.memory_space<vmem>> -> memref<128xi32, #tpu.memory_space<vmem>>
          %dma_wait3A_326 = arith.constant 0 : i32
          %dma_wait3A_327 = arith.constant 0 : i32
          %dma_wait3A_328 = tpu.memref_slice %arg17[%dma_wait3A_326, %dma_wait3A_327] : memref<10240x64xf32, #tpu.memory_space<vmem_shared>> -> memref<10240x64xf32, #tpu.memory_space<vmem_shared>>
          tpu.wait_indirect_dma semaphore(%arg32 : memref<!tpu.dma_semaphore, #tpu.memory_space<semaphore_mem>>) src(%arg15 : memref<128x64xf32, #tpu.memory_space<vmem>>) dst(%dma_wait3A_328 : memref<10240x64xf32, #tpu.memory_space<vmem_shared>>)
        } else {
        }
        %add3A_173 = arith.constant 4 : i32
        %add3A_174 = arith.addi %add3A_167, %add3A_173 : i32
        %lt3A_175 = arith.constant 80 : i32
        %lt3A_176 = arith.cmpi slt, %add3A_174, %lt3A_175 : i32
        %convert_element_type3A_177 = arith.extui %lt3A_176 : i1 to i32
        %cond3A_178 = arith.constant 0 : i32
        %cond3A_179 = arith.cmpi ne, %convert_element_type3A_177, %cond3A_178 : i32
        scf.if %cond3A_179 {
          %add3A_322 = arith.constant 4 : i32
          %add3A_323 = arith.addi %add3A_167, %add3A_322 : i32
          %dma_start3A_324 = arith.constant 0 : i32
          %dma_start3A_325 = tpu.memref_slice %arg7[%add3A_323, %dma_start3A_324] : memref<80x128xi32, #tpu.memory_space<vmem>> -> memref<1x128xi32, #tpu.memory_space<vmem>>
          %dma_start3A_326 = tpu.memref_squeeze %dma_start3A_325 : memref<1x128xi32, #tpu.memory_space<vmem>> -> memref<128xi32, #tpu.memory_space<vmem>>
          %dma_start3A_327 = arith.constant 0 : i32
          %dma_start3A_328 = arith.constant 0 : i32
          %dma_start3A_329 = tpu.memref_slice %arg2[%dma_start3A_327, %dma_start3A_328] : memref<20480x64xf32, #tpu.memory_space<hbm>> -> memref<20480x64xf32, #tpu.memory_space<hbm>>
          tpu.enqueue_indirect_dma source(%dma_start3A_329 : memref<20480x64xf32, #tpu.memory_space<hbm>>) target(%arg15 : memref<128x64xf32, #tpu.memory_space<vmem>>) offsets(%dma_start3A_326 : memref<128xi32, #tpu.memory_space<vmem>>) semaphore(%arg24 : memref<!tpu.dma_semaphore, #tpu.memory_space<semaphore_mem>>)
        } else {
        }
        %dma_wait3A_180 = arith.constant 0 : i32
        %dma_wait3A_181 = tpu.memref_slice %arg7[%add3A_167, %dma_wait3A_180] : memref<80x128xi32, #tpu.memory_space<vmem>> -> memref<1x128xi32, #tpu.memory_space<vmem>>
        %dma_wait3A_182 = tpu.memref_squeeze %dma_wait3A_181 : memref<1x128xi32, #tpu.memory_space<vmem>> -> memref<128xi32, #tpu.memory_space<vmem>>
        %dma_wait3A_183 = arith.constant 0 : i32
        %dma_wait3A_184 = arith.constant 0 : i32
        %dma_wait3A_185 = tpu.memref_slice %arg2[%dma_wait3A_183, %dma_wait3A_184] : memref<20480x64xf32, #tpu.memory_space<hbm>> -> memref<20480x64xf32, #tpu.memory_space<hbm>>
        tpu.wait_indirect_dma semaphore(%arg20 : memref<!tpu.dma_semaphore, #tpu.memory_space<semaphore_mem>>) src(%dma_wait3A_185 : memref<20480x64xf32, #tpu.memory_space<hbm>>) dst(%arg11 : memref<128x64xf32, #tpu.memory_space<vmem>>)
        %dma_start3A_186 = arith.constant 0 : i32
        %dma_start3A_187 = tpu.memref_slice %arg8[%add3A_167, %dma_start3A_186] : memref<80x128xi32, #tpu.memory_space<vmem>> -> memref<1x128xi32, #tpu.memory_space<vmem>>
        %dma_start3A_188 = tpu.memref_squeeze %dma_start3A_187 : memref<1x128xi32, #tpu.memory_space<vmem>> -> memref<128xi32, #tpu.memory_space<vmem>>
        %dma_start3A_189 = arith.constant 0 : i32
        %dma_start3A_190 = arith.constant 0 : i32
        %dma_start3A_191 = tpu.memref_slice %arg17[%dma_start3A_189, %dma_start3A_190] : memref<10240x64xf32, #tpu.memory_space<vmem_shared>> -> memref<10240x64xf32, #tpu.memory_space<vmem_shared>>
        tpu.enqueue_indirect_dma source(%arg11 : memref<128x64xf32, #tpu.memory_space<vmem>>) target(%dma_start3A_191 : memref<10240x64xf32, #tpu.memory_space<vmem_shared>>) offsets(%dma_start3A_188 : memref<128xi32, #tpu.memory_space<vmem>>) semaphore(%arg28 : memref<!tpu.dma_semaphore, #tpu.memory_space<semaphore_mem>>) {add = true}
        %add3A_192 = arith.constant 3 : i32
        %add3A_193 = arith.addi %mul3A_117, %add3A_192 : i32
        %ge3A_194 = arith.constant 4 : i32
        %ge3A_195 = arith.cmpi sge, %add3A_193, %ge3A_194 : i32
        %convert_element_type3A_196 = arith.extui %ge3A_195 : i1 to i32
        %cond3A_197 = arith.constant 0 : i32
        %cond3A_198 = arith.cmpi ne, %convert_element_type3A_196, %cond3A_197 : i32
        scf.if %cond3A_198 {
          %sub3A = arith.constant 4 : i32
          %sub3A_322 = arith.subi %add3A_193, %sub3A : i32
          %dma_wait3A_323 = arith.constant 0 : i32
          %dma_wait3A_324 = tpu.memref_slice %arg8[%sub3A_322, %dma_wait3A_323] : memref<80x128xi32, #tpu.memory_space<vmem>> -> memref<1x128xi32, #tpu.memory_space<vmem>>
          %dma_wait3A_325 = tpu.memref_squeeze %dma_wait3A_324 : memref<1x128xi32, #tpu.memory_space<vmem>> -> memref<128xi32, #tpu.memory_space<vmem>>
          %dma_wait3A_326 = arith.constant 0 : i32
          %dma_wait3A_327 = arith.constant 0 : i32
          %dma_wait3A_328 = tpu.memref_slice %arg17[%dma_wait3A_326, %dma_wait3A_327] : memref<10240x64xf32, #tpu.memory_space<vmem_shared>> -> memref<10240x64xf32, #tpu.memory_space<vmem_shared>>
          tpu.wait_indirect_dma semaphore(%arg33 : memref<!tpu.dma_semaphore, #tpu.memory_space<semaphore_mem>>) src(%arg16 : memref<128x64xf32, #tpu.memory_space<vmem>>) dst(%dma_wait3A_328 : memref<10240x64xf32, #tpu.memory_space<vmem_shared>>)
        } else {
        }
        %add3A_199 = arith.constant 4 : i32
        %add3A_200 = arith.addi %add3A_193, %add3A_199 : i32
        %lt3A_201 = arith.constant 80 : i32
        %lt3A_202 = arith.cmpi slt, %add3A_200, %lt3A_201 : i32
        %convert_element_type3A_203 = arith.extui %lt3A_202 : i1 to i32
        %cond3A_204 = arith.constant 0 : i32
        %cond3A_205 = arith.cmpi ne, %convert_element_type3A_203, %cond3A_204 : i32
        scf.if %cond3A_205 {
          %add3A_322 = arith.constant 4 : i32
          %add3A_323 = arith.addi %add3A_193, %add3A_322 : i32
          %dma_start3A_324 = arith.constant 0 : i32
          %dma_start3A_325 = tpu.memref_slice %arg7[%add3A_323, %dma_start3A_324] : memref<80x128xi32, #tpu.memory_space<vmem>> -> memref<1x128xi32, #tpu.memory_space<vmem>>
          %dma_start3A_326 = tpu.memref_squeeze %dma_start3A_325 : memref<1x128xi32, #tpu.memory_space<vmem>> -> memref<128xi32, #tpu.memory_space<vmem>>
          %dma_start3A_327 = arith.constant 0 : i32
          %dma_start3A_328 = arith.constant 0 : i32
          %dma_start3A_329 = tpu.memref_slice %arg2[%dma_start3A_327, %dma_start3A_328] : memref<20480x64xf32, #tpu.memory_space<hbm>> -> memref<20480x64xf32, #tpu.memory_space<hbm>>
          tpu.enqueue_indirect_dma source(%dma_start3A_329 : memref<20480x64xf32, #tpu.memory_space<hbm>>) target(%arg16 : memref<128x64xf32, #tpu.memory_space<vmem>>) offsets(%dma_start3A_326 : memref<128xi32, #tpu.memory_space<vmem>>) semaphore(%arg25 : memref<!tpu.dma_semaphore, #tpu.memory_space<semaphore_mem>>)
        } else {
        }
        %dma_wait3A_206 = arith.constant 0 : i32
        %dma_wait3A_207 = tpu.memref_slice %arg7[%add3A_193, %dma_wait3A_206] : memref<80x128xi32, #tpu.memory_space<vmem>> -> memref<1x128xi32, #tpu.memory_space<vmem>>
        %dma_wait3A_208 = tpu.memref_squeeze %dma_wait3A_207 : memref<1x128xi32, #tpu.memory_space<vmem>> -> memref<128xi32, #tpu.memory_space<vmem>>
        %dma_wait3A_209 = arith.constant 0 : i32
        %dma_wait3A_210 = arith.constant 0 : i32
        %dma_wait3A_211 = tpu.memref_slice %arg2[%dma_wait3A_209, %dma_wait3A_210] : memref<20480x64xf32, #tpu.memory_space<hbm>> -> memref<20480x64xf32, #tpu.memory_space<hbm>>
        tpu.wait_indirect_dma semaphore(%arg21 : memref<!tpu.dma_semaphore, #tpu.memory_space<semaphore_mem>>) src(%dma_wait3A_211 : memref<20480x64xf32, #tpu.memory_space<hbm>>) dst(%arg12 : memref<128x64xf32, #tpu.memory_space<vmem>>)
        %dma_start3A_212 = arith.constant 0 : i32
        %dma_start3A_213 = tpu.memref_slice %arg8[%add3A_193, %dma_start3A_212] : memref<80x128xi32, #tpu.memory_space<vmem>> -> memref<1x128xi32, #tpu.memory_space<vmem>>
        %dma_start3A_214 = tpu.memref_squeeze %dma_start3A_213 : memref<1x128xi32, #tpu.memory_space<vmem>> -> memref<128xi32, #tpu.memory_space<vmem>>
        %dma_start3A_215 = arith.constant 0 : i32
        %dma_start3A_216 = arith.constant 0 : i32
        %dma_start3A_217 = tpu.memref_slice %arg17[%dma_start3A_215, %dma_start3A_216] : memref<10240x64xf32, #tpu.memory_space<vmem_shared>> -> memref<10240x64xf32, #tpu.memory_space<vmem_shared>>
        tpu.enqueue_indirect_dma source(%arg12 : memref<128x64xf32, #tpu.memory_space<vmem>>) target(%dma_start3A_217 : memref<10240x64xf32, #tpu.memory_space<vmem_shared>>) offsets(%dma_start3A_214 : memref<128xi32, #tpu.memory_space<vmem>>) semaphore(%arg29 : memref<!tpu.dma_semaphore, #tpu.memory_space<semaphore_mem>>) {add = true}
        %add3A_218 = arith.constant 4 : i32
        %add3A_219 = arith.addi %mul3A_117, %add3A_218 : i32
        %ge3A_220 = arith.constant 4 : i32
        %ge3A_221 = arith.cmpi sge, %add3A_219, %ge3A_220 : i32
        %convert_element_type3A_222 = arith.extui %ge3A_221 : i1 to i32
        %cond3A_223 = arith.constant 0 : i32
        %cond3A_224 = arith.cmpi ne, %convert_element_type3A_222, %cond3A_223 : i32
        scf.if %cond3A_224 {
          %sub3A = arith.constant 4 : i32
          %sub3A_322 = arith.subi %add3A_219, %sub3A : i32
          %dma_wait3A_323 = arith.constant 0 : i32
          %dma_wait3A_324 = tpu.memref_slice %arg8[%sub3A_322, %dma_wait3A_323] : memref<80x128xi32, #tpu.memory_space<vmem>> -> memref<1x128xi32, #tpu.memory_space<vmem>>
          %dma_wait3A_325 = tpu.memref_squeeze %dma_wait3A_324 : memref<1x128xi32, #tpu.memory_space<vmem>> -> memref<128xi32, #tpu.memory_space<vmem>>
          %dma_wait3A_326 = arith.constant 0 : i32
          %dma_wait3A_327 = arith.constant 0 : i32
          %dma_wait3A_328 = tpu.memref_slice %arg17[%dma_wait3A_326, %dma_wait3A_327] : memref<10240x64xf32, #tpu.memory_space<vmem_shared>> -> memref<10240x64xf32, #tpu.memory_space<vmem_shared>>
          tpu.wait_indirect_dma semaphore(%arg26 : memref<!tpu.dma_semaphore, #tpu.memory_space<semaphore_mem>>) src(%arg9 : memref<128x64xf32, #tpu.memory_space<vmem>>) dst(%dma_wait3A_328 : memref<10240x64xf32, #tpu.memory_space<vmem_shared>>)
        } else {
        }
        %add3A_225 = arith.constant 4 : i32
        %add3A_226 = arith.addi %add3A_219, %add3A_225 : i32
        %lt3A_227 = arith.constant 80 : i32
        %lt3A_228 = arith.cmpi slt, %add3A_226, %lt3A_227 : i32
        %convert_element_type3A_229 = arith.extui %lt3A_228 : i1 to i32
        %cond3A_230 = arith.constant 0 : i32
        %cond3A_231 = arith.cmpi ne, %convert_element_type3A_229, %cond3A_230 : i32
        scf.if %cond3A_231 {
          %add3A_322 = arith.constant 4 : i32
          %add3A_323 = arith.addi %add3A_219, %add3A_322 : i32
          %dma_start3A_324 = arith.constant 0 : i32
          %dma_start3A_325 = tpu.memref_slice %arg7[%add3A_323, %dma_start3A_324] : memref<80x128xi32, #tpu.memory_space<vmem>> -> memref<1x128xi32, #tpu.memory_space<vmem>>
          %dma_start3A_326 = tpu.memref_squeeze %dma_start3A_325 : memref<1x128xi32, #tpu.memory_space<vmem>> -> memref<128xi32, #tpu.memory_space<vmem>>
          %dma_start3A_327 = arith.constant 0 : i32
          %dma_start3A_328 = arith.constant 0 : i32
          %dma_start3A_329 = tpu.memref_slice %arg2[%dma_start3A_327, %dma_start3A_328] : memref<20480x64xf32, #tpu.memory_space<hbm>> -> memref<20480x64xf32, #tpu.memory_space<hbm>>
          tpu.enqueue_indirect_dma source(%dma_start3A_329 : memref<20480x64xf32, #tpu.memory_space<hbm>>) target(%arg9 : memref<128x64xf32, #tpu.memory_space<vmem>>) offsets(%dma_start3A_326 : memref<128xi32, #tpu.memory_space<vmem>>) semaphore(%arg18 : memref<!tpu.dma_semaphore, #tpu.memory_space<semaphore_mem>>)
        } else {
        }
        %dma_wait3A_232 = arith.constant 0 : i32
        %dma_wait3A_233 = tpu.memref_slice %arg7[%add3A_219, %dma_wait3A_232] : memref<80x128xi32, #tpu.memory_space<vmem>> -> memref<1x128xi32, #tpu.memory_space<vmem>>
        %dma_wait3A_234 = tpu.memref_squeeze %dma_wait3A_233 : memref<1x128xi32, #tpu.memory_space<vmem>> -> memref<128xi32, #tpu.memory_space<vmem>>
        %dma_wait3A_235 = arith.constant 0 : i32
        %dma_wait3A_236 = arith.constant 0 : i32
        %dma_wait3A_237 = tpu.memref_slice %arg2[%dma_wait3A_235, %dma_wait3A_236] : memref<20480x64xf32, #tpu.memory_space<hbm>> -> memref<20480x64xf32, #tpu.memory_space<hbm>>
        tpu.wait_indirect_dma semaphore(%arg22 : memref<!tpu.dma_semaphore, #tpu.memory_space<semaphore_mem>>) src(%dma_wait3A_237 : memref<20480x64xf32, #tpu.memory_space<hbm>>) dst(%arg13 : memref<128x64xf32, #tpu.memory_space<vmem>>)
        %dma_start3A_238 = arith.constant 0 : i32
        %dma_start3A_239 = tpu.memref_slice %arg8[%add3A_219, %dma_start3A_238] : memref<80x128xi32, #tpu.memory_space<vmem>> -> memref<1x128xi32, #tpu.memory_space<vmem>>
        %dma_start3A_240 = tpu.memref_squeeze %dma_start3A_239 : memref<1x128xi32, #tpu.memory_space<vmem>> -> memref<128xi32, #tpu.memory_space<vmem>>
        %dma_start3A_241 = arith.constant 0 : i32
        %dma_start3A_242 = arith.constant 0 : i32
        %dma_start3A_243 = tpu.memref_slice %arg17[%dma_start3A_241, %dma_start3A_242] : memref<10240x64xf32, #tpu.memory_space<vmem_shared>> -> memref<10240x64xf32, #tpu.memory_space<vmem_shared>>
        tpu.enqueue_indirect_dma source(%arg13 : memref<128x64xf32, #tpu.memory_space<vmem>>) target(%dma_start3A_243 : memref<10240x64xf32, #tpu.memory_space<vmem_shared>>) offsets(%dma_start3A_240 : memref<128xi32, #tpu.memory_space<vmem>>) semaphore(%arg30 : memref<!tpu.dma_semaphore, #tpu.memory_space<semaphore_mem>>) {add = true}
        %add3A_244 = arith.constant 5 : i32
        %add3A_245 = arith.addi %mul3A_117, %add3A_244 : i32
        %ge3A_246 = arith.constant 4 : i32
        %ge3A_247 = arith.cmpi sge, %add3A_245, %ge3A_246 : i32
        %convert_element_type3A_248 = arith.extui %ge3A_247 : i1 to i32
        %cond3A_249 = arith.constant 0 : i32
        %cond3A_250 = arith.cmpi ne, %convert_element_type3A_248, %cond3A_249 : i32
        scf.if %cond3A_250 {
          %sub3A = arith.constant 4 : i32
          %sub3A_322 = arith.subi %add3A_245, %sub3A : i32
          %dma_wait3A_323 = arith.constant 0 : i32
          %dma_wait3A_324 = tpu.memref_slice %arg8[%sub3A_322, %dma_wait3A_323] : memref<80x128xi32, #tpu.memory_space<vmem>> -> memref<1x128xi32, #tpu.memory_space<vmem>>
          %dma_wait3A_325 = tpu.memref_squeeze %dma_wait3A_324 : memref<1x128xi32, #tpu.memory_space<vmem>> -> memref<128xi32, #tpu.memory_space<vmem>>
          %dma_wait3A_326 = arith.constant 0 : i32
          %dma_wait3A_327 = arith.constant 0 : i32
          %dma_wait3A_328 = tpu.memref_slice %arg17[%dma_wait3A_326, %dma_wait3A_327] : memref<10240x64xf32, #tpu.memory_space<vmem_shared>> -> memref<10240x64xf32, #tpu.memory_space<vmem_shared>>
          tpu.wait_indirect_dma semaphore(%arg27 : memref<!tpu.dma_semaphore, #tpu.memory_space<semaphore_mem>>) src(%arg10 : memref<128x64xf32, #tpu.memory_space<vmem>>) dst(%dma_wait3A_328 : memref<10240x64xf32, #tpu.memory_space<vmem_shared>>)
        } else {
        }
        %add3A_251 = arith.constant 4 : i32
        %add3A_252 = arith.addi %add3A_245, %add3A_251 : i32
        %lt3A_253 = arith.constant 80 : i32
        %lt3A_254 = arith.cmpi slt, %add3A_252, %lt3A_253 : i32
        %convert_element_type3A_255 = arith.extui %lt3A_254 : i1 to i32
        %cond3A_256 = arith.constant 0 : i32
        %cond3A_257 = arith.cmpi ne, %convert_element_type3A_255, %cond3A_256 : i32
        scf.if %cond3A_257 {
          %add3A_322 = arith.constant 4 : i32
          %add3A_323 = arith.addi %add3A_245, %add3A_322 : i32
          %dma_start3A_324 = arith.constant 0 : i32
          %dma_start3A_325 = tpu.memref_slice %arg7[%add3A_323, %dma_start3A_324] : memref<80x128xi32, #tpu.memory_space<vmem>> -> memref<1x128xi32, #tpu.memory_space<vmem>>
          %dma_start3A_326 = tpu.memref_squeeze %dma_start3A_325 : memref<1x128xi32, #tpu.memory_space<vmem>> -> memref<128xi32, #tpu.memory_space<vmem>>
          %dma_start3A_327 = arith.constant 0 : i32
          %dma_start3A_328 = arith.constant 0 : i32
          %dma_start3A_329 = tpu.memref_slice %arg2[%dma_start3A_327, %dma_start3A_328] : memref<20480x64xf32, #tpu.memory_space<hbm>> -> memref<20480x64xf32, #tpu.memory_space<hbm>>
          tpu.enqueue_indirect_dma source(%dma_start3A_329 : memref<20480x64xf32, #tpu.memory_space<hbm>>) target(%arg10 : memref<128x64xf32, #tpu.memory_space<vmem>>) offsets(%dma_start3A_326 : memref<128xi32, #tpu.memory_space<vmem>>) semaphore(%arg19 : memref<!tpu.dma_semaphore, #tpu.memory_space<semaphore_mem>>)
        } else {
        }
        %dma_wait3A_258 = arith.constant 0 : i32
        %dma_wait3A_259 = tpu.memref_slice %arg7[%add3A_245, %dma_wait3A_258] : memref<80x128xi32, #tpu.memory_space<vmem>> -> memref<1x128xi32, #tpu.memory_space<vmem>>
        %dma_wait3A_260 = tpu.memref_squeeze %dma_wait3A_259 : memref<1x128xi32, #tpu.memory_space<vmem>> -> memref<128xi32, #tpu.memory_space<vmem>>
        %dma_wait3A_261 = arith.constant 0 : i32
        %dma_wait3A_262 = arith.constant 0 : i32
        %dma_wait3A_263 = tpu.memref_slice %arg2[%dma_wait3A_261, %dma_wait3A_262] : memref<20480x64xf32, #tpu.memory_space<hbm>> -> memref<20480x64xf32, #tpu.memory_space<hbm>>
        tpu.wait_indirect_dma semaphore(%arg23 : memref<!tpu.dma_semaphore, #tpu.memory_space<semaphore_mem>>) src(%dma_wait3A_263 : memref<20480x64xf32, #tpu.memory_space<hbm>>) dst(%arg14 : memref<128x64xf32, #tpu.memory_space<vmem>>)
        %dma_start3A_264 = arith.constant 0 : i32
        %dma_start3A_265 = tpu.memref_slice %arg8[%add3A_245, %dma_start3A_264] : memref<80x128xi32, #tpu.memory_space<vmem>> -> memref<1x128xi32, #tpu.memory_space<vmem>>
        %dma_start3A_266 = tpu.memref_squeeze %dma_start3A_265 : memref<1x128xi32, #tpu.memory_space<vmem>> -> memref<128xi32, #tpu.memory_space<vmem>>
        %dma_start3A_267 = arith.constant 0 : i32
        %dma_start3A_268 = arith.constant 0 : i32
        %dma_start3A_269 = tpu.memref_slice %arg17[%dma_start3A_267, %dma_start3A_268] : memref<10240x64xf32, #tpu.memory_space<vmem_shared>> -> memref<10240x64xf32, #tpu.memory_space<vmem_shared>>
        tpu.enqueue_indirect_dma source(%arg14 : memref<128x64xf32, #tpu.memory_space<vmem>>) target(%dma_start3A_269 : memref<10240x64xf32, #tpu.memory_space<vmem_shared>>) offsets(%dma_start3A_266 : memref<128xi32, #tpu.memory_space<vmem>>) semaphore(%arg31 : memref<!tpu.dma_semaphore, #tpu.memory_space<semaphore_mem>>) {add = true}
        %add3A_270 = arith.constant 6 : i32
        %add3A_271 = arith.addi %mul3A_117, %add3A_270 : i32
        %ge3A_272 = arith.constant 4 : i32
        %ge3A_273 = arith.cmpi sge, %add3A_271, %ge3A_272 : i32
        %convert_element_type3A_274 = arith.extui %ge3A_273 : i1 to i32
        %cond3A_275 = arith.constant 0 : i32
        %cond3A_276 = arith.cmpi ne, %convert_element_type3A_274, %cond3A_275 : i32
        scf.if %cond3A_276 {
          %sub3A = arith.constant 4 : i32
          %sub3A_322 = arith.subi %add3A_271, %sub3A : i32
          %dma_wait3A_323 = arith.constant 0 : i32
          %dma_wait3A_324 = tpu.memref_slice %arg8[%sub3A_322, %dma_wait3A_323] : memref<80x128xi32, #tpu.memory_space<vmem>> -> memref<1x128xi32, #tpu.memory_space<vmem>>
          %dma_wait3A_325 = tpu.memref_squeeze %dma_wait3A_324 : memref<1x128xi32, #tpu.memory_space<vmem>> -> memref<128xi32, #tpu.memory_space<vmem>>
          %dma_wait3A_326 = arith.constant 0 : i32
          %dma_wait3A_327 = arith.constant 0 : i32
          %dma_wait3A_328 = tpu.memref_slice %arg17[%dma_wait3A_326, %dma_wait3A_327] : memref<10240x64xf32, #tpu.memory_space<vmem_shared>> -> memref<10240x64xf32, #tpu.memory_space<vmem_shared>>
          tpu.wait_indirect_dma semaphore(%arg28 : memref<!tpu.dma_semaphore, #tpu.memory_space<semaphore_mem>>) src(%arg11 : memref<128x64xf32, #tpu.memory_space<vmem>>) dst(%dma_wait3A_328 : memref<10240x64xf32, #tpu.memory_space<vmem_shared>>)
        } else {
        }
        %add3A_277 = arith.constant 4 : i32
        %add3A_278 = arith.addi %add3A_271, %add3A_277 : i32
        %lt3A_279 = arith.constant 80 : i32
        %lt3A_280 = arith.cmpi slt, %add3A_278, %lt3A_279 : i32
        %convert_element_type3A_281 = arith.extui %lt3A_280 : i1 to i32
        %cond3A_282 = arith.constant 0 : i32
        %cond3A_283 = arith.cmpi ne, %convert_element_type3A_281, %cond3A_282 : i32
        scf.if %cond3A_283 {
          %add3A_322 = arith.constant 4 : i32
          %add3A_323 = arith.addi %add3A_271, %add3A_322 : i32
          %dma_start3A_324 = arith.constant 0 : i32
          %dma_start3A_325 = tpu.memref_slice %arg7[%add3A_323, %dma_start3A_324] : memref<80x128xi32, #tpu.memory_space<vmem>> -> memref<1x128xi32, #tpu.memory_space<vmem>>
          %dma_start3A_326 = tpu.memref_squeeze %dma_start3A_325 : memref<1x128xi32, #tpu.memory_space<vmem>> -> memref<128xi32, #tpu.memory_space<vmem>>
          %dma_start3A_327 = arith.constant 0 : i32
          %dma_start3A_328 = arith.constant 0 : i32
          %dma_start3A_329 = tpu.memref_slice %arg2[%dma_start3A_327, %dma_start3A_328] : memref<20480x64xf32, #tpu.memory_space<hbm>> -> memref<20480x64xf32, #tpu.memory_space<hbm>>
          tpu.enqueue_indirect_dma source(%dma_start3A_329 : memref<20480x64xf32, #tpu.memory_space<hbm>>) target(%arg11 : memref<128x64xf32, #tpu.memory_space<vmem>>) offsets(%dma_start3A_326 : memref<128xi32, #tpu.memory_space<vmem>>) semaphore(%arg20 : memref<!tpu.dma_semaphore, #tpu.memory_space<semaphore_mem>>)
        } else {
        }
        %dma_wait3A_284 = arith.constant 0 : i32
        %dma_wait3A_285 = tpu.memref_slice %arg7[%add3A_271, %dma_wait3A_284] : memref<80x128xi32, #tpu.memory_space<vmem>> -> memref<1x128xi32, #tpu.memory_space<vmem>>
        %dma_wait3A_286 = tpu.memref_squeeze %dma_wait3A_285 : memref<1x128xi32, #tpu.memory_space<vmem>> -> memref<128xi32, #tpu.memory_space<vmem>>
        %dma_wait3A_287 = arith.constant 0 : i32
        %dma_wait3A_288 = arith.constant 0 : i32
        %dma_wait3A_289 = tpu.memref_slice %arg2[%dma_wait3A_287, %dma_wait3A_288] : memref<20480x64xf32, #tpu.memory_space<hbm>> -> memref<20480x64xf32, #tpu.memory_space<hbm>>
        tpu.wait_indirect_dma semaphore(%arg24 : memref<!tpu.dma_semaphore, #tpu.memory_space<semaphore_mem>>) src(%dma_wait3A_289 : memref<20480x64xf32, #tpu.memory_space<hbm>>) dst(%arg15 : memref<128x64xf32, #tpu.memory_space<vmem>>)
        %dma_start3A_290 = arith.constant 0 : i32
        %dma_start3A_291 = tpu.memref_slice %arg8[%add3A_271, %dma_start3A_290] : memref<80x128xi32, #tpu.memory_space<vmem>> -> memref<1x128xi32, #tpu.memory_space<vmem>>
        %dma_start3A_292 = tpu.memref_squeeze %dma_start3A_291 : memref<1x128xi32, #tpu.memory_space<vmem>> -> memref<128xi32, #tpu.memory_space<vmem>>
        %dma_start3A_293 = arith.constant 0 : i32
        %dma_start3A_294 = arith.constant 0 : i32
        %dma_start3A_295 = tpu.memref_slice %arg17[%dma_start3A_293, %dma_start3A_294] : memref<10240x64xf32, #tpu.memory_space<vmem_shared>> -> memref<10240x64xf32, #tpu.memory_space<vmem_shared>>
        tpu.enqueue_indirect_dma source(%arg15 : memref<128x64xf32, #tpu.memory_space<vmem>>) target(%dma_start3A_295 : memref<10240x64xf32, #tpu.memory_space<vmem_shared>>) offsets(%dma_start3A_292 : memref<128xi32, #tpu.memory_space<vmem>>) semaphore(%arg32 : memref<!tpu.dma_semaphore, #tpu.memory_space<semaphore_mem>>) {add = true}
        %add3A_296 = arith.constant 7 : i32
        %add3A_297 = arith.addi %mul3A_117, %add3A_296 : i32
        %ge3A_298 = arith.constant 4 : i32
        %ge3A_299 = arith.cmpi sge, %add3A_297, %ge3A_298 : i32
        %convert_element_type3A_300 = arith.extui %ge3A_299 : i1 to i32
        %cond3A_301 = arith.constant 0 : i32
        %cond3A_302 = arith.cmpi ne, %convert_element_type3A_300, %cond3A_301 : i32
        scf.if %cond3A_302 {
          %sub3A = arith.constant 4 : i32
          %sub3A_322 = arith.subi %add3A_297, %sub3A : i32
          %dma_wait3A_323 = arith.constant 0 : i32
          %dma_wait3A_324 = tpu.memref_slice %arg8[%sub3A_322, %dma_wait3A_323] : memref<80x128xi32, #tpu.memory_space<vmem>> -> memref<1x128xi32, #tpu.memory_space<vmem>>
          %dma_wait3A_325 = tpu.memref_squeeze %dma_wait3A_324 : memref<1x128xi32, #tpu.memory_space<vmem>> -> memref<128xi32, #tpu.memory_space<vmem>>
          %dma_wait3A_326 = arith.constant 0 : i32
          %dma_wait3A_327 = arith.constant 0 : i32
          %dma_wait3A_328 = tpu.memref_slice %arg17[%dma_wait3A_326, %dma_wait3A_327] : memref<10240x64xf32, #tpu.memory_space<vmem_shared>> -> memref<10240x64xf32, #tpu.memory_space<vmem_shared>>
          tpu.wait_indirect_dma semaphore(%arg29 : memref<!tpu.dma_semaphore, #tpu.memory_space<semaphore_mem>>) src(%arg12 : memref<128x64xf32, #tpu.memory_space<vmem>>) dst(%dma_wait3A_328 : memref<10240x64xf32, #tpu.memory_space<vmem_shared>>)
        } else {
        }
        %add3A_303 = arith.constant 4 : i32
        %add3A_304 = arith.addi %add3A_297, %add3A_303 : i32
        %lt3A_305 = arith.constant 80 : i32
        %lt3A_306 = arith.cmpi slt, %add3A_304, %lt3A_305 : i32
        %convert_element_type3A_307 = arith.extui %lt3A_306 : i1 to i32
        %cond3A_308 = arith.constant 0 : i32
        %cond3A_309 = arith.cmpi ne, %convert_element_type3A_307, %cond3A_308 : i32
        scf.if %cond3A_309 {
          %add3A_322 = arith.constant 4 : i32
          %add3A_323 = arith.addi %add3A_297, %add3A_322 : i32
          %dma_start3A_324 = arith.constant 0 : i32
          %dma_start3A_325 = tpu.memref_slice %arg7[%add3A_323, %dma_start3A_324] : memref<80x128xi32, #tpu.memory_space<vmem>> -> memref<1x128xi32, #tpu.memory_space<vmem>>
          %dma_start3A_326 = tpu.memref_squeeze %dma_start3A_325 : memref<1x128xi32, #tpu.memory_space<vmem>> -> memref<128xi32, #tpu.memory_space<vmem>>
          %dma_start3A_327 = arith.constant 0 : i32
          %dma_start3A_328 = arith.constant 0 : i32
          %dma_start3A_329 = tpu.memref_slice %arg2[%dma_start3A_327, %dma_start3A_328] : memref<20480x64xf32, #tpu.memory_space<hbm>> -> memref<20480x64xf32, #tpu.memory_space<hbm>>
          tpu.enqueue_indirect_dma source(%dma_start3A_329 : memref<20480x64xf32, #tpu.memory_space<hbm>>) target(%arg12 : memref<128x64xf32, #tpu.memory_space<vmem>>) offsets(%dma_start3A_326 : memref<128xi32, #tpu.memory_space<vmem>>) semaphore(%arg21 : memref<!tpu.dma_semaphore, #tpu.memory_space<semaphore_mem>>)
        } else {
        }
        %dma_wait3A_310 = arith.constant 0 : i32
        %dma_wait3A_311 = tpu.memref_slice %arg7[%add3A_297, %dma_wait3A_310] : memref<80x128xi32, #tpu.memory_space<vmem>> -> memref<1x128xi32, #tpu.memory_space<vmem>>
        %dma_wait3A_312 = tpu.memref_squeeze %dma_wait3A_311 : memref<1x128xi32, #tpu.memory_space<vmem>> -> memref<128xi32, #tpu.memory_space<vmem>>
        %dma_wait3A_313 = arith.constant 0 : i32
        %dma_wait3A_314 = arith.constant 0 : i32
        %dma_wait3A_315 = tpu.memref_slice %arg2[%dma_wait3A_313, %dma_wait3A_314] : memref<20480x64xf32, #tpu.memory_space<hbm>> -> memref<20480x64xf32, #tpu.memory_space<hbm>>
        tpu.wait_indirect_dma semaphore(%arg25 : memref<!tpu.dma_semaphore, #tpu.memory_space<semaphore_mem>>) src(%dma_wait3A_315 : memref<20480x64xf32, #tpu.memory_space<hbm>>) dst(%arg16 : memref<128x64xf32, #tpu.memory_space<vmem>>)
        %dma_start3A_316 = arith.constant 0 : i32
        %dma_start3A_317 = tpu.memref_slice %arg8[%add3A_297, %dma_start3A_316] : memref<80x128xi32, #tpu.memory_space<vmem>> -> memref<1x128xi32, #tpu.memory_space<vmem>>
        %dma_start3A_318 = tpu.memref_squeeze %dma_start3A_317 : memref<1x128xi32, #tpu.memory_space<vmem>> -> memref<128xi32, #tpu.memory_space<vmem>>
        %dma_start3A_319 = arith.constant 0 : i32
        %dma_start3A_320 = arith.constant 0 : i32
        %dma_start3A_321 = tpu.memref_slice %arg17[%dma_start3A_319, %dma_start3A_320] : memref<10240x64xf32, #tpu.memory_space<vmem_shared>> -> memref<10240x64xf32, #tpu.memory_space<vmem_shared>>
        tpu.enqueue_indirect_dma source(%arg16 : memref<128x64xf32, #tpu.memory_space<vmem>>) target(%dma_start3A_321 : memref<10240x64xf32, #tpu.memory_space<vmem_shared>>) offsets(%dma_start3A_318 : memref<128xi32, #tpu.memory_space<vmem>>) semaphore(%arg33 : memref<!tpu.dma_semaphore, #tpu.memory_space<semaphore_mem>>) {add = true}
      }
      %scan3A_82 = arith.constant 10 : i32
      %dma_wait3A_83 = arith.constant 76 : i32
      %dma_wait3A_84 = arith.constant 0 : i32
      %dma_wait3A_85 = tpu.memref_slice %arg8[%dma_wait3A_83, %dma_wait3A_84] : memref<80x128xi32, #tpu.memory_space<vmem>> -> memref<1x128xi32, #tpu.memory_space<vmem>>
      %dma_wait3A_86 = tpu.memref_squeeze %dma_wait3A_85 : memref<1x128xi32, #tpu.memory_space<vmem>> -> memref<128xi32, #tpu.memory_space<vmem>>
      %dma_wait3A_87 = arith.constant 0 : i32
      %dma_wait3A_88 = arith.constant 0 : i32
      %dma_wait3A_89 = tpu.memref_slice %arg17[%dma_wait3A_87, %dma_wait3A_88] : memref<10240x64xf32, #tpu.memory_space<vmem_shared>> -> memref<10240x64xf32, #tpu.memory_space<vmem_shared>>
      tpu.wait_indirect_dma semaphore(%arg30 : memref<!tpu.dma_semaphore, #tpu.memory_space<semaphore_mem>>) src(%arg13 : memref<128x64xf32, #tpu.memory_space<vmem>>) dst(%dma_wait3A_89 : memref<10240x64xf32, #tpu.memory_space<vmem_shared>>)
      %dma_wait3A_90 = arith.constant 77 : i32
      %dma_wait3A_91 = arith.constant 0 : i32
      %dma_wait3A_92 = tpu.memref_slice %arg8[%dma_wait3A_90, %dma_wait3A_91] : memref<80x128xi32, #tpu.memory_space<vmem>> -> memref<1x128xi32, #tpu.memory_space<vmem>>
      %dma_wait3A_93 = tpu.memref_squeeze %dma_wait3A_92 : memref<1x128xi32, #tpu.memory_space<vmem>> -> memref<128xi32, #tpu.memory_space<vmem>>
      %dma_wait3A_94 = arith.constant 0 : i32
      %dma_wait3A_95 = arith.constant 0 : i32
      %dma_wait3A_96 = tpu.memref_slice %arg17[%dma_wait3A_94, %dma_wait3A_95] : memref<10240x64xf32, #tpu.memory_space<vmem_shared>> -> memref<10240x64xf32, #tpu.memory_space<vmem_shared>>
      tpu.wait_indirect_dma semaphore(%arg31 : memref<!tpu.dma_semaphore, #tpu.memory_space<semaphore_mem>>) src(%arg14 : memref<128x64xf32, #tpu.memory_space<vmem>>) dst(%dma_wait3A_96 : memref<10240x64xf32, #tpu.memory_space<vmem_shared>>)
      %dma_wait3A_97 = arith.constant 78 : i32
      %dma_wait3A_98 = arith.constant 0 : i32
      %dma_wait3A_99 = tpu.memref_slice %arg8[%dma_wait3A_97, %dma_wait3A_98] : memref<80x128xi32, #tpu.memory_space<vmem>> -> memref<1x128xi32, #tpu.memory_space<vmem>>
      %dma_wait3A_100 = tpu.memref_squeeze %dma_wait3A_99 : memref<1x128xi32, #tpu.memory_space<vmem>> -> memref<128xi32, #tpu.memory_space<vmem>>
      %dma_wait3A_101 = arith.constant 0 : i32
      %dma_wait3A_102 = arith.constant 0 : i32
      %dma_wait3A_103 = tpu.memref_slice %arg17[%dma_wait3A_101, %dma_wait3A_102] : memref<10240x64xf32, #tpu.memory_space<vmem_shared>> -> memref<10240x64xf32, #tpu.memory_space<vmem_shared>>
      tpu.wait_indirect_dma semaphore(%arg32 : memref<!tpu.dma_semaphore, #tpu.memory_space<semaphore_mem>>) src(%arg15 : memref<128x64xf32, #tpu.memory_space<vmem>>) dst(%dma_wait3A_103 : memref<10240x64xf32, #tpu.memory_space<vmem_shared>>)
      %dma_wait3A_104 = arith.constant 79 : i32
      %dma_wait3A_105 = arith.constant 0 : i32
      %dma_wait3A_106 = tpu.memref_slice %arg8[%dma_wait3A_104, %dma_wait3A_105] : memref<80x128xi32, #tpu.memory_space<vmem>> -> memref<1x128xi32, #tpu.memory_space<vmem>>
      %dma_wait3A_107 = tpu.memref_squeeze %dma_wait3A_106 : memref<1x128xi32, #tpu.memory_space<vmem>> -> memref<128xi32, #tpu.memory_space<vmem>>
      %dma_wait3A_108 = arith.constant 0 : i32
      %dma_wait3A_109 = arith.constant 0 : i32
      %dma_wait3A_110 = tpu.memref_slice %arg17[%dma_wait3A_108, %dma_wait3A_109] : memref<10240x64xf32, #tpu.memory_space<vmem_shared>> -> memref<10240x64xf32, #tpu.memory_space<vmem_shared>>
      tpu.wait_indirect_dma semaphore(%arg33 : memref<!tpu.dma_semaphore, #tpu.memory_space<semaphore_mem>>) src(%arg16 : memref<128x64xf32, #tpu.memory_space<vmem>>) dst(%dma_wait3A_110 : memref<10240x64xf32, #tpu.memory_space<vmem_shared>>)
    }
    %scan3A_10 = arith.constant 2 : i32
    %barrier3A_11 = arith.constant 0 : index
    tpu.barrier barrier_id(%barrier3A_11)
    %mul3A_12 = arith.constant 64 : i32
    %mul3A_13 = arith.muli %arg0, %mul3A_12 : i32
    %dma_start3A_14 = tpu.memref_slice %arg6[%mul3A_0, %mul3A_13] : memref<10240x128xf32, #tpu.memory_space<hbm>> -> memref<640x64xf32, #tpu.memory_space<hbm>>
    %dma_start3A_15 = arith.constant 0 : i32
    %dma_start3A_16 = tpu.memref_slice %arg17[%mul3A_0, %dma_start3A_15] : memref<10240x64xf32, #tpu.memory_space<vmem_shared>> -> memref<640x64xf32, #tpu.memory_space<vmem_shared>>
    tpu.enqueue_dma source(%dma_start3A_16 : memref<640x64xf32, #tpu.memory_space<vmem_shared>>) target(%dma_start3A_14 : memref<640x64xf32, #tpu.memory_space<hbm>>) target_semaphore(%arg34 : memref<!tpu.dma_semaphore, #tpu.memory_space<semaphore_mem>>)
    %dma_wait3A_17 = tpu.memref_slice %arg6[%mul3A_0, %mul3A_13] : memref<10240x128xf32, #tpu.memory_space<hbm>> -> memref<640x64xf32, #tpu.memory_space<hbm>>
    %dma_wait3A_18 = arith.constant 0 : i32
    %dma_wait3A_19 = tpu.memref_slice %arg17[%mul3A_0, %dma_wait3A_18] : memref<10240x64xf32, #tpu.memory_space<vmem_shared>> -> memref<640x64xf32, #tpu.memory_space<vmem_shared>>
    tpu.wait_dma2 semaphore(%arg34 : memref<!tpu.dma_semaphore, #tpu.memory_space<semaphore_mem>>) src(%dma_wait3A_19 : memref<640x64xf32, #tpu.memory_space<vmem_shared>>) dst(%dma_wait3A_17 : memref<640x64xf32, #tpu.memory_space<hbm>>)
    return
  }
}

#map = affine_map<(d0, d1) -> (0, 0)>
#map1 = affine_map<(d0, d1) -> (0, 0, 0, 0)>
#map2 = affine_map<(d0, d1) -> (0, 0, 0)>
module attributes {stable_mosaic.version = 14 : i64} {
  func.func @_sc_agg(%arg0: i32, %arg1: i32, %arg2: memref<20480x64xf32, #tpu.memory_space<hbm>>, %arg3: memref<2x16x160x128xi32, #tpu.memory_space<hbm>>, %arg4: memref<16x160x128xi32, #tpu.memory_space<hbm>>, %arg5: memref<10240x64xf32, #tpu.memory_space<hbm>>, %arg6: memref<10240x128xf32, #tpu.memory_space<hbm>>, %arg7: memref<80x128xi32, #tpu.memory_space<vmem>>, %arg8: memref<80x128xi32, #tpu.memory_space<vmem>>, %arg9: memref<128x64xf32, #tpu.memory_space<vmem>>, %arg10: memref<128x64xf32, #tpu.memory_space<vmem>>, %arg11: memref<128x64xf32, #tpu.memory_space<vmem>>, %arg12: memref<128x64xf32, #tpu.memory_space<vmem>>, %arg13: memref<128x64xf32, #tpu.memory_space<vmem>>, %arg14: memref<128x64xf32, #tpu.memory_space<vmem>>, %arg15: memref<128x64xf32, #tpu.memory_space<vmem>>, %arg16: memref<128x64xf32, #tpu.memory_space<vmem>>, %arg17: memref<10240x64xf32, #tpu.memory_space<vmem_shared>>, %arg18: memref<!tpu.dma_semaphore, #tpu.memory_space<semaphore_mem>>, %arg19: memref<!tpu.dma_semaphore, #tpu.memory_space<semaphore_mem>>, %arg20: memref<!tpu.dma_semaphore, #tpu.memory_space<semaphore_mem>>, %arg21: memref<!tpu.dma_semaphore, #tpu.memory_space<semaphore_mem>>, %arg22: memref<!tpu.dma_semaphore, #tpu.memory_space<semaphore_mem>>, %arg23: memref<!tpu.dma_semaphore, #tpu.memory_space<semaphore_mem>>, %arg24: memref<!tpu.dma_semaphore, #tpu.memory_space<semaphore_mem>>, %arg25: memref<!tpu.dma_semaphore, #tpu.memory_space<semaphore_mem>>, %arg26: memref<!tpu.dma_semaphore, #tpu.memory_space<semaphore_mem>>, %arg27: memref<!tpu.dma_semaphore, #tpu.memory_space<semaphore_mem>>, %arg28: memref<!tpu.dma_semaphore, #tpu.memory_space<semaphore_mem>>, %arg29: memref<!tpu.dma_semaphore, #tpu.memory_space<semaphore_mem>>, %arg30: memref<!tpu.dma_semaphore, #tpu.memory_space<semaphore_mem>>, %arg31: memref<!tpu.dma_semaphore, #tpu.memory_space<semaphore_mem>>, %arg32: memref<!tpu.dma_semaphore, #tpu.memory_space<semaphore_mem>>, %arg33: memref<!tpu.dma_semaphore, #tpu.memory_space<semaphore_mem>>, %arg34: memref<!tpu.dma_semaphore, #tpu.memory_space<semaphore_mem>>) attributes {dimension_semantics = [#tpu.dimension_semantics<core_parallel>, #tpu.dimension_semantics<subcore_parallel>], iteration_bounds = array<i64: 2, 16>, scalar_prefetch = 0 : i64, scratch_operands = 28 : i64, tpu.core_type = #tpu.core_type<sc_vector_subcore>, window_params = [{transform_indices = #map}, {transform_indices = #map1}, {transform_indices = #map2}, {transform_indices = #map}, {transform_indices = #map}]} {
    %mul3A = arith.constant 640 : i32
    %mul3A_0 = arith.muli %arg1, %mul3A : i32
    %dma_start3A = arith.constant 0 : i32
    %dma_start3A_1 = tpu.memref_slice %arg17[%mul3A_0, %dma_start3A] : memref<10240x64xf32, #tpu.memory_space<vmem_shared>> -> memref<640x64xf32, #tpu.memory_space<vmem_shared>>
    %dma_start3A_2 = arith.constant 0 : i32
    %dma_start3A_3 = tpu.memref_slice %arg5[%mul3A_0, %dma_start3A_2] : memref<10240x64xf32, #tpu.memory_space<hbm>> -> memref<640x64xf32, #tpu.memory_space<hbm>>
    tpu.enqueue_dma source(%dma_start3A_3 : memref<640x64xf32, #tpu.memory_space<hbm>>) target(%dma_start3A_1 : memref<640x64xf32, #tpu.memory_space<vmem_shared>>) target_semaphore(%arg34 : memref<!tpu.dma_semaphore, #tpu.memory_space<semaphore_mem>>)
    %dma_wait3A = arith.constant 0 : i32
    %dma_wait3A_4 = tpu.memref_slice %arg17[%mul3A_0, %dma_wait3A] : memref<10240x64xf32, #tpu.memory_space<vmem_shared>> -> memref<640x64xf32, #tpu.memory_space<vmem_shared>>
    %dma_wait3A_5 = arith.constant 0 : i32
    %dma_wait3A_6 = tpu.memref_slice %arg5[%mul3A_0, %dma_wait3A_5] : memref<10240x64xf32, #tpu.memory_space<hbm>> -> memref<640x64xf32, #tpu.memory_space<hbm>>
    tpu.wait_dma2 semaphore(%arg34 : memref<!tpu.dma_semaphore, #tpu.memory_space<semaphore_mem>>) src(%dma_wait3A_6 : memref<640x64xf32, #tpu.memory_space<hbm>>) dst(%dma_wait3A_4 : memref<640x64xf32, #tpu.memory_space<vmem_shared>>)
    %barrier3A = arith.constant 0 : index
    tpu.barrier barrier_id(%barrier3A)
    %scan3A = arith.constant 0 : i32
    %scan3A_7 = arith.constant 2 : i32
    %scan3A_8 = arith.addi %scan3A, %scan3A_7 : i32
    %scan3A_9 = arith.constant 1 : i32
    scf.for %scan3A_20 = %scan3A to %scan3A_8 step %scan3A_9  : i32 {
      %mul3A_21 = arith.constant 1 : i32
      %mul3A_22 = arith.muli %scan3A_20, %mul3A_21 : i32
      %add3A = arith.constant 0 : i32
      %add3A_23 = arith.addi %add3A, %mul3A_22 : i32
      %mul3A_24 = arith.constant 80 : i32
      %mul3A_25 = arith.muli %add3A_23, %mul3A_24 : i32
      %dma_start3A_26 = arith.constant 0 : i32
      %dma_start3A_27 = tpu.memref_slice %arg3[%arg0, %arg1, %mul3A_25, %dma_start3A_26] : memref<2x16x160x128xi32, #tpu.memory_space<hbm>> -> memref<1x1x80x128xi32, #tpu.memory_space<hbm>>
      %dma_start3A_28 = tpu.memref_squeeze %dma_start3A_27 : memref<1x1x80x128xi32, #tpu.memory_space<hbm>> -> memref<80x128xi32, #tpu.memory_space<hbm>>
      %dma_start3A_29 = arith.constant 0 : i32
      %dma_start3A_30 = tpu.memref_slice %arg3[%arg0, %arg1, %mul3A_25, %dma_start3A_29] : memref<2x16x160x128xi32, #tpu.memory_space<hbm>> -> memref<1x1x80x128xi32, #tpu.memory_space<hbm>>
      %dma_start3A_31 = tpu.memref_squeeze %dma_start3A_30 : memref<1x1x80x128xi32, #tpu.memory_space<hbm>> -> memref<80x128xi32, #tpu.memory_space<hbm>>
      tpu.enqueue_dma source(%dma_start3A_31 : memref<80x128xi32, #tpu.memory_space<hbm>>) target(%arg7 : memref<80x128xi32, #tpu.memory_space<vmem>>) target_semaphore(%arg18 : memref<!tpu.dma_semaphore, #tpu.memory_space<semaphore_mem>>)
      %dma_start3A_32 = arith.constant 0 : i32
      %dma_start3A_33 = tpu.memref_slice %arg4[%arg1, %mul3A_25, %dma_start3A_32] : memref<16x160x128xi32, #tpu.memory_space<hbm>> -> memref<1x80x128xi32, #tpu.memory_space<hbm>>
      %dma_start3A_34 = tpu.memref_squeeze %dma_start3A_33 : memref<1x80x128xi32, #tpu.memory_space<hbm>> -> memref<80x128xi32, #tpu.memory_space<hbm>>
      %dma_start3A_35 = arith.constant 0 : i32
      %dma_start3A_36 = tpu.memref_slice %arg4[%arg1, %mul3A_25, %dma_start3A_35] : memref<16x160x128xi32, #tpu.memory_space<hbm>> -> memref<1x80x128xi32, #tpu.memory_space<hbm>>
      %dma_start3A_37 = tpu.memref_squeeze %dma_start3A_36 : memref<1x80x128xi32, #tpu.memory_space<hbm>> -> memref<80x128xi32, #tpu.memory_space<hbm>>
      tpu.enqueue_dma source(%dma_start3A_37 : memref<80x128xi32, #tpu.memory_space<hbm>>) target(%arg8 : memref<80x128xi32, #tpu.memory_space<vmem>>) target_semaphore(%arg19 : memref<!tpu.dma_semaphore, #tpu.memory_space<semaphore_mem>>)
      %dma_wait3A_38 = arith.constant 0 : i32
      %dma_wait3A_39 = tpu.memref_slice %arg3[%arg0, %arg1, %mul3A_25, %dma_wait3A_38] : memref<2x16x160x128xi32, #tpu.memory_space<hbm>> -> memref<1x1x80x128xi32, #tpu.memory_space<hbm>>
      %dma_wait3A_40 = tpu.memref_squeeze %dma_wait3A_39 : memref<1x1x80x128xi32, #tpu.memory_space<hbm>> -> memref<80x128xi32, #tpu.memory_space<hbm>>
      %dma_wait3A_41 = arith.constant 0 : i32
      %dma_wait3A_42 = tpu.memref_slice %arg3[%arg0, %arg1, %mul3A_25, %dma_wait3A_41] : memref<2x16x160x128xi32, #tpu.memory_space<hbm>> -> memref<1x1x80x128xi32, #tpu.memory_space<hbm>>
      %dma_wait3A_43 = tpu.memref_squeeze %dma_wait3A_42 : memref<1x1x80x128xi32, #tpu.memory_space<hbm>> -> memref<80x128xi32, #tpu.memory_space<hbm>>
      tpu.wait_dma2 semaphore(%arg18 : memref<!tpu.dma_semaphore, #tpu.memory_space<semaphore_mem>>) src(%dma_wait3A_43 : memref<80x128xi32, #tpu.memory_space<hbm>>) dst(%arg7 : memref<80x128xi32, #tpu.memory_space<vmem>>)
      %dma_wait3A_44 = arith.constant 0 : i32
      %dma_wait3A_45 = tpu.memref_slice %arg4[%arg1, %mul3A_25, %dma_wait3A_44] : memref<16x160x128xi32, #tpu.memory_space<hbm>> -> memref<1x80x128xi32, #tpu.memory_space<hbm>>
      %dma_wait3A_46 = tpu.memref_squeeze %dma_wait3A_45 : memref<1x80x128xi32, #tpu.memory_space<hbm>> -> memref<80x128xi32, #tpu.memory_space<hbm>>
      %dma_wait3A_47 = arith.constant 0 : i32
      %dma_wait3A_48 = tpu.memref_slice %arg4[%arg1, %mul3A_25, %dma_wait3A_47] : memref<16x160x128xi32, #tpu.memory_space<hbm>> -> memref<1x80x128xi32, #tpu.memory_space<hbm>>
      %dma_wait3A_49 = tpu.memref_squeeze %dma_wait3A_48 : memref<1x80x128xi32, #tpu.memory_space<hbm>> -> memref<80x128xi32, #tpu.memory_space<hbm>>
      tpu.wait_dma2 semaphore(%arg19 : memref<!tpu.dma_semaphore, #tpu.memory_space<semaphore_mem>>) src(%dma_wait3A_49 : memref<80x128xi32, #tpu.memory_space<hbm>>) dst(%arg8 : memref<80x128xi32, #tpu.memory_space<vmem>>)
      %dma_start3A_50 = arith.constant 0 : i32
      %dma_start3A_51 = arith.constant 0 : i32
      %dma_start3A_52 = tpu.memref_slice %arg7[%dma_start3A_50, %dma_start3A_51] : memref<80x128xi32, #tpu.memory_space<vmem>> -> memref<1x128xi32, #tpu.memory_space<vmem>>
      %dma_start3A_53 = tpu.memref_squeeze %dma_start3A_52 : memref<1x128xi32, #tpu.memory_space<vmem>> -> memref<128xi32, #tpu.memory_space<vmem>>
      %dma_start3A_54 = arith.constant 0 : i32
      %dma_start3A_55 = arith.constant 0 : i32
      %dma_start3A_56 = tpu.memref_slice %arg2[%dma_start3A_54, %dma_start3A_55] : memref<20480x64xf32, #tpu.memory_space<hbm>> -> memref<20480x64xf32, #tpu.memory_space<hbm>>
      tpu.enqueue_indirect_dma source(%dma_start3A_56 : memref<20480x64xf32, #tpu.memory_space<hbm>>) target(%arg9 : memref<128x64xf32, #tpu.memory_space<vmem>>) offsets(%dma_start3A_53 : memref<128xi32, #tpu.memory_space<vmem>>) semaphore(%arg18 : memref<!tpu.dma_semaphore, #tpu.memory_space<semaphore_mem>>)
      %dma_start3A_57 = arith.constant 1 : i32
      %dma_start3A_58 = arith.constant 0 : i32
      %dma_start3A_59 = tpu.memref_slice %arg7[%dma_start3A_57, %dma_start3A_58] : memref<80x128xi32, #tpu.memory_space<vmem>> -> memref<1x128xi32, #tpu.memory_space<vmem>>
      %dma_start3A_60 = tpu.memref_squeeze %dma_start3A_59 : memref<1x128xi32, #tpu.memory_space<vmem>> -> memref<128xi32, #tpu.memory_space<vmem>>
      %dma_start3A_61 = arith.constant 0 : i32
      %dma_start3A_62 = arith.constant 0 : i32
      %dma_start3A_63 = tpu.memref_slice %arg2[%dma_start3A_61, %dma_start3A_62] : memref<20480x64xf32, #tpu.memory_space<hbm>> -> memref<20480x64xf32, #tpu.memory_space<hbm>>
      tpu.enqueue_indirect_dma source(%dma_start3A_63 : memref<20480x64xf32, #tpu.memory_space<hbm>>) target(%arg10 : memref<128x64xf32, #tpu.memory_space<vmem>>) offsets(%dma_start3A_60 : memref<128xi32, #tpu.memory_space<vmem>>) semaphore(%arg19 : memref<!tpu.dma_semaphore, #tpu.memory_space<semaphore_mem>>)
      %dma_start3A_64 = arith.constant 2 : i32
      %dma_start3A_65 = arith.constant 0 : i32
      %dma_start3A_66 = tpu.memref_slice %arg7[%dma_start3A_64, %dma_start3A_65] : memref<80x128xi32, #tpu.memory_space<vmem>> -> memref<1x128xi32, #tpu.memory_space<vmem>>
      %dma_start3A_67 = tpu.memref_squeeze %dma_start3A_66 : memref<1x128xi32, #tpu.memory_space<vmem>> -> memref<128xi32, #tpu.memory_space<vmem>>
      %dma_start3A_68 = arith.constant 0 : i32
      %dma_start3A_69 = arith.constant 0 : i32
      %dma_start3A_70 = tpu.memref_slice %arg2[%dma_start3A_68, %dma_start3A_69] : memref<20480x64xf32, #tpu.memory_space<hbm>> -> memref<20480x64xf32, #tpu.memory_space<hbm>>
      tpu.enqueue_indirect_dma source(%dma_start3A_70 : memref<20480x64xf32, #tpu.memory_space<hbm>>) target(%arg11 : memref<128x64xf32, #tpu.memory_space<vmem>>) offsets(%dma_start3A_67 : memref<128xi32, #tpu.memory_space<vmem>>) semaphore(%arg20 : memref<!tpu.dma_semaphore, #tpu.memory_space<semaphore_mem>>)
      %dma_start3A_71 = arith.constant 3 : i32
      %dma_start3A_72 = arith.constant 0 : i32
      %dma_start3A_73 = tpu.memref_slice %arg7[%dma_start3A_71, %dma_start3A_72] : memref<80x128xi32, #tpu.memory_space<vmem>> -> memref<1x128xi32, #tpu.memory_space<vmem>>
      %dma_start3A_74 = tpu.memref_squeeze %dma_start3A_73 : memref<1x128xi32, #tpu.memory_space<vmem>> -> memref<128xi32, #tpu.memory_space<vmem>>
      %dma_start3A_75 = arith.constant 0 : i32
      %dma_start3A_76 = arith.constant 0 : i32
      %dma_start3A_77 = tpu.memref_slice %arg2[%dma_start3A_75, %dma_start3A_76] : memref<20480x64xf32, #tpu.memory_space<hbm>> -> memref<20480x64xf32, #tpu.memory_space<hbm>>
      tpu.enqueue_indirect_dma source(%dma_start3A_77 : memref<20480x64xf32, #tpu.memory_space<hbm>>) target(%arg12 : memref<128x64xf32, #tpu.memory_space<vmem>>) offsets(%dma_start3A_74 : memref<128xi32, #tpu.memory_space<vmem>>) semaphore(%arg21 : memref<!tpu.dma_semaphore, #tpu.memory_space<semaphore_mem>>)
      %scan3A_78 = arith.constant 0 : i32
      %scan3A_79 = arith.constant 10 : i32
      %scan3A_80 = arith.addi %scan3A_78, %scan3A_79 : i32
      %scan3A_81 = arith.constant 1 : i32
      scf.for %scan3A_111 = %scan3A_78 to %scan3A_80 step %scan3A_81  : i32 {
        %mul3A_112 = arith.constant 1 : i32
        %mul3A_113 = arith.muli %scan3A_111, %mul3A_112 : i32
        %add3A_114 = arith.constant 0 : i32
        %add3A_115 = arith.addi %add3A_114, %mul3A_113 : i32
        %mul3A_116 = arith.constant 8 : i32
        %mul3A_117 = arith.muli %mul3A_116, %add3A_115 : i32
        %add3A_118 = arith.constant 0 : i32
        %add3A_119 = arith.addi %mul3A_117, %add3A_118 : i32
        %ge3A = arith.constant 4 : i32
        %ge3A_120 = arith.cmpi sge, %add3A_119, %ge3A : i32
        %convert_element_type3A = arith.extui %ge3A_120 : i1 to i32
        %cond3A = arith.constant 0 : i32
        %cond3A_121 = arith.cmpi ne, %convert_element_type3A, %cond3A : i32
        scf.if %cond3A_121 {
          %sub3A = arith.constant 4 : i32
          %sub3A_322 = arith.subi %add3A_119, %sub3A : i32
          %dma_wait3A_323 = arith.constant 0 : i32
          %dma_wait3A_324 = tpu.memref_slice %arg8[%sub3A_322, %dma_wait3A_323] : memref<80x128xi32, #tpu.memory_space<vmem>> -> memref<1x128xi32, #tpu.memory_space<vmem>>
          %dma_wait3A_325 = tpu.memref_squeeze %dma_wait3A_324 : memref<1x128xi32, #tpu.memory_space<vmem>> -> memref<128xi32, #tpu.memory_space<vmem>>
          %dma_wait3A_326 = arith.constant 0 : i32
          %dma_wait3A_327 = arith.constant 0 : i32
          %dma_wait3A_328 = tpu.memref_slice %arg17[%dma_wait3A_326, %dma_wait3A_327] : memref<10240x64xf32, #tpu.memory_space<vmem_shared>> -> memref<10240x64xf32, #tpu.memory_space<vmem_shared>>
          tpu.wait_indirect_dma semaphore(%arg30 : memref<!tpu.dma_semaphore, #tpu.memory_space<semaphore_mem>>) src(%arg13 : memref<128x64xf32, #tpu.memory_space<vmem>>) dst(%dma_wait3A_328 : memref<10240x64xf32, #tpu.memory_space<vmem_shared>>)
        } else {
        }
        %add3A_122 = arith.constant 4 : i32
        %add3A_123 = arith.addi %add3A_119, %add3A_122 : i32
        %lt3A = arith.constant 80 : i32
        %lt3A_124 = arith.cmpi slt, %add3A_123, %lt3A : i32
        %convert_element_type3A_125 = arith.extui %lt3A_124 : i1 to i32
        %cond3A_126 = arith.constant 0 : i32
        %cond3A_127 = arith.cmpi ne, %convert_element_type3A_125, %cond3A_126 : i32
        scf.if %cond3A_127 {
          %add3A_322 = arith.constant 4 : i32
          %add3A_323 = arith.addi %add3A_119, %add3A_322 : i32
          %dma_start3A_324 = arith.constant 0 : i32
          %dma_start3A_325 = tpu.memref_slice %arg7[%add3A_323, %dma_start3A_324] : memref<80x128xi32, #tpu.memory_space<vmem>> -> memref<1x128xi32, #tpu.memory_space<vmem>>
          %dma_start3A_326 = tpu.memref_squeeze %dma_start3A_325 : memref<1x128xi32, #tpu.memory_space<vmem>> -> memref<128xi32, #tpu.memory_space<vmem>>
          %dma_start3A_327 = arith.constant 0 : i32
          %dma_start3A_328 = arith.constant 0 : i32
          %dma_start3A_329 = tpu.memref_slice %arg2[%dma_start3A_327, %dma_start3A_328] : memref<20480x64xf32, #tpu.memory_space<hbm>> -> memref<20480x64xf32, #tpu.memory_space<hbm>>
          tpu.enqueue_indirect_dma source(%dma_start3A_329 : memref<20480x64xf32, #tpu.memory_space<hbm>>) target(%arg13 : memref<128x64xf32, #tpu.memory_space<vmem>>) offsets(%dma_start3A_326 : memref<128xi32, #tpu.memory_space<vmem>>) semaphore(%arg22 : memref<!tpu.dma_semaphore, #tpu.memory_space<semaphore_mem>>)
        } else {
        }
        %dma_wait3A_128 = arith.constant 0 : i32
        %dma_wait3A_129 = tpu.memref_slice %arg7[%add3A_119, %dma_wait3A_128] : memref<80x128xi32, #tpu.memory_space<vmem>> -> memref<1x128xi32, #tpu.memory_space<vmem>>
        %dma_wait3A_130 = tpu.memref_squeeze %dma_wait3A_129 : memref<1x128xi32, #tpu.memory_space<vmem>> -> memref<128xi32, #tpu.memory_space<vmem>>
        %dma_wait3A_131 = arith.constant 0 : i32
        %dma_wait3A_132 = arith.constant 0 : i32
        %dma_wait3A_133 = tpu.memref_slice %arg2[%dma_wait3A_131, %dma_wait3A_132] : memref<20480x64xf32, #tpu.memory_space<hbm>> -> memref<20480x64xf32, #tpu.memory_space<hbm>>
        tpu.wait_indirect_dma semaphore(%arg18 : memref<!tpu.dma_semaphore, #tpu.memory_space<semaphore_mem>>) src(%dma_wait3A_133 : memref<20480x64xf32, #tpu.memory_space<hbm>>) dst(%arg9 : memref<128x64xf32, #tpu.memory_space<vmem>>)
        %dma_start3A_134 = arith.constant 0 : i32
        %dma_start3A_135 = tpu.memref_slice %arg8[%add3A_119, %dma_start3A_134] : memref<80x128xi32, #tpu.memory_space<vmem>> -> memref<1x128xi32, #tpu.memory_space<vmem>>
        %dma_start3A_136 = tpu.memref_squeeze %dma_start3A_135 : memref<1x128xi32, #tpu.memory_space<vmem>> -> memref<128xi32, #tpu.memory_space<vmem>>
        %dma_start3A_137 = arith.constant 0 : i32
        %dma_start3A_138 = arith.constant 0 : i32
        %dma_start3A_139 = tpu.memref_slice %arg17[%dma_start3A_137, %dma_start3A_138] : memref<10240x64xf32, #tpu.memory_space<vmem_shared>> -> memref<10240x64xf32, #tpu.memory_space<vmem_shared>>
        tpu.enqueue_indirect_dma source(%arg9 : memref<128x64xf32, #tpu.memory_space<vmem>>) target(%dma_start3A_139 : memref<10240x64xf32, #tpu.memory_space<vmem_shared>>) offsets(%dma_start3A_136 : memref<128xi32, #tpu.memory_space<vmem>>) semaphore(%arg26 : memref<!tpu.dma_semaphore, #tpu.memory_space<semaphore_mem>>) {add = true}
        %add3A_140 = arith.constant 1 : i32
        %add3A_141 = arith.addi %mul3A_117, %add3A_140 : i32
        %ge3A_142 = arith.constant 4 : i32
        %ge3A_143 = arith.cmpi sge, %add3A_141, %ge3A_142 : i32
        %convert_element_type3A_144 = arith.extui %ge3A_143 : i1 to i32
        %cond3A_145 = arith.constant 0 : i32
        %cond3A_146 = arith.cmpi ne, %convert_element_type3A_144, %cond3A_145 : i32
        scf.if %cond3A_146 {
          %sub3A = arith.constant 4 : i32
          %sub3A_322 = arith.subi %add3A_141, %sub3A : i32
          %dma_wait3A_323 = arith.constant 0 : i32
          %dma_wait3A_324 = tpu.memref_slice %arg8[%sub3A_322, %dma_wait3A_323] : memref<80x128xi32, #tpu.memory_space<vmem>> -> memref<1x128xi32, #tpu.memory_space<vmem>>
          %dma_wait3A_325 = tpu.memref_squeeze %dma_wait3A_324 : memref<1x128xi32, #tpu.memory_space<vmem>> -> memref<128xi32, #tpu.memory_space<vmem>>
          %dma_wait3A_326 = arith.constant 0 : i32
          %dma_wait3A_327 = arith.constant 0 : i32
          %dma_wait3A_328 = tpu.memref_slice %arg17[%dma_wait3A_326, %dma_wait3A_327] : memref<10240x64xf32, #tpu.memory_space<vmem_shared>> -> memref<10240x64xf32, #tpu.memory_space<vmem_shared>>
          tpu.wait_indirect_dma semaphore(%arg31 : memref<!tpu.dma_semaphore, #tpu.memory_space<semaphore_mem>>) src(%arg14 : memref<128x64xf32, #tpu.memory_space<vmem>>) dst(%dma_wait3A_328 : memref<10240x64xf32, #tpu.memory_space<vmem_shared>>)
        } else {
        }
        %add3A_147 = arith.constant 4 : i32
        %add3A_148 = arith.addi %add3A_141, %add3A_147 : i32
        %lt3A_149 = arith.constant 80 : i32
        %lt3A_150 = arith.cmpi slt, %add3A_148, %lt3A_149 : i32
        %convert_element_type3A_151 = arith.extui %lt3A_150 : i1 to i32
        %cond3A_152 = arith.constant 0 : i32
        %cond3A_153 = arith.cmpi ne, %convert_element_type3A_151, %cond3A_152 : i32
        scf.if %cond3A_153 {
          %add3A_322 = arith.constant 4 : i32
          %add3A_323 = arith.addi %add3A_141, %add3A_322 : i32
          %dma_start3A_324 = arith.constant 0 : i32
          %dma_start3A_325 = tpu.memref_slice %arg7[%add3A_323, %dma_start3A_324] : memref<80x128xi32, #tpu.memory_space<vmem>> -> memref<1x128xi32, #tpu.memory_space<vmem>>
          %dma_start3A_326 = tpu.memref_squeeze %dma_start3A_325 : memref<1x128xi32, #tpu.memory_space<vmem>> -> memref<128xi32, #tpu.memory_space<vmem>>
          %dma_start3A_327 = arith.constant 0 : i32
          %dma_start3A_328 = arith.constant 0 : i32
          %dma_start3A_329 = tpu.memref_slice %arg2[%dma_start3A_327, %dma_start3A_328] : memref<20480x64xf32, #tpu.memory_space<hbm>> -> memref<20480x64xf32, #tpu.memory_space<hbm>>
          tpu.enqueue_indirect_dma source(%dma_start3A_329 : memref<20480x64xf32, #tpu.memory_space<hbm>>) target(%arg14 : memref<128x64xf32, #tpu.memory_space<vmem>>) offsets(%dma_start3A_326 : memref<128xi32, #tpu.memory_space<vmem>>) semaphore(%arg23 : memref<!tpu.dma_semaphore, #tpu.memory_space<semaphore_mem>>)
        } else {
        }
        %dma_wait3A_154 = arith.constant 0 : i32
        %dma_wait3A_155 = tpu.memref_slice %arg7[%add3A_141, %dma_wait3A_154] : memref<80x128xi32, #tpu.memory_space<vmem>> -> memref<1x128xi32, #tpu.memory_space<vmem>>
        %dma_wait3A_156 = tpu.memref_squeeze %dma_wait3A_155 : memref<1x128xi32, #tpu.memory_space<vmem>> -> memref<128xi32, #tpu.memory_space<vmem>>
        %dma_wait3A_157 = arith.constant 0 : i32
        %dma_wait3A_158 = arith.constant 0 : i32
        %dma_wait3A_159 = tpu.memref_slice %arg2[%dma_wait3A_157, %dma_wait3A_158] : memref<20480x64xf32, #tpu.memory_space<hbm>> -> memref<20480x64xf32, #tpu.memory_space<hbm>>
        tpu.wait_indirect_dma semaphore(%arg19 : memref<!tpu.dma_semaphore, #tpu.memory_space<semaphore_mem>>) src(%dma_wait3A_159 : memref<20480x64xf32, #tpu.memory_space<hbm>>) dst(%arg10 : memref<128x64xf32, #tpu.memory_space<vmem>>)
        %dma_start3A_160 = arith.constant 0 : i32
        %dma_start3A_161 = tpu.memref_slice %arg8[%add3A_141, %dma_start3A_160] : memref<80x128xi32, #tpu.memory_space<vmem>> -> memref<1x128xi32, #tpu.memory_space<vmem>>
        %dma_start3A_162 = tpu.memref_squeeze %dma_start3A_161 : memref<1x128xi32, #tpu.memory_space<vmem>> -> memref<128xi32, #tpu.memory_space<vmem>>
        %dma_start3A_163 = arith.constant 0 : i32
        %dma_start3A_164 = arith.constant 0 : i32
        %dma_start3A_165 = tpu.memref_slice %arg17[%dma_start3A_163, %dma_start3A_164] : memref<10240x64xf32, #tpu.memory_space<vmem_shared>> -> memref<10240x64xf32, #tpu.memory_space<vmem_shared>>
        tpu.enqueue_indirect_dma source(%arg10 : memref<128x64xf32, #tpu.memory_space<vmem>>) target(%dma_start3A_165 : memref<10240x64xf32, #tpu.memory_space<vmem_shared>>) offsets(%dma_start3A_162 : memref<128xi32, #tpu.memory_space<vmem>>) semaphore(%arg27 : memref<!tpu.dma_semaphore, #tpu.memory_space<semaphore_mem>>) {add = true}
        %add3A_166 = arith.constant 2 : i32
        %add3A_167 = arith.addi %mul3A_117, %add3A_166 : i32
        %ge3A_168 = arith.constant 4 : i32
        %ge3A_169 = arith.cmpi sge, %add3A_167, %ge3A_168 : i32
        %convert_element_type3A_170 = arith.extui %ge3A_169 : i1 to i32
        %cond3A_171 = arith.constant 0 : i32
        %cond3A_172 = arith.cmpi ne, %convert_element_type3A_170, %cond3A_171 : i32
        scf.if %cond3A_172 {
          %sub3A = arith.constant 4 : i32
          %sub3A_322 = arith.subi %add3A_167, %sub3A : i32
          %dma_wait3A_323 = arith.constant 0 : i32
          %dma_wait3A_324 = tpu.memref_slice %arg8[%sub3A_322, %dma_wait3A_323] : memref<80x128xi32, #tpu.memory_space<vmem>> -> memref<1x128xi32, #tpu.memory_space<vmem>>
          %dma_wait3A_325 = tpu.memref_squeeze %dma_wait3A_324 : memref<1x128xi32, #tpu.memory_space<vmem>> -> memref<128xi32, #tpu.memory_space<vmem>>
          %dma_wait3A_326 = arith.constant 0 : i32
          %dma_wait3A_327 = arith.constant 0 : i32
          %dma_wait3A_328 = tpu.memref_slice %arg17[%dma_wait3A_326, %dma_wait3A_327] : memref<10240x64xf32, #tpu.memory_space<vmem_shared>> -> memref<10240x64xf32, #tpu.memory_space<vmem_shared>>
          tpu.wait_indirect_dma semaphore(%arg32 : memref<!tpu.dma_semaphore, #tpu.memory_space<semaphore_mem>>) src(%arg15 : memref<128x64xf32, #tpu.memory_space<vmem>>) dst(%dma_wait3A_328 : memref<10240x64xf32, #tpu.memory_space<vmem_shared>>)
        } else {
        }
        %add3A_173 = arith.constant 4 : i32
        %add3A_174 = arith.addi %add3A_167, %add3A_173 : i32
        %lt3A_175 = arith.constant 80 : i32
        %lt3A_176 = arith.cmpi slt, %add3A_174, %lt3A_175 : i32
        %convert_element_type3A_177 = arith.extui %lt3A_176 : i1 to i32
        %cond3A_178 = arith.constant 0 : i32
        %cond3A_179 = arith.cmpi ne, %convert_element_type3A_177, %cond3A_178 : i32
        scf.if %cond3A_179 {
          %add3A_322 = arith.constant 4 : i32
          %add3A_323 = arith.addi %add3A_167, %add3A_322 : i32
          %dma_start3A_324 = arith.constant 0 : i32
          %dma_start3A_325 = tpu.memref_slice %arg7[%add3A_323, %dma_start3A_324] : memref<80x128xi32, #tpu.memory_space<vmem>> -> memref<1x128xi32, #tpu.memory_space<vmem>>
          %dma_start3A_326 = tpu.memref_squeeze %dma_start3A_325 : memref<1x128xi32, #tpu.memory_space<vmem>> -> memref<128xi32, #tpu.memory_space<vmem>>
          %dma_start3A_327 = arith.constant 0 : i32
          %dma_start3A_328 = arith.constant 0 : i32
          %dma_start3A_329 = tpu.memref_slice %arg2[%dma_start3A_327, %dma_start3A_328] : memref<20480x64xf32, #tpu.memory_space<hbm>> -> memref<20480x64xf32, #tpu.memory_space<hbm>>
          tpu.enqueue_indirect_dma source(%dma_start3A_329 : memref<20480x64xf32, #tpu.memory_space<hbm>>) target(%arg15 : memref<128x64xf32, #tpu.memory_space<vmem>>) offsets(%dma_start3A_326 : memref<128xi32, #tpu.memory_space<vmem>>) semaphore(%arg24 : memref<!tpu.dma_semaphore, #tpu.memory_space<semaphore_mem>>)
        } else {
        }
        %dma_wait3A_180 = arith.constant 0 : i32
        %dma_wait3A_181 = tpu.memref_slice %arg7[%add3A_167, %dma_wait3A_180] : memref<80x128xi32, #tpu.memory_space<vmem>> -> memref<1x128xi32, #tpu.memory_space<vmem>>
        %dma_wait3A_182 = tpu.memref_squeeze %dma_wait3A_181 : memref<1x128xi32, #tpu.memory_space<vmem>> -> memref<128xi32, #tpu.memory_space<vmem>>
        %dma_wait3A_183 = arith.constant 0 : i32
        %dma_wait3A_184 = arith.constant 0 : i32
        %dma_wait3A_185 = tpu.memref_slice %arg2[%dma_wait3A_183, %dma_wait3A_184] : memref<20480x64xf32, #tpu.memory_space<hbm>> -> memref<20480x64xf32, #tpu.memory_space<hbm>>
        tpu.wait_indirect_dma semaphore(%arg20 : memref<!tpu.dma_semaphore, #tpu.memory_space<semaphore_mem>>) src(%dma_wait3A_185 : memref<20480x64xf32, #tpu.memory_space<hbm>>) dst(%arg11 : memref<128x64xf32, #tpu.memory_space<vmem>>)
        %dma_start3A_186 = arith.constant 0 : i32
        %dma_start3A_187 = tpu.memref_slice %arg8[%add3A_167, %dma_start3A_186] : memref<80x128xi32, #tpu.memory_space<vmem>> -> memref<1x128xi32, #tpu.memory_space<vmem>>
        %dma_start3A_188 = tpu.memref_squeeze %dma_start3A_187 : memref<1x128xi32, #tpu.memory_space<vmem>> -> memref<128xi32, #tpu.memory_space<vmem>>
        %dma_start3A_189 = arith.constant 0 : i32
        %dma_start3A_190 = arith.constant 0 : i32
        %dma_start3A_191 = tpu.memref_slice %arg17[%dma_start3A_189, %dma_start3A_190] : memref<10240x64xf32, #tpu.memory_space<vmem_shared>> -> memref<10240x64xf32, #tpu.memory_space<vmem_shared>>
        tpu.enqueue_indirect_dma source(%arg11 : memref<128x64xf32, #tpu.memory_space<vmem>>) target(%dma_start3A_191 : memref<10240x64xf32, #tpu.memory_space<vmem_shared>>) offsets(%dma_start3A_188 : memref<128xi32, #tpu.memory_space<vmem>>) semaphore(%arg28 : memref<!tpu.dma_semaphore, #tpu.memory_space<semaphore_mem>>) {add = true}
        %add3A_192 = arith.constant 3 : i32
        %add3A_193 = arith.addi %mul3A_117, %add3A_192 : i32
        %ge3A_194 = arith.constant 4 : i32
        %ge3A_195 = arith.cmpi sge, %add3A_193, %ge3A_194 : i32
        %convert_element_type3A_196 = arith.extui %ge3A_195 : i1 to i32
        %cond3A_197 = arith.constant 0 : i32
        %cond3A_198 = arith.cmpi ne, %convert_element_type3A_196, %cond3A_197 : i32
        scf.if %cond3A_198 {
          %sub3A = arith.constant 4 : i32
          %sub3A_322 = arith.subi %add3A_193, %sub3A : i32
          %dma_wait3A_323 = arith.constant 0 : i32
          %dma_wait3A_324 = tpu.memref_slice %arg8[%sub3A_322, %dma_wait3A_323] : memref<80x128xi32, #tpu.memory_space<vmem>> -> memref<1x128xi32, #tpu.memory_space<vmem>>
          %dma_wait3A_325 = tpu.memref_squeeze %dma_wait3A_324 : memref<1x128xi32, #tpu.memory_space<vmem>> -> memref<128xi32, #tpu.memory_space<vmem>>
          %dma_wait3A_326 = arith.constant 0 : i32
          %dma_wait3A_327 = arith.constant 0 : i32
          %dma_wait3A_328 = tpu.memref_slice %arg17[%dma_wait3A_326, %dma_wait3A_327] : memref<10240x64xf32, #tpu.memory_space<vmem_shared>> -> memref<10240x64xf32, #tpu.memory_space<vmem_shared>>
          tpu.wait_indirect_dma semaphore(%arg33 : memref<!tpu.dma_semaphore, #tpu.memory_space<semaphore_mem>>) src(%arg16 : memref<128x64xf32, #tpu.memory_space<vmem>>) dst(%dma_wait3A_328 : memref<10240x64xf32, #tpu.memory_space<vmem_shared>>)
        } else {
        }
        %add3A_199 = arith.constant 4 : i32
        %add3A_200 = arith.addi %add3A_193, %add3A_199 : i32
        %lt3A_201 = arith.constant 80 : i32
        %lt3A_202 = arith.cmpi slt, %add3A_200, %lt3A_201 : i32
        %convert_element_type3A_203 = arith.extui %lt3A_202 : i1 to i32
        %cond3A_204 = arith.constant 0 : i32
        %cond3A_205 = arith.cmpi ne, %convert_element_type3A_203, %cond3A_204 : i32
        scf.if %cond3A_205 {
          %add3A_322 = arith.constant 4 : i32
          %add3A_323 = arith.addi %add3A_193, %add3A_322 : i32
          %dma_start3A_324 = arith.constant 0 : i32
          %dma_start3A_325 = tpu.memref_slice %arg7[%add3A_323, %dma_start3A_324] : memref<80x128xi32, #tpu.memory_space<vmem>> -> memref<1x128xi32, #tpu.memory_space<vmem>>
          %dma_start3A_326 = tpu.memref_squeeze %dma_start3A_325 : memref<1x128xi32, #tpu.memory_space<vmem>> -> memref<128xi32, #tpu.memory_space<vmem>>
          %dma_start3A_327 = arith.constant 0 : i32
          %dma_start3A_328 = arith.constant 0 : i32
          %dma_start3A_329 = tpu.memref_slice %arg2[%dma_start3A_327, %dma_start3A_328] : memref<20480x64xf32, #tpu.memory_space<hbm>> -> memref<20480x64xf32, #tpu.memory_space<hbm>>
          tpu.enqueue_indirect_dma source(%dma_start3A_329 : memref<20480x64xf32, #tpu.memory_space<hbm>>) target(%arg16 : memref<128x64xf32, #tpu.memory_space<vmem>>) offsets(%dma_start3A_326 : memref<128xi32, #tpu.memory_space<vmem>>) semaphore(%arg25 : memref<!tpu.dma_semaphore, #tpu.memory_space<semaphore_mem>>)
        } else {
        }
        %dma_wait3A_206 = arith.constant 0 : i32
        %dma_wait3A_207 = tpu.memref_slice %arg7[%add3A_193, %dma_wait3A_206] : memref<80x128xi32, #tpu.memory_space<vmem>> -> memref<1x128xi32, #tpu.memory_space<vmem>>
        %dma_wait3A_208 = tpu.memref_squeeze %dma_wait3A_207 : memref<1x128xi32, #tpu.memory_space<vmem>> -> memref<128xi32, #tpu.memory_space<vmem>>
        %dma_wait3A_209 = arith.constant 0 : i32
        %dma_wait3A_210 = arith.constant 0 : i32
        %dma_wait3A_211 = tpu.memref_slice %arg2[%dma_wait3A_209, %dma_wait3A_210] : memref<20480x64xf32, #tpu.memory_space<hbm>> -> memref<20480x64xf32, #tpu.memory_space<hbm>>
        tpu.wait_indirect_dma semaphore(%arg21 : memref<!tpu.dma_semaphore, #tpu.memory_space<semaphore_mem>>) src(%dma_wait3A_211 : memref<20480x64xf32, #tpu.memory_space<hbm>>) dst(%arg12 : memref<128x64xf32, #tpu.memory_space<vmem>>)
        %dma_start3A_212 = arith.constant 0 : i32
        %dma_start3A_213 = tpu.memref_slice %arg8[%add3A_193, %dma_start3A_212] : memref<80x128xi32, #tpu.memory_space<vmem>> -> memref<1x128xi32, #tpu.memory_space<vmem>>
        %dma_start3A_214 = tpu.memref_squeeze %dma_start3A_213 : memref<1x128xi32, #tpu.memory_space<vmem>> -> memref<128xi32, #tpu.memory_space<vmem>>
        %dma_start3A_215 = arith.constant 0 : i32
        %dma_start3A_216 = arith.constant 0 : i32
        %dma_start3A_217 = tpu.memref_slice %arg17[%dma_start3A_215, %dma_start3A_216] : memref<10240x64xf32, #tpu.memory_space<vmem_shared>> -> memref<10240x64xf32, #tpu.memory_space<vmem_shared>>
        tpu.enqueue_indirect_dma source(%arg12 : memref<128x64xf32, #tpu.memory_space<vmem>>) target(%dma_start3A_217 : memref<10240x64xf32, #tpu.memory_space<vmem_shared>>) offsets(%dma_start3A_214 : memref<128xi32, #tpu.memory_space<vmem>>) semaphore(%arg29 : memref<!tpu.dma_semaphore, #tpu.memory_space<semaphore_mem>>) {add = true}
        %add3A_218 = arith.constant 4 : i32
        %add3A_219 = arith.addi %mul3A_117, %add3A_218 : i32
        %ge3A_220 = arith.constant 4 : i32
        %ge3A_221 = arith.cmpi sge, %add3A_219, %ge3A_220 : i32
        %convert_element_type3A_222 = arith.extui %ge3A_221 : i1 to i32
        %cond3A_223 = arith.constant 0 : i32
        %cond3A_224 = arith.cmpi ne, %convert_element_type3A_222, %cond3A_223 : i32
        scf.if %cond3A_224 {
          %sub3A = arith.constant 4 : i32
          %sub3A_322 = arith.subi %add3A_219, %sub3A : i32
          %dma_wait3A_323 = arith.constant 0 : i32
          %dma_wait3A_324 = tpu.memref_slice %arg8[%sub3A_322, %dma_wait3A_323] : memref<80x128xi32, #tpu.memory_space<vmem>> -> memref<1x128xi32, #tpu.memory_space<vmem>>
          %dma_wait3A_325 = tpu.memref_squeeze %dma_wait3A_324 : memref<1x128xi32, #tpu.memory_space<vmem>> -> memref<128xi32, #tpu.memory_space<vmem>>
          %dma_wait3A_326 = arith.constant 0 : i32
          %dma_wait3A_327 = arith.constant 0 : i32
          %dma_wait3A_328 = tpu.memref_slice %arg17[%dma_wait3A_326, %dma_wait3A_327] : memref<10240x64xf32, #tpu.memory_space<vmem_shared>> -> memref<10240x64xf32, #tpu.memory_space<vmem_shared>>
          tpu.wait_indirect_dma semaphore(%arg26 : memref<!tpu.dma_semaphore, #tpu.memory_space<semaphore_mem>>) src(%arg9 : memref<128x64xf32, #tpu.memory_space<vmem>>) dst(%dma_wait3A_328 : memref<10240x64xf32, #tpu.memory_space<vmem_shared>>)
        } else {
        }
        %add3A_225 = arith.constant 4 : i32
        %add3A_226 = arith.addi %add3A_219, %add3A_225 : i32
        %lt3A_227 = arith.constant 80 : i32
        %lt3A_228 = arith.cmpi slt, %add3A_226, %lt3A_227 : i32
        %convert_element_type3A_229 = arith.extui %lt3A_228 : i1 to i32
        %cond3A_230 = arith.constant 0 : i32
        %cond3A_231 = arith.cmpi ne, %convert_element_type3A_229, %cond3A_230 : i32
        scf.if %cond3A_231 {
          %add3A_322 = arith.constant 4 : i32
          %add3A_323 = arith.addi %add3A_219, %add3A_322 : i32
          %dma_start3A_324 = arith.constant 0 : i32
          %dma_start3A_325 = tpu.memref_slice %arg7[%add3A_323, %dma_start3A_324] : memref<80x128xi32, #tpu.memory_space<vmem>> -> memref<1x128xi32, #tpu.memory_space<vmem>>
          %dma_start3A_326 = tpu.memref_squeeze %dma_start3A_325 : memref<1x128xi32, #tpu.memory_space<vmem>> -> memref<128xi32, #tpu.memory_space<vmem>>
          %dma_start3A_327 = arith.constant 0 : i32
          %dma_start3A_328 = arith.constant 0 : i32
          %dma_start3A_329 = tpu.memref_slice %arg2[%dma_start3A_327, %dma_start3A_328] : memref<20480x64xf32, #tpu.memory_space<hbm>> -> memref<20480x64xf32, #tpu.memory_space<hbm>>
          tpu.enqueue_indirect_dma source(%dma_start3A_329 : memref<20480x64xf32, #tpu.memory_space<hbm>>) target(%arg9 : memref<128x64xf32, #tpu.memory_space<vmem>>) offsets(%dma_start3A_326 : memref<128xi32, #tpu.memory_space<vmem>>) semaphore(%arg18 : memref<!tpu.dma_semaphore, #tpu.memory_space<semaphore_mem>>)
        } else {
        }
        %dma_wait3A_232 = arith.constant 0 : i32
        %dma_wait3A_233 = tpu.memref_slice %arg7[%add3A_219, %dma_wait3A_232] : memref<80x128xi32, #tpu.memory_space<vmem>> -> memref<1x128xi32, #tpu.memory_space<vmem>>
        %dma_wait3A_234 = tpu.memref_squeeze %dma_wait3A_233 : memref<1x128xi32, #tpu.memory_space<vmem>> -> memref<128xi32, #tpu.memory_space<vmem>>
        %dma_wait3A_235 = arith.constant 0 : i32
        %dma_wait3A_236 = arith.constant 0 : i32
        %dma_wait3A_237 = tpu.memref_slice %arg2[%dma_wait3A_235, %dma_wait3A_236] : memref<20480x64xf32, #tpu.memory_space<hbm>> -> memref<20480x64xf32, #tpu.memory_space<hbm>>
        tpu.wait_indirect_dma semaphore(%arg22 : memref<!tpu.dma_semaphore, #tpu.memory_space<semaphore_mem>>) src(%dma_wait3A_237 : memref<20480x64xf32, #tpu.memory_space<hbm>>) dst(%arg13 : memref<128x64xf32, #tpu.memory_space<vmem>>)
        %dma_start3A_238 = arith.constant 0 : i32
        %dma_start3A_239 = tpu.memref_slice %arg8[%add3A_219, %dma_start3A_238] : memref<80x128xi32, #tpu.memory_space<vmem>> -> memref<1x128xi32, #tpu.memory_space<vmem>>
        %dma_start3A_240 = tpu.memref_squeeze %dma_start3A_239 : memref<1x128xi32, #tpu.memory_space<vmem>> -> memref<128xi32, #tpu.memory_space<vmem>>
        %dma_start3A_241 = arith.constant 0 : i32
        %dma_start3A_242 = arith.constant 0 : i32
        %dma_start3A_243 = tpu.memref_slice %arg17[%dma_start3A_241, %dma_start3A_242] : memref<10240x64xf32, #tpu.memory_space<vmem_shared>> -> memref<10240x64xf32, #tpu.memory_space<vmem_shared>>
        tpu.enqueue_indirect_dma source(%arg13 : memref<128x64xf32, #tpu.memory_space<vmem>>) target(%dma_start3A_243 : memref<10240x64xf32, #tpu.memory_space<vmem_shared>>) offsets(%dma_start3A_240 : memref<128xi32, #tpu.memory_space<vmem>>) semaphore(%arg30 : memref<!tpu.dma_semaphore, #tpu.memory_space<semaphore_mem>>) {add = true}
        %add3A_244 = arith.constant 5 : i32
        %add3A_245 = arith.addi %mul3A_117, %add3A_244 : i32
        %ge3A_246 = arith.constant 4 : i32
        %ge3A_247 = arith.cmpi sge, %add3A_245, %ge3A_246 : i32
        %convert_element_type3A_248 = arith.extui %ge3A_247 : i1 to i32
        %cond3A_249 = arith.constant 0 : i32
        %cond3A_250 = arith.cmpi ne, %convert_element_type3A_248, %cond3A_249 : i32
        scf.if %cond3A_250 {
          %sub3A = arith.constant 4 : i32
          %sub3A_322 = arith.subi %add3A_245, %sub3A : i32
          %dma_wait3A_323 = arith.constant 0 : i32
          %dma_wait3A_324 = tpu.memref_slice %arg8[%sub3A_322, %dma_wait3A_323] : memref<80x128xi32, #tpu.memory_space<vmem>> -> memref<1x128xi32, #tpu.memory_space<vmem>>
          %dma_wait3A_325 = tpu.memref_squeeze %dma_wait3A_324 : memref<1x128xi32, #tpu.memory_space<vmem>> -> memref<128xi32, #tpu.memory_space<vmem>>
          %dma_wait3A_326 = arith.constant 0 : i32
          %dma_wait3A_327 = arith.constant 0 : i32
          %dma_wait3A_328 = tpu.memref_slice %arg17[%dma_wait3A_326, %dma_wait3A_327] : memref<10240x64xf32, #tpu.memory_space<vmem_shared>> -> memref<10240x64xf32, #tpu.memory_space<vmem_shared>>
          tpu.wait_indirect_dma semaphore(%arg27 : memref<!tpu.dma_semaphore, #tpu.memory_space<semaphore_mem>>) src(%arg10 : memref<128x64xf32, #tpu.memory_space<vmem>>) dst(%dma_wait3A_328 : memref<10240x64xf32, #tpu.memory_space<vmem_shared>>)
        } else {
        }
        %add3A_251 = arith.constant 4 : i32
        %add3A_252 = arith.addi %add3A_245, %add3A_251 : i32
        %lt3A_253 = arith.constant 80 : i32
        %lt3A_254 = arith.cmpi slt, %add3A_252, %lt3A_253 : i32
        %convert_element_type3A_255 = arith.extui %lt3A_254 : i1 to i32
        %cond3A_256 = arith.constant 0 : i32
        %cond3A_257 = arith.cmpi ne, %convert_element_type3A_255, %cond3A_256 : i32
        scf.if %cond3A_257 {
          %add3A_322 = arith.constant 4 : i32
          %add3A_323 = arith.addi %add3A_245, %add3A_322 : i32
          %dma_start3A_324 = arith.constant 0 : i32
          %dma_start3A_325 = tpu.memref_slice %arg7[%add3A_323, %dma_start3A_324] : memref<80x128xi32, #tpu.memory_space<vmem>> -> memref<1x128xi32, #tpu.memory_space<vmem>>
          %dma_start3A_326 = tpu.memref_squeeze %dma_start3A_325 : memref<1x128xi32, #tpu.memory_space<vmem>> -> memref<128xi32, #tpu.memory_space<vmem>>
          %dma_start3A_327 = arith.constant 0 : i32
          %dma_start3A_328 = arith.constant 0 : i32
          %dma_start3A_329 = tpu.memref_slice %arg2[%dma_start3A_327, %dma_start3A_328] : memref<20480x64xf32, #tpu.memory_space<hbm>> -> memref<20480x64xf32, #tpu.memory_space<hbm>>
          tpu.enqueue_indirect_dma source(%dma_start3A_329 : memref<20480x64xf32, #tpu.memory_space<hbm>>) target(%arg10 : memref<128x64xf32, #tpu.memory_space<vmem>>) offsets(%dma_start3A_326 : memref<128xi32, #tpu.memory_space<vmem>>) semaphore(%arg19 : memref<!tpu.dma_semaphore, #tpu.memory_space<semaphore_mem>>)
        } else {
        }
        %dma_wait3A_258 = arith.constant 0 : i32
        %dma_wait3A_259 = tpu.memref_slice %arg7[%add3A_245, %dma_wait3A_258] : memref<80x128xi32, #tpu.memory_space<vmem>> -> memref<1x128xi32, #tpu.memory_space<vmem>>
        %dma_wait3A_260 = tpu.memref_squeeze %dma_wait3A_259 : memref<1x128xi32, #tpu.memory_space<vmem>> -> memref<128xi32, #tpu.memory_space<vmem>>
        %dma_wait3A_261 = arith.constant 0 : i32
        %dma_wait3A_262 = arith.constant 0 : i32
        %dma_wait3A_263 = tpu.memref_slice %arg2[%dma_wait3A_261, %dma_wait3A_262] : memref<20480x64xf32, #tpu.memory_space<hbm>> -> memref<20480x64xf32, #tpu.memory_space<hbm>>
        tpu.wait_indirect_dma semaphore(%arg23 : memref<!tpu.dma_semaphore, #tpu.memory_space<semaphore_mem>>) src(%dma_wait3A_263 : memref<20480x64xf32, #tpu.memory_space<hbm>>) dst(%arg14 : memref<128x64xf32, #tpu.memory_space<vmem>>)
        %dma_start3A_264 = arith.constant 0 : i32
        %dma_start3A_265 = tpu.memref_slice %arg8[%add3A_245, %dma_start3A_264] : memref<80x128xi32, #tpu.memory_space<vmem>> -> memref<1x128xi32, #tpu.memory_space<vmem>>
        %dma_start3A_266 = tpu.memref_squeeze %dma_start3A_265 : memref<1x128xi32, #tpu.memory_space<vmem>> -> memref<128xi32, #tpu.memory_space<vmem>>
        %dma_start3A_267 = arith.constant 0 : i32
        %dma_start3A_268 = arith.constant 0 : i32
        %dma_start3A_269 = tpu.memref_slice %arg17[%dma_start3A_267, %dma_start3A_268] : memref<10240x64xf32, #tpu.memory_space<vmem_shared>> -> memref<10240x64xf32, #tpu.memory_space<vmem_shared>>
        tpu.enqueue_indirect_dma source(%arg14 : memref<128x64xf32, #tpu.memory_space<vmem>>) target(%dma_start3A_269 : memref<10240x64xf32, #tpu.memory_space<vmem_shared>>) offsets(%dma_start3A_266 : memref<128xi32, #tpu.memory_space<vmem>>) semaphore(%arg31 : memref<!tpu.dma_semaphore, #tpu.memory_space<semaphore_mem>>) {add = true}
        %add3A_270 = arith.constant 6 : i32
        %add3A_271 = arith.addi %mul3A_117, %add3A_270 : i32
        %ge3A_272 = arith.constant 4 : i32
        %ge3A_273 = arith.cmpi sge, %add3A_271, %ge3A_272 : i32
        %convert_element_type3A_274 = arith.extui %ge3A_273 : i1 to i32
        %cond3A_275 = arith.constant 0 : i32
        %cond3A_276 = arith.cmpi ne, %convert_element_type3A_274, %cond3A_275 : i32
        scf.if %cond3A_276 {
          %sub3A = arith.constant 4 : i32
          %sub3A_322 = arith.subi %add3A_271, %sub3A : i32
          %dma_wait3A_323 = arith.constant 0 : i32
          %dma_wait3A_324 = tpu.memref_slice %arg8[%sub3A_322, %dma_wait3A_323] : memref<80x128xi32, #tpu.memory_space<vmem>> -> memref<1x128xi32, #tpu.memory_space<vmem>>
          %dma_wait3A_325 = tpu.memref_squeeze %dma_wait3A_324 : memref<1x128xi32, #tpu.memory_space<vmem>> -> memref<128xi32, #tpu.memory_space<vmem>>
          %dma_wait3A_326 = arith.constant 0 : i32
          %dma_wait3A_327 = arith.constant 0 : i32
          %dma_wait3A_328 = tpu.memref_slice %arg17[%dma_wait3A_326, %dma_wait3A_327] : memref<10240x64xf32, #tpu.memory_space<vmem_shared>> -> memref<10240x64xf32, #tpu.memory_space<vmem_shared>>
          tpu.wait_indirect_dma semaphore(%arg28 : memref<!tpu.dma_semaphore, #tpu.memory_space<semaphore_mem>>) src(%arg11 : memref<128x64xf32, #tpu.memory_space<vmem>>) dst(%dma_wait3A_328 : memref<10240x64xf32, #tpu.memory_space<vmem_shared>>)
        } else {
        }
        %add3A_277 = arith.constant 4 : i32
        %add3A_278 = arith.addi %add3A_271, %add3A_277 : i32
        %lt3A_279 = arith.constant 80 : i32
        %lt3A_280 = arith.cmpi slt, %add3A_278, %lt3A_279 : i32
        %convert_element_type3A_281 = arith.extui %lt3A_280 : i1 to i32
        %cond3A_282 = arith.constant 0 : i32
        %cond3A_283 = arith.cmpi ne, %convert_element_type3A_281, %cond3A_282 : i32
        scf.if %cond3A_283 {
          %add3A_322 = arith.constant 4 : i32
          %add3A_323 = arith.addi %add3A_271, %add3A_322 : i32
          %dma_start3A_324 = arith.constant 0 : i32
          %dma_start3A_325 = tpu.memref_slice %arg7[%add3A_323, %dma_start3A_324] : memref<80x128xi32, #tpu.memory_space<vmem>> -> memref<1x128xi32, #tpu.memory_space<vmem>>
          %dma_start3A_326 = tpu.memref_squeeze %dma_start3A_325 : memref<1x128xi32, #tpu.memory_space<vmem>> -> memref<128xi32, #tpu.memory_space<vmem>>
          %dma_start3A_327 = arith.constant 0 : i32
          %dma_start3A_328 = arith.constant 0 : i32
          %dma_start3A_329 = tpu.memref_slice %arg2[%dma_start3A_327, %dma_start3A_328] : memref<20480x64xf32, #tpu.memory_space<hbm>> -> memref<20480x64xf32, #tpu.memory_space<hbm>>
          tpu.enqueue_indirect_dma source(%dma_start3A_329 : memref<20480x64xf32, #tpu.memory_space<hbm>>) target(%arg11 : memref<128x64xf32, #tpu.memory_space<vmem>>) offsets(%dma_start3A_326 : memref<128xi32, #tpu.memory_space<vmem>>) semaphore(%arg20 : memref<!tpu.dma_semaphore, #tpu.memory_space<semaphore_mem>>)
        } else {
        }
        %dma_wait3A_284 = arith.constant 0 : i32
        %dma_wait3A_285 = tpu.memref_slice %arg7[%add3A_271, %dma_wait3A_284] : memref<80x128xi32, #tpu.memory_space<vmem>> -> memref<1x128xi32, #tpu.memory_space<vmem>>
        %dma_wait3A_286 = tpu.memref_squeeze %dma_wait3A_285 : memref<1x128xi32, #tpu.memory_space<vmem>> -> memref<128xi32, #tpu.memory_space<vmem>>
        %dma_wait3A_287 = arith.constant 0 : i32
        %dma_wait3A_288 = arith.constant 0 : i32
        %dma_wait3A_289 = tpu.memref_slice %arg2[%dma_wait3A_287, %dma_wait3A_288] : memref<20480x64xf32, #tpu.memory_space<hbm>> -> memref<20480x64xf32, #tpu.memory_space<hbm>>
        tpu.wait_indirect_dma semaphore(%arg24 : memref<!tpu.dma_semaphore, #tpu.memory_space<semaphore_mem>>) src(%dma_wait3A_289 : memref<20480x64xf32, #tpu.memory_space<hbm>>) dst(%arg15 : memref<128x64xf32, #tpu.memory_space<vmem>>)
        %dma_start3A_290 = arith.constant 0 : i32
        %dma_start3A_291 = tpu.memref_slice %arg8[%add3A_271, %dma_start3A_290] : memref<80x128xi32, #tpu.memory_space<vmem>> -> memref<1x128xi32, #tpu.memory_space<vmem>>
        %dma_start3A_292 = tpu.memref_squeeze %dma_start3A_291 : memref<1x128xi32, #tpu.memory_space<vmem>> -> memref<128xi32, #tpu.memory_space<vmem>>
        %dma_start3A_293 = arith.constant 0 : i32
        %dma_start3A_294 = arith.constant 0 : i32
        %dma_start3A_295 = tpu.memref_slice %arg17[%dma_start3A_293, %dma_start3A_294] : memref<10240x64xf32, #tpu.memory_space<vmem_shared>> -> memref<10240x64xf32, #tpu.memory_space<vmem_shared>>
        tpu.enqueue_indirect_dma source(%arg15 : memref<128x64xf32, #tpu.memory_space<vmem>>) target(%dma_start3A_295 : memref<10240x64xf32, #tpu.memory_space<vmem_shared>>) offsets(%dma_start3A_292 : memref<128xi32, #tpu.memory_space<vmem>>) semaphore(%arg32 : memref<!tpu.dma_semaphore, #tpu.memory_space<semaphore_mem>>) {add = true}
        %add3A_296 = arith.constant 7 : i32
        %add3A_297 = arith.addi %mul3A_117, %add3A_296 : i32
        %ge3A_298 = arith.constant 4 : i32
        %ge3A_299 = arith.cmpi sge, %add3A_297, %ge3A_298 : i32
        %convert_element_type3A_300 = arith.extui %ge3A_299 : i1 to i32
        %cond3A_301 = arith.constant 0 : i32
        %cond3A_302 = arith.cmpi ne, %convert_element_type3A_300, %cond3A_301 : i32
        scf.if %cond3A_302 {
          %sub3A = arith.constant 4 : i32
          %sub3A_322 = arith.subi %add3A_297, %sub3A : i32
          %dma_wait3A_323 = arith.constant 0 : i32
          %dma_wait3A_324 = tpu.memref_slice %arg8[%sub3A_322, %dma_wait3A_323] : memref<80x128xi32, #tpu.memory_space<vmem>> -> memref<1x128xi32, #tpu.memory_space<vmem>>
          %dma_wait3A_325 = tpu.memref_squeeze %dma_wait3A_324 : memref<1x128xi32, #tpu.memory_space<vmem>> -> memref<128xi32, #tpu.memory_space<vmem>>
          %dma_wait3A_326 = arith.constant 0 : i32
          %dma_wait3A_327 = arith.constant 0 : i32
          %dma_wait3A_328 = tpu.memref_slice %arg17[%dma_wait3A_326, %dma_wait3A_327] : memref<10240x64xf32, #tpu.memory_space<vmem_shared>> -> memref<10240x64xf32, #tpu.memory_space<vmem_shared>>
          tpu.wait_indirect_dma semaphore(%arg29 : memref<!tpu.dma_semaphore, #tpu.memory_space<semaphore_mem>>) src(%arg12 : memref<128x64xf32, #tpu.memory_space<vmem>>) dst(%dma_wait3A_328 : memref<10240x64xf32, #tpu.memory_space<vmem_shared>>)
        } else {
        }
        %add3A_303 = arith.constant 4 : i32
        %add3A_304 = arith.addi %add3A_297, %add3A_303 : i32
        %lt3A_305 = arith.constant 80 : i32
        %lt3A_306 = arith.cmpi slt, %add3A_304, %lt3A_305 : i32
        %convert_element_type3A_307 = arith.extui %lt3A_306 : i1 to i32
        %cond3A_308 = arith.constant 0 : i32
        %cond3A_309 = arith.cmpi ne, %convert_element_type3A_307, %cond3A_308 : i32
        scf.if %cond3A_309 {
          %add3A_322 = arith.constant 4 : i32
          %add3A_323 = arith.addi %add3A_297, %add3A_322 : i32
          %dma_start3A_324 = arith.constant 0 : i32
          %dma_start3A_325 = tpu.memref_slice %arg7[%add3A_323, %dma_start3A_324] : memref<80x128xi32, #tpu.memory_space<vmem>> -> memref<1x128xi32, #tpu.memory_space<vmem>>
          %dma_start3A_326 = tpu.memref_squeeze %dma_start3A_325 : memref<1x128xi32, #tpu.memory_space<vmem>> -> memref<128xi32, #tpu.memory_space<vmem>>
          %dma_start3A_327 = arith.constant 0 : i32
          %dma_start3A_328 = arith.constant 0 : i32
          %dma_start3A_329 = tpu.memref_slice %arg2[%dma_start3A_327, %dma_start3A_328] : memref<20480x64xf32, #tpu.memory_space<hbm>> -> memref<20480x64xf32, #tpu.memory_space<hbm>>
          tpu.enqueue_indirect_dma source(%dma_start3A_329 : memref<20480x64xf32, #tpu.memory_space<hbm>>) target(%arg12 : memref<128x64xf32, #tpu.memory_space<vmem>>) offsets(%dma_start3A_326 : memref<128xi32, #tpu.memory_space<vmem>>) semaphore(%arg21 : memref<!tpu.dma_semaphore, #tpu.memory_space<semaphore_mem>>)
        } else {
        }
        %dma_wait3A_310 = arith.constant 0 : i32
        %dma_wait3A_311 = tpu.memref_slice %arg7[%add3A_297, %dma_wait3A_310] : memref<80x128xi32, #tpu.memory_space<vmem>> -> memref<1x128xi32, #tpu.memory_space<vmem>>
        %dma_wait3A_312 = tpu.memref_squeeze %dma_wait3A_311 : memref<1x128xi32, #tpu.memory_space<vmem>> -> memref<128xi32, #tpu.memory_space<vmem>>
        %dma_wait3A_313 = arith.constant 0 : i32
        %dma_wait3A_314 = arith.constant 0 : i32
        %dma_wait3A_315 = tpu.memref_slice %arg2[%dma_wait3A_313, %dma_wait3A_314] : memref<20480x64xf32, #tpu.memory_space<hbm>> -> memref<20480x64xf32, #tpu.memory_space<hbm>>
        tpu.wait_indirect_dma semaphore(%arg25 : memref<!tpu.dma_semaphore, #tpu.memory_space<semaphore_mem>>) src(%dma_wait3A_315 : memref<20480x64xf32, #tpu.memory_space<hbm>>) dst(%arg16 : memref<128x64xf32, #tpu.memory_space<vmem>>)
        %dma_start3A_316 = arith.constant 0 : i32
        %dma_start3A_317 = tpu.memref_slice %arg8[%add3A_297, %dma_start3A_316] : memref<80x128xi32, #tpu.memory_space<vmem>> -> memref<1x128xi32, #tpu.memory_space<vmem>>
        %dma_start3A_318 = tpu.memref_squeeze %dma_start3A_317 : memref<1x128xi32, #tpu.memory_space<vmem>> -> memref<128xi32, #tpu.memory_space<vmem>>
        %dma_start3A_319 = arith.constant 0 : i32
        %dma_start3A_320 = arith.constant 0 : i32
        %dma_start3A_321 = tpu.memref_slice %arg17[%dma_start3A_319, %dma_start3A_320] : memref<10240x64xf32, #tpu.memory_space<vmem_shared>> -> memref<10240x64xf32, #tpu.memory_space<vmem_shared>>
        tpu.enqueue_indirect_dma source(%arg16 : memref<128x64xf32, #tpu.memory_space<vmem>>) target(%dma_start3A_321 : memref<10240x64xf32, #tpu.memory_space<vmem_shared>>) offsets(%dma_start3A_318 : memref<128xi32, #tpu.memory_space<vmem>>) semaphore(%arg33 : memref<!tpu.dma_semaphore, #tpu.memory_space<semaphore_mem>>) {add = true}
      }
      %scan3A_82 = arith.constant 10 : i32
      %dma_wait3A_83 = arith.constant 76 : i32
      %dma_wait3A_84 = arith.constant 0 : i32
      %dma_wait3A_85 = tpu.memref_slice %arg8[%dma_wait3A_83, %dma_wait3A_84] : memref<80x128xi32, #tpu.memory_space<vmem>> -> memref<1x128xi32, #tpu.memory_space<vmem>>
      %dma_wait3A_86 = tpu.memref_squeeze %dma_wait3A_85 : memref<1x128xi32, #tpu.memory_space<vmem>> -> memref<128xi32, #tpu.memory_space<vmem>>
      %dma_wait3A_87 = arith.constant 0 : i32
      %dma_wait3A_88 = arith.constant 0 : i32
      %dma_wait3A_89 = tpu.memref_slice %arg17[%dma_wait3A_87, %dma_wait3A_88] : memref<10240x64xf32, #tpu.memory_space<vmem_shared>> -> memref<10240x64xf32, #tpu.memory_space<vmem_shared>>
      tpu.wait_indirect_dma semaphore(%arg30 : memref<!tpu.dma_semaphore, #tpu.memory_space<semaphore_mem>>) src(%arg13 : memref<128x64xf32, #tpu.memory_space<vmem>>) dst(%dma_wait3A_89 : memref<10240x64xf32, #tpu.memory_space<vmem_shared>>)
      %dma_wait3A_90 = arith.constant 77 : i32
      %dma_wait3A_91 = arith.constant 0 : i32
      %dma_wait3A_92 = tpu.memref_slice %arg8[%dma_wait3A_90, %dma_wait3A_91] : memref<80x128xi32, #tpu.memory_space<vmem>> -> memref<1x128xi32, #tpu.memory_space<vmem>>
      %dma_wait3A_93 = tpu.memref_squeeze %dma_wait3A_92 : memref<1x128xi32, #tpu.memory_space<vmem>> -> memref<128xi32, #tpu.memory_space<vmem>>
      %dma_wait3A_94 = arith.constant 0 : i32
      %dma_wait3A_95 = arith.constant 0 : i32
      %dma_wait3A_96 = tpu.memref_slice %arg17[%dma_wait3A_94, %dma_wait3A_95] : memref<10240x64xf32, #tpu.memory_space<vmem_shared>> -> memref<10240x64xf32, #tpu.memory_space<vmem_shared>>
      tpu.wait_indirect_dma semaphore(%arg31 : memref<!tpu.dma_semaphore, #tpu.memory_space<semaphore_mem>>) src(%arg14 : memref<128x64xf32, #tpu.memory_space<vmem>>) dst(%dma_wait3A_96 : memref<10240x64xf32, #tpu.memory_space<vmem_shared>>)
      %dma_wait3A_97 = arith.constant 78 : i32
      %dma_wait3A_98 = arith.constant 0 : i32
      %dma_wait3A_99 = tpu.memref_slice %arg8[%dma_wait3A_97, %dma_wait3A_98] : memref<80x128xi32, #tpu.memory_space<vmem>> -> memref<1x128xi32, #tpu.memory_space<vmem>>
      %dma_wait3A_100 = tpu.memref_squeeze %dma_wait3A_99 : memref<1x128xi32, #tpu.memory_space<vmem>> -> memref<128xi32, #tpu.memory_space<vmem>>
      %dma_wait3A_101 = arith.constant 0 : i32
      %dma_wait3A_102 = arith.constant 0 : i32
      %dma_wait3A_103 = tpu.memref_slice %arg17[%dma_wait3A_101, %dma_wait3A_102] : memref<10240x64xf32, #tpu.memory_space<vmem_shared>> -> memref<10240x64xf32, #tpu.memory_space<vmem_shared>>
      tpu.wait_indirect_dma semaphore(%arg32 : memref<!tpu.dma_semaphore, #tpu.memory_space<semaphore_mem>>) src(%arg15 : memref<128x64xf32, #tpu.memory_space<vmem>>) dst(%dma_wait3A_103 : memref<10240x64xf32, #tpu.memory_space<vmem_shared>>)
      %dma_wait3A_104 = arith.constant 79 : i32
      %dma_wait3A_105 = arith.constant 0 : i32
      %dma_wait3A_106 = tpu.memref_slice %arg8[%dma_wait3A_104, %dma_wait3A_105] : memref<80x128xi32, #tpu.memory_space<vmem>> -> memref<1x128xi32, #tpu.memory_space<vmem>>
      %dma_wait3A_107 = tpu.memref_squeeze %dma_wait3A_106 : memref<1x128xi32, #tpu.memory_space<vmem>> -> memref<128xi32, #tpu.memory_space<vmem>>
      %dma_wait3A_108 = arith.constant 0 : i32
      %dma_wait3A_109 = arith.constant 0 : i32
      %dma_wait3A_110 = tpu.memref_slice %arg17[%dma_wait3A_108, %dma_wait3A_109] : memref<10240x64xf32, #tpu.memory_space<vmem_shared>> -> memref<10240x64xf32, #tpu.memory_space<vmem_shared>>
      tpu.wait_indirect_dma semaphore(%arg33 : memref<!tpu.dma_semaphore, #tpu.memory_space<semaphore_mem>>) src(%arg16 : memref<128x64xf32, #tpu.memory_space<vmem>>) dst(%dma_wait3A_110 : memref<10240x64xf32, #tpu.memory_space<vmem_shared>>)
    }
    %scan3A_10 = arith.constant 2 : i32
    %barrier3A_11 = arith.constant 0 : index
    tpu.barrier barrier_id(%barrier3A_11)
    %mul3A_12 = arith.constant 64 : i32
    %mul3A_13 = arith.muli %arg0, %mul3A_12 : i32
    %dma_start3A_14 = tpu.memref_slice %arg6[%mul3A_0, %mul3A_13] : memref<10240x128xf32, #tpu.memory_space<hbm>> -> memref<640x64xf32, #tpu.memory_space<hbm>>
    %dma_start3A_15 = arith.constant 0 : i32
    %dma_start3A_16 = tpu.memref_slice %arg17[%mul3A_0, %dma_start3A_15] : memref<10240x64xf32, #tpu.memory_space<vmem_shared>> -> memref<640x64xf32, #tpu.memory_space<vmem_shared>>
    tpu.enqueue_dma source(%dma_start3A_16 : memref<640x64xf32, #tpu.memory_space<vmem_shared>>) target(%dma_start3A_14 : memref<640x64xf32, #tpu.memory_space<hbm>>) target_semaphore(%arg34 : memref<!tpu.dma_semaphore, #tpu.memory_space<semaphore_mem>>)
    %dma_wait3A_17 = tpu.memref_slice %arg6[%mul3A_0, %mul3A_13] : memref<10240x128xf32, #tpu.memory_space<hbm>> -> memref<640x64xf32, #tpu.memory_space<hbm>>
    %dma_wait3A_18 = arith.constant 0 : i32
    %dma_wait3A_19 = tpu.memref_slice %arg17[%mul3A_0, %dma_wait3A_18] : memref<10240x64xf32, #tpu.memory_space<vmem_shared>> -> memref<640x64xf32, #tpu.memory_space<vmem_shared>>
    tpu.wait_dma2 semaphore(%arg34 : memref<!tpu.dma_semaphore, #tpu.memory_space<semaphore_mem>>) src(%dma_wait3A_19 : memref<640x64xf32, #tpu.memory_space<vmem_shared>>) dst(%dma_wait3A_17 : memref<640x64xf32, #tpu.memory_space<hbm>>)
    return
  }
}

module attributes {stable_mosaic.version = 14 : i64} {
  func.func @_pre_body(%arg0: memref<32x10240xf32, #tpu.memory_space<vmem>>, %arg1: memref<10000x128xf32, #tpu.memory_space<vmem>>, %arg2: memref<128x128xf32, #tpu.memory_space<vmem>>, %arg3: memref<128xf32, #tpu.memory_space<vmem>>, %arg4: memref<128x128xf32, #tpu.memory_space<vmem>>, %arg5: memref<10240xf32, #tpu.memory_space<vmem>>, %arg6: memref<10240x128xf32, #tpu.memory_space<vmem>>) attributes {dimension_semantics = [], scalar_prefetch = 0 : i64, scratch_operands = 0 : i64, tpu.core_type = #tpu.core_type<tc>} {
    %get3A = arith.constant 0 : index
    %get3A_0 = arith.constant 0 : index
    %get3A_1 = vector.load %arg0[%get3A, %get3A_0] : memref<32x10240xf32, #tpu.memory_space<vmem>>, vector<32x10240xf32>
    %reduce_sum3A = arith.constant dense<0.000000e+00> : vector<10240xf32>
    %reduce_sum3A_2 = vector.multi_reduction <add>, %get3A_1, %reduce_sum3A [0] : vector<32x10240xf32> to vector<10240xf32>
    %add3A = arith.constant 1.000000e+00 : f32
    %add3A_3 = vector.broadcast %add3A : f32 to vector<10240xf32>
    %add3A_4 = arith.addf %add3A_3, %reduce_sum3A_2 : vector<10240xf32>
    %rsqrt3A = math.rsqrt %add3A_4 : vector<10240xf32>
    %swap3A = arith.constant 0 : index
    %swap3A_5 = vector.load %arg5[%swap3A] : memref<10240xf32, #tpu.memory_space<vmem>>, vector<10240xf32>
    tpu.vector_store %arg5[%swap3A], %rsqrt3A {strides = array<i32>} : memref<10240xf32, #tpu.memory_space<vmem>>, vector<10240xf32>,
    %get3A_6 = arith.constant 0 : index
    %get3A_7 = arith.constant 0 : index
    %get3A_8 = vector.load %arg1[%get3A_6, %get3A_7] : memref<10000x128xf32, #tpu.memory_space<vmem>>, vector<10000x128xf32>
    %get3A_9 = arith.constant 0 : index
    %get3A_10 = arith.constant 0 : index
    %get3A_11 = vector.load %arg2[%get3A_9, %get3A_10] : memref<128x128xf32, #tpu.memory_space<vmem>>, vector<128x128xf32>
    %dot_general3A = arith.constant dense<0.000000e+00> : vector<10000x128xf32>
    %dot_general3A_12 = tpu.matmul %get3A_8, %get3A_11, %dot_general3A {dimension_numbers = #tpu.dot_dimension_numbers<[1], [0], [0], [1], [0, 0, 1, 1], [], []>, transpose_lhs_hint = false} : vector<10000x128xf32>, vector<128x128xf32>, vector<10000x128xf32> -> vector<10000x128xf32>
    %get3A_13 = arith.constant 0 : index
    %get3A_14 = vector.load %arg3[%get3A_13] : memref<128xf32, #tpu.memory_space<vmem>>, vector<128xf32>
    %broadcast_in_dim3A = vector.shape_cast %get3A_14 : vector<128xf32> to vector<1x128xf32>
    %add3A_15 = vector.broadcast %broadcast_in_dim3A : vector<1x128xf32> to vector<10000x128xf32>
    %add3A_16 = arith.addf %dot_general3A_12, %add3A_15 : vector<10000x128xf32>
    %max3A = arith.constant 0.000000e+00 : f32
    %max3A_17 = vector.broadcast %max3A : f32 to vector<10000x128xf32>
    %max3A_18 = arith.maximumf %add3A_16, %max3A_17 : vector<10000x128xf32>
    %get3A_19 = arith.constant 0 : index
    %get3A_20 = arith.constant 0 : index
    %get3A_21 = vector.load %arg4[%get3A_19, %get3A_20] : memref<128x128xf32, #tpu.memory_space<vmem>>, vector<128x128xf32>
    %dot_general3A_22 = arith.constant dense<0.000000e+00> : vector<10000x128xf32>
    %dot_general3A_23 = tpu.matmul %max3A_18, %get3A_21, %dot_general3A_22 {dimension_numbers = #tpu.dot_dimension_numbers<[1], [0], [0], [1], [0, 0, 1, 1], [], []>, transpose_lhs_hint = false} : vector<10000x128xf32>, vector<128x128xf32>, vector<10000x128xf32> -> vector<10000x128xf32>
    %slice3A = vector.extract_strided_slice %rsqrt3A {offsets = [0], sizes = [10000], strides = [1]} : vector<10240xf32> to vector<10000xf32>
    %broadcast_in_dim3A_24 = vector.shape_cast %slice3A : vector<10000xf32> to vector<10000x1xf32>
    %mul3A = vector.broadcast %broadcast_in_dim3A_24 : vector<10000x1xf32> to vector<10000x128xf32>
    %mul3A_25 = arith.mulf %dot_general3A_23, %mul3A : vector<10000x128xf32>
    %swap3A_26 = arith.constant 0 : index
    %swap3A_27 = arith.constant 0 : index
    %swap3A_28 = vector.load %arg6[%swap3A_26, %swap3A_27] : memref<10240x128xf32, #tpu.memory_space<vmem>>, vector<10000x128xf32>
    tpu.vector_store %arg6[%swap3A_26, %swap3A_27], %mul3A_25 {strides = array<i32>} : memref<10240x128xf32, #tpu.memory_space<vmem>>, vector<10000x128xf32>,
    %broadcast_in_dim3A_29 = arith.constant 0.000000e+00 : f32
    %broadcast_in_dim3A_30 = vector.broadcast %broadcast_in_dim3A_29 : f32 to vector<240x128xf32>
    %swap3A_31 = arith.constant 10000 : index
    %swap3A_32 = arith.constant 0 : index
    %swap3A_33 = vector.load %arg6[%swap3A_31, %swap3A_32] : memref<10240x128xf32, #tpu.memory_space<vmem>>, vector<240x128xf32>
    tpu.vector_store %arg6[%swap3A_31, %swap3A_32], %broadcast_in_dim3A_30 {strides = array<i32>} : memref<10240x128xf32, #tpu.memory_space<vmem>>, vector<240x128xf32>,
    return
  }
}

module attributes {stable_mosaic.version = 14 : i64} {
  func.func @_fused2_body(%arg0: memref<10240x128xf32, #tpu.memory_space<vmem>>, %arg1: memref<10240x128xf32, #tpu.memory_space<vmem>>, %arg2: memref<10240xf32, #tpu.memory_space<vmem>>, %arg3: memref<128xf32, #tpu.memory_space<vmem>>, %arg4: memref<128x128xf32, #tpu.memory_space<vmem>>, %arg5: memref<128xf32, #tpu.memory_space<vmem>>, %arg6: memref<128x128xf32, #tpu.memory_space<vmem>>, %arg7: memref<10240x128xf32, #tpu.memory_space<vmem>>) attributes {dimension_semantics = [], scalar_prefetch = 0 : i64, scratch_operands = 0 : i64, tpu.core_type = #tpu.core_type<tc>} {
    %get3A = arith.constant 0 : index
    %get3A_0 = vector.load %arg2[%get3A] : memref<10240xf32, #tpu.memory_space<vmem>>, vector<10000xf32>
    %get3A_1 = arith.constant 0 : index
    %get3A_2 = arith.constant 0 : index
    %get3A_3 = vector.load %arg0[%get3A_1, %get3A_2] : memref<10240x128xf32, #tpu.memory_space<vmem>>, vector<10000x128xf32>
    %get3A_4 = arith.constant 0 : index
    %get3A_5 = arith.constant 0 : index
    %get3A_6 = vector.load %arg1[%get3A_4, %get3A_5] : memref<10240x128xf32, #tpu.memory_space<vmem>>, vector<10000x128xf32>
    %add3A = arith.addf %get3A_3, %get3A_6 : vector<10000x128xf32>
    %broadcast_in_dim3A = vector.shape_cast %get3A_0 : vector<10000xf32> to vector<10000x1xf32>
    %mul3A = vector.broadcast %broadcast_in_dim3A : vector<10000x1xf32> to vector<10000x128xf32>
    %mul3A_7 = arith.mulf %add3A, %mul3A : vector<10000x128xf32>
    %get3A_8 = arith.constant 0 : index
    %get3A_9 = vector.load %arg3[%get3A_8] : memref<128xf32, #tpu.memory_space<vmem>>, vector<128xf32>
    %broadcast_in_dim3A_10 = vector.shape_cast %get3A_9 : vector<128xf32> to vector<1x128xf32>
    %add3A_11 = vector.broadcast %broadcast_in_dim3A_10 : vector<1x128xf32> to vector<10000x128xf32>
    %add3A_12 = arith.addf %mul3A_7, %add3A_11 : vector<10000x128xf32>
    %max3A = arith.constant 0.000000e+00 : f32
    %max3A_13 = vector.broadcast %max3A : f32 to vector<10000x128xf32>
    %max3A_14 = arith.maximumf %add3A_12, %max3A_13 : vector<10000x128xf32>
    %get3A_15 = arith.constant 0 : index
    %get3A_16 = arith.constant 0 : index
    %get3A_17 = vector.load %arg4[%get3A_15, %get3A_16] : memref<128x128xf32, #tpu.memory_space<vmem>>, vector<128x128xf32>
    %dot_general3A = arith.constant dense<0.000000e+00> : vector<10000x128xf32>
    %dot_general3A_18 = tpu.matmul %max3A_14, %get3A_17, %dot_general3A {dimension_numbers = #tpu.dot_dimension_numbers<[1], [0], [0], [1], [0, 0, 1, 1], [], []>, transpose_lhs_hint = false} : vector<10000x128xf32>, vector<128x128xf32>, vector<10000x128xf32> -> vector<10000x128xf32>
    %get3A_19 = arith.constant 0 : index
    %get3A_20 = vector.load %arg5[%get3A_19] : memref<128xf32, #tpu.memory_space<vmem>>, vector<128xf32>
    %broadcast_in_dim3A_21 = vector.shape_cast %get3A_20 : vector<128xf32> to vector<1x128xf32>
    %add3A_22 = vector.broadcast %broadcast_in_dim3A_21 : vector<1x128xf32> to vector<10000x128xf32>
    %add3A_23 = arith.addf %dot_general3A_18, %add3A_22 : vector<10000x128xf32>
    %max3A_24 = arith.constant 0.000000e+00 : f32
    %max3A_25 = vector.broadcast %max3A_24 : f32 to vector<10000x128xf32>
    %max3A_26 = arith.maximumf %add3A_23, %max3A_25 : vector<10000x128xf32>
    %get3A_27 = arith.constant 0 : index
    %get3A_28 = arith.constant 0 : index
    %get3A_29 = vector.load %arg6[%get3A_27, %get3A_28] : memref<128x128xf32, #tpu.memory_space<vmem>>, vector<128x128xf32>
    %dot_general3A_30 = arith.constant dense<0.000000e+00> : vector<10000x128xf32>
    %dot_general3A_31 = tpu.matmul %max3A_26, %get3A_29, %dot_general3A_30 {dimension_numbers = #tpu.dot_dimension_numbers<[1], [0], [0], [1], [0, 0, 1, 1], [], []>, transpose_lhs_hint = false} : vector<10000x128xf32>, vector<128x128xf32>, vector<10000x128xf32> -> vector<10000x128xf32>
    %broadcast_in_dim3A_32 = vector.shape_cast %get3A_0 : vector<10000xf32> to vector<10000x1xf32>
    %mul3A_33 = vector.broadcast %broadcast_in_dim3A_32 : vector<10000x1xf32> to vector<10000x128xf32>
    %mul3A_34 = arith.mulf %dot_general3A_31, %mul3A_33 : vector<10000x128xf32>
    %swap3A = arith.constant 0 : index
    %swap3A_35 = arith.constant 0 : index
    %swap3A_36 = vector.load %arg7[%swap3A, %swap3A_35] : memref<10240x128xf32, #tpu.memory_space<vmem>>, vector<10000x128xf32>
    tpu.vector_store %arg7[%swap3A, %swap3A_35], %mul3A_34 {strides = array<i32>} : memref<10240x128xf32, #tpu.memory_space<vmem>>, vector<10000x128xf32>,
    %broadcast_in_dim3A_37 = arith.constant 0.000000e+00 : f32
    %broadcast_in_dim3A_38 = vector.broadcast %broadcast_in_dim3A_37 : f32 to vector<240x128xf32>
    %swap3A_39 = arith.constant 10000 : index
    %swap3A_40 = arith.constant 0 : index
    %swap3A_41 = vector.load %arg7[%swap3A_39, %swap3A_40] : memref<10240x128xf32, #tpu.memory_space<vmem>>, vector<240x128xf32>
    tpu.vector_store %arg7[%swap3A_39, %swap3A_40], %broadcast_in_dim3A_38 {strides = array<i32>} : memref<10240x128xf32, #tpu.memory_space<vmem>>, vector<240x128xf32>,
    return
  }
}

module attributes {stable_mosaic.version = 14 : i64} {
  func.func @_fused3_body(%arg0: memref<10240x128xf32, #tpu.memory_space<vmem>>, %arg1: memref<10240x128xf32, #tpu.memory_space<vmem>>, %arg2: memref<10240xf32, #tpu.memory_space<vmem>>, %arg3: memref<128xf32, #tpu.memory_space<vmem>>, %arg4: memref<128x64xf32, #tpu.memory_space<vmem>>, %arg5: memref<64xf32, #tpu.memory_space<vmem>>, %arg6: memref<10000xi32, #tpu.memory_space<vmem>>, %arg7: memref<64x64xf32, #tpu.memory_space<vmem>>) attributes {dimension_semantics = [], scalar_prefetch = 0 : i64, scratch_operands = 0 : i64, tpu.core_type = #tpu.core_type<tc>} {
    %get3A = arith.constant 0 : index
    %get3A_0 = vector.load %arg2[%get3A] : memref<10240xf32, #tpu.memory_space<vmem>>, vector<10000xf32>
    %get3A_1 = arith.constant 0 : index
    %get3A_2 = arith.constant 0 : index
    %get3A_3 = vector.load %arg0[%get3A_1, %get3A_2] : memref<10240x128xf32, #tpu.memory_space<vmem>>, vector<10000x128xf32>
    %get3A_4 = arith.constant 0 : index
    %get3A_5 = arith.constant 0 : index
    %get3A_6 = vector.load %arg1[%get3A_4, %get3A_5] : memref<10240x128xf32, #tpu.memory_space<vmem>>, vector<10000x128xf32>
    %add3A = arith.addf %get3A_3, %get3A_6 : vector<10000x128xf32>
    %broadcast_in_dim3A = vector.shape_cast %get3A_0 : vector<10000xf32> to vector<10000x1xf32>
    %mul3A = vector.broadcast %broadcast_in_dim3A : vector<10000x1xf32> to vector<10000x128xf32>
    %mul3A_7 = arith.mulf %add3A, %mul3A : vector<10000x128xf32>
    %get3A_8 = arith.constant 0 : index
    %get3A_9 = vector.load %arg3[%get3A_8] : memref<128xf32, #tpu.memory_space<vmem>>, vector<128xf32>
    %broadcast_in_dim3A_10 = vector.shape_cast %get3A_9 : vector<128xf32> to vector<1x128xf32>
    %add3A_11 = vector.broadcast %broadcast_in_dim3A_10 : vector<1x128xf32> to vector<10000x128xf32>
    %add3A_12 = arith.addf %mul3A_7, %add3A_11 : vector<10000x128xf32>
    %max3A = arith.constant 0.000000e+00 : f32
    %max3A_13 = vector.broadcast %max3A : f32 to vector<10000x128xf32>
    %max3A_14 = arith.maximumf %add3A_12, %max3A_13 : vector<10000x128xf32>
    %get3A_15 = arith.constant 0 : index
    %get3A_16 = arith.constant 0 : index
    %get3A_17 = vector.load %arg4[%get3A_15, %get3A_16] : memref<128x64xf32, #tpu.memory_space<vmem>>, vector<128x64xf32>
    %dot_general3A = arith.constant dense<0.000000e+00> : vector<10000x64xf32>
    %dot_general3A_18 = tpu.matmul %max3A_14, %get3A_17, %dot_general3A {dimension_numbers = #tpu.dot_dimension_numbers<[1], [0], [0], [1], [0, 0, 1, 1], [], []>, transpose_lhs_hint = false} : vector<10000x128xf32>, vector<128x64xf32>, vector<10000x64xf32> -> vector<10000x64xf32>
    %get3A_19 = arith.constant 0 : index
    %get3A_20 = vector.load %arg5[%get3A_19] : memref<64xf32, #tpu.memory_space<vmem>>, vector<64xf32>
    %broadcast_in_dim3A_21 = vector.shape_cast %get3A_20 : vector<64xf32> to vector<1x64xf32>
    %add3A_22 = vector.broadcast %broadcast_in_dim3A_21 : vector<1x64xf32> to vector<10000x64xf32>
    %add3A_23 = arith.addf %dot_general3A_18, %add3A_22 : vector<10000x64xf32>
    %get3A_24 = arith.constant 0 : index
    %get3A_25 = vector.load %arg6[%get3A_24] : memref<10000xi32, #tpu.memory_space<vmem>>, vector<10000xi32>
    %broadcast_in_dim3A_26 = vector.shape_cast %get3A_25 : vector<10000xi32> to vector<10000x1xi32>
    %iota3A = tpu.iota {dimensions = array<i32: 1>} : vector<10000x64xi32>
    %eq3A = vector.broadcast %broadcast_in_dim3A_26 : vector<10000x1xi32> to vector<10000x64xi32>
    %eq3A_27 = arith.cmpi eq, %eq3A, %iota3A : vector<10000x64xi32>
    %convert_element_type3A = arith.extui %eq3A_27 : vector<10000x64xi1> to vector<10000x64xi32>
    %convert_element_type3A_28 = arith.sitofp %convert_element_type3A : vector<10000x64xi32> to vector<10000x64xf32>
    %dot_general3A_29 = arith.constant dense<0.000000e+00> : vector<64x64xf32>
    %dot_general3A_30 = tpu.matmul %convert_element_type3A_28, %add3A_23, %dot_general3A_29 {dimension_numbers = #tpu.dot_dimension_numbers<[0], [0], [1], [1], [0, 1, 1, 1], [], []>, transpose_lhs_hint = false} : vector<10000x64xf32>, vector<10000x64xf32>, vector<64x64xf32> -> vector<64x64xf32>
    %reduce_sum3A = arith.constant dense<0.000000e+00> : vector<64xf32>
    %reduce_sum3A_31 = vector.multi_reduction <add>, %convert_element_type3A_28, %reduce_sum3A [0] : vector<10000x64xf32> to vector<64xf32>
    %max3A_32 = arith.constant 1.000000e+00 : f32
    %max3A_33 = vector.broadcast %max3A_32 : f32 to vector<64xf32>
    %max3A_34 = arith.maximumf %reduce_sum3A_31, %max3A_33 : vector<64xf32>
    %broadcast_in_dim3A_35 = vector.shape_cast %max3A_34 : vector<64xf32> to vector<64x1xf32>
    %div3A = vector.broadcast %broadcast_in_dim3A_35 : vector<64x1xf32> to vector<64x64xf32>
    %div3A_36 = arith.divf %dot_general3A_30, %div3A : vector<64x64xf32>
    %swap3A = arith.constant 0 : index
    %swap3A_37 = arith.constant 0 : index
    %swap3A_38 = vector.load %arg7[%swap3A, %swap3A_37] : memref<64x64xf32, #tpu.memory_space<vmem>>, vector<64x64xf32>
    tpu.vector_store %arg7[%swap3A, %swap3A_37], %div3A_36 {strides = array<i32>} : memref<64x64xf32, #tpu.memory_space<vmem>>, vector<64x64xf32>,
    return
  }
}

</mosaic_0001>

<sc_bundles>
// kernel: kernel.11.cloned.1.call-start
scs
__scs_entry_jumppad:
0x0: {  	(pc) =	sbr.rel $0x88, $3  }
0x1: {  	(tag) =	ssettag $0x0;
	lr =	simm.s32 $0x1  }
0x2: {  	[smem:$0x3F94] =	sst lr;
	_ =	strace $0xD0000000  }
0x3: {  	_ = 	snop  }
0x4: {  	_ = 	snop  }
0x5: {  	_ = 	snop  }
0x6: {  	_ = 	snop  }
0x7: {  	_ = 	snop  }
__scs_overlays_trampoline_lowered:
0x8: {  	[smem:$0x3FA3] =	sst s0  }
0x9: {  	[smem:$0x3FA4] =	sst s1  }
0xa: {  	[smem:$0x3FA5] =	sst s2  }
0xb: {  	[smem:$0x3FA6] =	sst s3  }
0xc: {  	[smem:$0x3FA7] =	sst s4  }
0xd: {  	[smem:$0x3FA8] =	sst s5  }
0xe: {  	[smem:$0x3FA9] =	sst s6  }
0xf: {  	[smem:$0x3FAA] =	sst s7  }
0x10: {  	[smem:$0x3FAB] =	sst s8  }
0x11: {  	[smem:$0x3FAC] =	sst s9;
	s0 =	simm.s32 @!p0 $0x0  }
0x12: {  	s1 =	sld [smem:$0x3F92];
	s0 =	simm.s32 @p0 $0x1  }
0x13: {  	[smem:$0x3FAD] =	sst s0;
	s0 =	simm.s32 @!p1 $0x0  }
0x14: {  	s2 =	sld [smem:$0x3F91];
	s0 =	simm.s32 @p1 $0x1  }
0x15: {  	[smem:$0x3FAE] =	sst s0;
	s0 =	simm.s32 @!p2 $0x0  }
0x16: {  	s3 =	sld [smem:$0x3FDB];
	s0 =	simm.s32 @p2 $0x1  }
0x17: {  	s4 =	simm.s32 $0x1BF5;
	[smem:$0x3FB0] =	sst s0  }
0x18: {  	s0 =	sld [smem:$0x3F93];
	_ =	swait.ge [sflag:s4], $0x0  }
0x19: {  	s7 =	sld [smem:$0x3F94]  }
0x1a: {  	s8 =	sadd.s32 $0xFFFFE003, lr  }
0x1b: {  	s9 =	sadd.s32 $0xFFFFFEF7, lr;
	s5 =	simm.s32 $0xFFFFFFFF;
	p2 =	slt.u32 s8, $0xFFFFF086  }
0x1c: {  	p1 =	slt.u32 s9, $0xF7A;
	s5 =	simm.s32 @!p2 $0x0  }
0x1d: {  	s5 =	simm.s32 @p1 $0x1;
	p0 =	seq.s32 s7, s2  }
0x1e: {  	s7 =	smul.u32 @!p0 $0xF7A, s2;
	p2 =	seq.s32 @!p0 s5, $0x0  }
0x1f: {  	s9 =	smul.u32 $0xF7A, s1;
	s8 =	simm.s32 @!p0 $0x1BF5;
	p2 =	por !p2, p0  }
0x20: {  	[sflag:s8] =	ssyncset.s32 @!p0 $0xFFFFF086;
	s6 =	sadd.s32 @!p0 s3, s7;
	s7 =	simm.s32 @!p0 $0x108  }
0x21: {  	s3 =	sadd.s32 s3, s9;
	s6 =	sadd.s32 @!p0 $0x88, s6;
	s7 =	simm.s32 @p2 $0x1082  }
0x22: {  	[simem:s7], [sflag:s8] =	dma.local @!p0 [hbm:s6], $0xF7A  }
0x23: {  	s9 =	sor.u32 $0xD0000000, s2;
	s6 =	simm.s32 $0x108;
	_ =	swait.ge @!p0 [sflag:s8], $0x0  }
0x24: {  	s3 =	sadd.s32 $0x88, s3;
	s6 =	simm.s32 @!p1 $0x1082;
	[sflag:s4] =	ssyncset.s32 $0xFFFFF086  }
0x25: {  	[simem:s6], [sflag:s4] =	dma.local [hbm:s3], $0xF7A  }
0x26: {  	[smem:$0x3F94] =	sst s1;
	(tag) =	ssettag s2;
	_ =	strace s9  }
0x27: {  	s1 =	sld [smem:$0x3FA4]  }
0x28: {  	s2 =	sld [smem:$0x3FA5]  }
0x29: {  	s4 =	sld [smem:$0x3FA7]  }
0x2a: {  	p0 =	seq.s32 s5, $0x0;
	s5 =	sld [smem:$0x3FA8]  }
0x2b: {  	s6 =	sld [smem:$0x3FA9]  }
0x2c: {  	s7 =	sld [smem:$0x3FAA]  }
0x2d: {  	s3 =	simm.s32 $0x108;
	s8 =	sld [smem:$0x3FAB]  }
0x2e: {  	s3 =	simm.s32 @!p0 $0x1082;
	s9 =	sld [smem:$0x3FAC]  }
0x2f: {  	lr =	sadd.s32 s0, s3;
	s0 =	sld [smem:$0x3FA3]  }
0x30: {  	s3 =	sld [smem:$0x3FA6]  }
0x31: {  	[smem:$0x3FAF] =	sst s10  }
0x32: {  	s10 =	sld [smem:$0x3FAD];
	_ =	sdelay $0x3  }
0x33: {  	p0 =	seq.s32 s10, $0x1;
	s10 =	sld [smem:$0x3FAF];
	_ =	sdelay $0x3  }
0x34: {  	[smem:$0x3FAF] =	sst s10  }
0x35: {  	s10 =	sld [smem:$0x3FAE];
	_ =	sdelay $0x3  }
0x36: {  	p1 =	seq.s32 s10, $0x1;
	s10 =	sld [smem:$0x3FAF];
	_ =	sdelay $0x3  }
0x37: {  	[smem:$0x3FAF] =	sst s10  }
0x38: {  	s10 =	sld [smem:$0x3FB0]  }
0x39: {  	_ = 	snop;
	(pc) =	sbr.ind lr, $3  }
0x3a: {  	_ = 	snop  }
0x3b: {  	_ = 	snop  }
0x3c: {  	p2 =	seq.s32 s10, $0x1;
	s10 =	sld [smem:$0x3FAF]  }
0x3d: {  	_ =	shalt  }
0x3e: {  	_ =	shalt  }
0x3f: {  	_ =	shalt  }
0x40: {  	_ =	shalt  }
0x41: {  	_ =	shalt  }
0x42: {  	_ =	shalt  }
0x43: {  	_ =	shalt  }
0x44: {  	_ =	shalt  }
0x45: {  	_ =	shalt  }
0x46: {  	_ =	shalt  }
0x47: {  	_ =	shalt  }
0x48: {  	_ =	shalt  }
0x49: {  	_ =	shalt  }
0x4a: {  	_ =	shalt  }
0x4b: {  	_ =	shalt  }
0x4c: {  	_ =	shalt  }
0x4d: {  	_ =	shalt  }
0x4e: {  	_ =	shalt  }
0x4f: {  	_ =	shalt  }
0x50: {  	_ =	shalt  }
0x51: {  	_ =	shalt  }
0x52: {  	_ =	shalt  }
0x53: {  	_ =	shalt  }
0x54: {  	_ =	shalt  }
0x55: {  	_ =	shalt  }
0x56: {  	_ =	shalt  }
0x57: {  	_ =	shalt  }
0x58: {  	_ =	shalt  }
0x59: {  	_ =	shalt  }
0x5a: {  	_ =	shalt  }
0x5b: {  	_ =	shalt  }
0x5c: {  	_ =	shalt  }
0x5d: {  	_ =	shalt  }
0x5e: {  	_ =	shalt  }
0x5f: {  	_ =	shalt  }
0x60: {  	_ =	shalt  }
0x61: {  	_ =	shalt  }
0x62: {  	_ =	shalt  }
0x63: {  	_ =	shalt  }
0x64: {  	_ =	shalt  }
0x65: {  	_ =	shalt  }
0x66: {  	_ =	shalt  }
0x67: {  	_ =	shalt  }
0x68: {  	_ =	shalt  }
0x69: {  	_ =	shalt  }
0x6a: {  	_ =	shalt  }
0x6b: {  	_ =	shalt  }
0x6c: {  	_ =	shalt  }
0x6d: {  	_ =	shalt  }
0x6e: {  	_ =	shalt  }
0x6f: {  	_ =	shalt  }
0x70: {  	_ =	shalt  }
0x71: {  	_ =	shalt  }
0x72: {  	_ =	shalt  }
0x73: {  	_ =	shalt  }
0x74: {  	_ =	shalt  }
0x75: {  	_ =	shalt  }
0x76: {  	_ =	shalt  }
0x77: {  	_ =	shalt  }
0x78: {  	_ =	shalt  }
0x79: {  	_ =	shalt  }
0x7a: {  	_ =	shalt  }
0x7b: {  	_ =	shalt  }
0x7c: {  	_ =	shalt  }
0x7d: {  	_ =	shalt  }
0x7e: {  	_ =	shalt  }
0x7f: {  	_ =	shalt  }
0x80: {  	_ =	shalt  }
0x81: {  	_ =	shalt  }
0x82: {  	_ =	shalt  }
0x83: {  	_ =	shalt  }
0x84: {  	_ =	shalt  }
0x85: {  	_ =	shalt  }
0x86: {  	_ =	shalt  }
0x87: {  	_ =	shalt  }
.Lfunc_end0:
.L_simem_size_0:
called_computation.1_lowered:
.L_overlay_start_0:
0x88: {  	s2 =	sld [smem:$0x3FD9]  }
0x89: {  	s3 =	sld [smem:$0x3FFE];
	_ =	sdelay $0x1  }
0x8a: {  	s1 =	srdreg.scid  }
0x8b: {  	s0 =	sand.u32 $0x1, s1  }
0x8c: {  	s16 =	sshll.u32 s0, $0xA;
	s2 =	sadd.s32 s3, s2  }
0x8d: {  	s2 =	sadd.s32 s2, s16  }
0x8e: {  	[smem:$0x3FBB] =	sst s2  }
0x8f: {  	_ = 	snop  }
0x90: {  	(tm) =	ssettm $0x1  }
0x91: {  	s17 =	sld [smem:$0x3FFB];
	_ =	sdelay $0x3  }
0x92: {  	_ =	strace s17  }
0x93: {  	s2 =	sld [smem:$0x3FFC];
	_ =	sdelay $0x3  }
0x94: {  	_ =	strace s2  }
0x95: {  	s2 =	sld [smem:$0x3FFD];
	_ =	sdelay $0x3  }
0x96: {  	_ =	strace s2  }
0x97: {  	_ =	strace $0x8FFFFFFF  }
0x98: {  	s18 =	sld [smem:$0x3FDB];
	_ =	sdelay $0x1  }
0x99: {  	s19 =	simm.s32 $_scs_section_size  }
0x9a: {  	s4 =	simm.s32 $_size__tile_overlayer_lowered;
	s5 =	simm.s32 $_tile_overlayer_lowered  }
0x9b: {  	s22 =	simm.s32 $0x1BFF;
	s21 =	sshll.u32 s5, $0x1;
	s2 =	sadd.s32 s19, s18  }
0x9c: {  	s6 =	simm.s32 $0x0;
	s20 =	sshll.u32 s4, $0x1;
	s4 =	sadd.s32 s21, s2  }
0x9d: {  	[timem:s6], [sflag:s22] =	dma.local [hbm:s4], s20  }
0x9e: {  	_ =	swait.ge [sflag:s22], s20  }
0x9f: {  	s3 =	ssub.s32 $0x0, s20;
	[sflag:s22] =	ssyncset.done $0x0  }
0xa0: {  	[sflag:s22] =	ssyncadd.s32 s3;
	_ =	sdelay $0x1  }
0xa1: {  	s23 =	simm.s32 $0x1B8B  }
0xa2: {  	_ =	swait.ge [sflag:s23], $0x1  }
0xa3: {  	[sflag:s23] =	ssyncset.done $0x0  }
0xa4: {  	s25 =	simm.s32 $0x1B8E;
	s24 =	sld [smem:$0x3FFE];
	[sflag:s23] =	ssyncadd.s32 $0xFFFFFFFF  }
0xa5: {  	s26 =	simm.s32 $execute0_lowered;
	[smem:$0x3FD2] =	sst s25  }
0xa6: {  	s4 =	sshll.u32 s26, $0x1;
	_ =	strace $0x80000049;
	[dreg:$0x1] =	wrdreg $0xFFFFFFFF  }
0xa7: {  	s28 =	simm.s32 $_size_execute0_lowered;
	s2 =	sadd.s32 s2, s4;
	[dreg:$0x0] =	wrdreg $0x0  }
0xa8: {  	s4 =	sshll.u32 s28, $0x1;
	[dreg:$0x2] =	wrdreg s2  }
0xa9: {  	[dreg:$0x3] =	wrdreg s4  }
0xaa: {  	[dreg:$0x4] =	wrdreg $0xC0  }
0xab: {  	_ =	task [dreg:s6], $0x5FFFF  }
0xac: {  	[dreg:$0x1] =	wrdreg $0xFFFFFFFF  }
0xad: {  	[dreg:$0x0] =	wrdreg $0x60  }
0xae: {  	[dreg:$0x2] =	wrdreg s24  }
0xaf: {  	[dreg:$0x3] =	wrdreg $0x150000  }
0xb0: {  	[dreg:$0x4] =	wrdreg $0x9  }
0xb1: {  	_ =	task.clear_ibuf [dreg:s6], $0x5FFFF;
	_ =	strace $0x90000049  }
0xb2: {  	s29 =	simm.s32 $0x9;
	_ =	strace $0x8000004B  }
0xb3: {  	_ =	swait.ge [sflag:s29], $0x1  }
0xb4: {  	[sflag:s29] =	ssyncadd.s32 $0xFFFFFFFF  }
0xb5: {  	_ =	strace $0x9000004B  }
0xb6: {  	_ =	sfence  }
0xb7: {  	s30 =	sld [smem:$0x0];
	_ =	sdelay $0x2  }
0xb8: {  	s31 =	sshll.u32 s1, $0xD;
	s1 =	sshrl.u32 s1, $0x2  }
0xb9: {  	s3 =	sand.u32 $0x4000, s31;
	s1 =	sadd.s32 s1, s30  }
0xba: {  	s0 =	sor.u32 s3, s0;
	s1 =	sshll.u32 s1, $0x11  }
0xbb: {  	s0 =	sor.u32 s1, s0  }
0xbc: {  	s0 =	sadd.s32 $0x8F2B, s0  }
0xbd: {  	[sflag:s0] =	ssyncadd.remote.s32 $0x1  }
0xbe: {  	_ =	sfence.sel $0xFFFF  }
0xbf: {  	[dreg:$0x0] =	wrdreg $0xFFFFFFFF;
	(pc) =	sbr.abs _section_cstart, $3  }
0xc0: {  	[dreg:$0x1] =	wrdreg $0xFFFFFFFF  }
0xc1: {  	_ =	task.clear_ibuf [dreg:s6], $0x2FFFF;
	_ =	strace $0x9FFFFFFF  }
0xc2: {  	(tm) =	ssettm $0x7FFFFFFF  }
0xc3: {  	_ =	shalt  }
tec
execute0_lowered:
.L_overlay_start_1:
0x0: {  	(tag) =	ssettag $0x1  }
0x1: {  	s0 =	rddreg [dreg:$0x0]  }
0x2: {  	s2 =	rddreg [dreg:$0x1]  }
0x3: {  	s10 =	simm.s32 $0x0;
	s9 =	stileid.u32;
	s3 =	srdreg.scid  }
0x4: {  	s16 =	simm.s32 $0x1;
	s17 =	simm.s32 $0x2;
	s18 =	simm.s32 $0x80  }
0x5: {  	s25 =	simm.s32 $0xD000;
	s26 =	simm.s32 $0x11000;
	s28 =	simm.s32 $0x13000  }
0x6: {  	s29 =	simm.s32 $0x4;
	s30 =	simm.s32 $0x9;
	s31 =	simm.s32 $0x6  }
0x7: {  	[smem:$0x7FF] =	sst s10;
	s1 =	smul.u32 $0xA000, s9;
	s4 =	sadd.s32 $0x36A00, s0  }
0x8: {  	s3 =	sand.u32 $0x1, s3;
	s5 =	smul.u32 $0x14000, s9;
	s6 =	sadd.s32 $0x22A00, s0  }
0x9: {  	s8 =	sadd.s32 $0xEA00, s0;
	_ =	strace $0x8000004A;
	[dreg:$0x6] =	wrdreg s6  }
0xa: {  	s22 =	smul.u32 $0x5000, s9;
	s23 =	sshll.u32 s9, $0x6;
	[dreg:$0x7] =	wrdreg s8  }
0xb: {  	s9 =	simm.s32 $0x10;
	s7 =	sshll.u32 s3, $0x6;
	[dreg:$0x3] =	wrdreg s25  }
0xc: {  	s20 =	ssub.s32 $0x2, s3;
	s3 =	smul.u32 $0x50000, s3;
	[dreg:$0x4] =	wrdreg s26  }
0xd: {  	s25 =	simm.s32 $0xF000;
	s26 =	simm.s32 $0x3;
	s19 =	sshrl.u32 s1, $0x3  }
0xe: {  	s5 =	sor.u32 s7, s5;
	s21 =	sshrl.u32 s20, $0x1;
	s1 =	sadd.s32 s1, s2  }
0xf: {  	[dreg:$0x8] =	wrdreg s22;
	s7 =	simm.s32 $0x11;
	s6 =	sadd.s32 s19, s0  }
0x10: {  	s5 =	sshrl.u32 s5, $0x3;
	s3 =	sadd.s32 s3, s22;
	s19 =	simm.s32 $0x5000  }
0x11: {  	s0 =	sadd.s32 s5, s0;
	s6 =	sadd.s32 $0x5EA00, s6;
	[dreg:$0xb] =	wrdreg s3  }
0x12: {  	s5 =	ssub.s32 s20, s21;
	[dreg:$0x9] =	wrdreg s6;
	s0 =	sadd.s32 $0x72A00, s0  }
0x13: {  	s22 =	simm.s32 $0x9000;
	s24 =	smax.u32 s5, $0x1;
	[dreg:$0xc] =	wrdreg s0  }
0x14: {  	s20 =	simm.s32 $0x7000;
	s6 =	sor.u32 $0x1C11, s23;
	[dreg:$0xd] =	wrdreg s24  }
0x15: {  	s5 =	sshrl.u32 s1, $0x3;
	s1 =	simm.s32 $0x8;
	[dreg:$0xa] =	wrdreg s6  }
0x16: {  	s24 =	simm.s32 $0xB000;
	s0 =	simm.s32 $0xB;
	[dreg:$0xe] =	wrdreg s5  }
.LBB2_1:
0x17: {  	[dreg:$0x5] =	wrdreg s10  }
0x18: {  	s3 =	rddreg [dreg:$0x9]  }
0x19: {  	[spmem:s5], [sflag:s6] =	dma.local [hbm:s3], $0x1400  }
0x1a: {  	_ =	swait.ge [sflag:s7], $0x1400  }
0x1b: {  	[sflag:s7] =	ssyncset.done $0x0  }
0x1c: {  	[sflag:s7] =	ssyncadd.s32 $0xFFFFEC00  }
0x1d: {  	p1 =	por $0x1, $0x1;
	s3 =	simm.s32 $0x0;
	[bflag:$0x0] =	sbarrier.arrive $0xFFFF  }
.LBB2_2:
0x1e: {  	s5 =	rddreg [dreg:$0xb]  }
0x1f: {  	s6 =	rddreg [dreg:$0x6]  }
0x20: {  	s13 =	rddreg [dreg:$0x8];
	s5 =	sadd.s32 s5, s3  }
0x21: {  	s12 =	simm.s32 $0x0;
	s14 =	sadd.s32 s13, s3;
	s5 =	sshrl.u32 s5, $0x3  }
0x22: {  	s15 =	rddreg [dreg:$0x7];
	s3 =	sshrl.u32 s14, $0x3;
	s5 =	sadd.s32 s6, s5  }
0x23: {  	[tilespmem:s12], [sflag:$0x1] =	stream.linear.gather [hbm4b:s5+s12], $0x2800, $0x38;
	[tilespmem:$0x1F000] =	vst v63  }
0x24: {  	s21 =	simm.s32 $0x2800;
	s3 =	sadd.s32 s15, s3  }
0x25: {  	[tilespmem:s21], [sflag:$0x2] =	stream.linear.gather [hbm4b:s3+s12], $0x2800, $0x38;
	[tilespmem:$0x1F000] =	vst v63  }
0x26: {  	_ =	swait.ge [sflag:s16], $0x2800  }
0x27: {  	[sflag:s16] =	ssyncset.done $0x0  }
0x28: {  	[sflag:s16] =	ssyncadd.s32 $0xFFFFD800  }
0x29: {  	_ =	swait.ge [sflag:s17], $0x2800  }
0x2a: {  	[sflag:s17] =	ssyncset.done $0x0  }
0x2b: {  	[sflag:s17] =	ssyncadd.s32 $0xFFFFD800  }
0x2c: {  	[tilespmem:s19], [sflag:$0x1] =	stream.indirect.gather [hbm4b:s4+s18], $0x40, s12, s18, $0xb8;
	[tilespmem:$0x1F000] =	vst v63  }
0x2d: {  	_ = 	snop  }
0x2e: {  	[tilespmem:s20], [sflag:$0x2] =	stream.indirect.gather [hbm4b:s4+s18], $0x40, s18, s18, $0xb8;
	[tilespmem:$0x1F000] =	vst v63  }
0x2f: {  	s23 =	simm.s32 $0x100;
	p0 =	por $0x1, $0x1  }
0x30: {  	[tilespmem:s22], [sflag:$0x3] =	stream.indirect.gather [hbm4b:s4+s18], $0x40, s23, s18, $0xb8;
	[tilespmem:$0x1F000] =	vst v63  }
0x31: {  	s5 =	simm.s32 $0x180;
	s3 =	simm.s32 @!p0 $0xD  }
0x32: {  	[tilespmem:s24], [sflag:$0x4] =	stream.indirect.gather [hbm4b:s4+s18], $0x40, s5, s18, $0xb8;
	[tilespmem:$0x1F000] =	vst v63  }
0x33: {  	_ =	swait.ge @!p0 [sflag:s3], $0x2000  }
0x34: {  	[sflag:s3] =	ssyncset.done @!p0 $0x0  }
0x35: {  	s7 =	simm.s32 $0x200;
	s6 =	rddreg [dreg:$0x3];
	[sflag:s3] =	ssyncadd.s32 @!p0 $0xFFFFE000  }
0x36: {  	[tilespmem:s6], [sflag:$0x5] =	stream.indirect.gather [hbm4b:s4+s18], $0x40, s7, s18, $0xb8;
	[tilespmem:$0x1F000] =	vst v63  }
0x37: {  	_ =	swait.ge [sflag:s16], $0x2000  }
0x38: {  	[sflag:s16] =	ssyncset.done $0x0  }
0x39: {  	s8 =	simm.s32 $0x2800;
	s5 =	simm.s32 @!p0 $0xE;
	[sflag:s16] =	ssyncadd.s32 $0xFFFFE000  }
0x3a: {  	[spmem:s2] =	stream.indirect.scatter.add.f32 [tilespmem:s19], [sflag:$0x9], $0x40, s8, s18, $0xb8;
	[tilespmem:$0x1F000] =	vst v63  }
0x3b: {  	_ =	swait.ge @!p0 [sflag:s5], $0x2000  }
0x3c: {  	[sflag:s5] =	ssyncset.done @!p0 $0x0  }
0x3d: {  	s10 =	simm.s32 $0x280;
	[sflag:s5] =	ssyncadd.s32 @!p0 $0xFFFFE000  }
0x3e: {  	[tilespmem:s25], [sflag:$0x6] =	stream.indirect.gather [hbm4b:s4+s18], $0x40, s10, s18, $0xb8;
	[tilespmem:$0x1F000] =	vst v63  }
0x3f: {  	_ =	swait.ge [sflag:s17], $0x2000  }
0x40: {  	[sflag:s17] =	ssyncset.done $0x0  }
0x41: {  	s11 =	simm.s32 $0x2880;
	s5 =	simm.s32 @!p0 $0xF;
	[sflag:s17] =	ssyncadd.s32 $0xFFFFE000  }
0x42: {  	[spmem:s2] =	stream.indirect.scatter.add.f32 [tilespmem:s20], [sflag:$0xA], $0x40, s11, s18, $0xb8;
	[tilespmem:$0x1F000] =	vst v63  }
0x43: {  	_ =	swait.ge @!p0 [sflag:s5], $0x2000  }
0x44: {  	[sflag:s5] =	ssyncset.done @!p0 $0x0  }
0x45: {  	s13 =	simm.s32 $0x300;
	s12 =	rddreg [dreg:$0x4];
	[sflag:s5] =	ssyncadd.s32 @!p0 $0xFFFFE000  }
0x46: {  	[tilespmem:s12], [sflag:$0x7] =	stream.indirect.gather [hbm4b:s4+s18], $0x40, s13, s18, $0xb8;
	[tilespmem:$0x1F000] =	vst v63  }
0x47: {  	_ =	swait.ge [sflag:s26], $0x2000  }
0x48: {  	[sflag:s26] =	ssyncset.done $0x0  }
0x49: {  	s14 =	simm.s32 $0x2900;
	s5 =	simm.s32 @!p0 $0x10;
	[sflag:s26] =	ssyncadd.s32 $0xFFFFE000  }
0x4a: {  	[spmem:s2] =	stream.indirect.scatter.add.f32 [tilespmem:s22], [sflag:$0xB], $0x40, s14, s18, $0xb8;
	[tilespmem:$0x1F000] =	vst v63  }
0x4b: {  	_ =	swait.ge @!p0 [sflag:s5], $0x2000  }
0x4c: {  	[sflag:s5] =	ssyncset.done @!p0 $0x0  }
0x4d: {  	s15 =	simm.s32 $0x380;
	[sflag:s5] =	ssyncadd.s32 @!p0 $0xFFFFE000  }
0x4e: {  	[tilespmem:s28], [sflag:$0x8] =	stream.indirect.gather [hbm4b:s4+s18], $0x40, s15, s18, $0xb8;
	[tilespmem:$0x1F000] =	vst v63  }
0x4f: {  	_ =	swait.ge [sflag:s29], $0x2000  }
0x50: {  	[sflag:s29] =	ssyncset.done $0x0  }
0x51: {  	s21 =	simm.s32 $0x2980;
	[sflag:s29] =	ssyncadd.s32 $0xFFFFE000  }
0x52: {  	[spmem:s2] =	stream.indirect.scatter.add.f32 [tilespmem:s24], [sflag:$0xC], $0x40, s21, s18, $0xb8;
	[tilespmem:$0x1F000] =	vst v63  }
0x53: {  	_ =	swait.ge [sflag:s30], $0x2000  }
0x54: {  	p0 =	por $0x0, $0x0;
	[sflag:s30] =	ssyncset.done $0x0  }
0x55: {  	s3 =	simm.s32 @p0 $0x5;
	[sflag:s30] =	ssyncadd.s32 $0xFFFFE000  }
0x56: {  	_ =	swait.ge @p0 [sflag:s3], $0x2000  }
0x57: {  	s5 =	simm.s32 @p0 $0x2A00;
	s6 =	simm.s32 @p0 $0xA;
	[sflag:s3] =	ssyncset.done @p0 $0x0  }
0x58: {  	s13 =	simm.s32 @p0 $0xD000;
	[sflag:s3] =	ssyncadd.s32 @p0 $0xFFFFE000;
	s3 =	simm.s32 @p0 $0x80  }
0x59: {  	[spmem:s2] =	stream.indirect.scatter.add.f32 @p0 [tilespmem:s13], [sflag:$0xD], $0x40, s5, s3, $0xb8;
	[tilespmem:$0x1F000] =	vst v63  }
0x5a: {  	_ =	swait.ge @p0 [sflag:s6], $0x2000  }
0x5b: {  	s5 =	simm.s32 @!p0 $0x400;
	[sflag:s6] =	ssyncset.done @p0 $0x0  }
0x5c: {  	s13 =	simm.s32 @!p0 $0x5000;
	[sflag:s6] =	ssyncadd.s32 @p0 $0xFFFFE000;
	s6 =	simm.s32 @!p0 $0x80  }
0x5d: {  	[tilespmem:s13], [sflag:$0x1] =	stream.indirect.gather @!p0 [hbm4b:s4+s6], $0x40, s5, s6, $0xb8;
	[tilespmem:$0x1F000] =	vst v63  }
0x5e: {  	s5 =	simm.s32 @!p0 $0x5  }
0x5f: {  	_ =	swait.ge @!p0 [sflag:s5], $0x2000  }
0x60: {  	[sflag:s5] =	ssyncset.done @!p0 $0x0  }
0x61: {  	s13 =	simm.s32 @!p0 $0x2A00;
	[sflag:s5] =	ssyncadd.s32 @!p0 $0xFFFFE000;
	s5 =	simm.s32 @!p0 $0xD000  }
0x62: {  	[spmem:s2] =	stream.indirect.scatter.add.f32 @!p0 [tilespmem:s5], [sflag:$0xD], $0x40, s13, s6, $0xb8;
	[tilespmem:$0x1F000] =	vst v63  }
0x63: {  	s5 =	simm.s32 @!p0 $0xA  }
0x64: {  	_ =	swait.ge @!p0 [sflag:s5], $0x2000  }
0x65: {  	[sflag:s5] =	ssyncset.done @!p0 $0x0  }
0x66: {  	s13 =	simm.s32 @!p0 $0x480;
	[sflag:s5] =	ssyncadd.s32 @!p0 $0xFFFFE000;
	s5 =	simm.s32 @!p0 $0x7000  }
0x67: {  	[tilespmem:s5], [sflag:$0x2] =	stream.indirect.gather @!p0 [hbm4b:s4+s6], $0x40, s13, s6, $0xb8;
	[tilespmem:$0x1F000] =	vst v63  }
0x68: {  	_ =	swait.ge [sflag:s31], $0x2000  }
0x69: {  	[sflag:s31] =	ssyncset.done $0x0  }
0x6a: {  	s23 =	simm.s32 $0x2A80;
	[sflag:s31] =	ssyncadd.s32 $0xFFFFE000  }
0x6b: {  	[spmem:s2] =	stream.indirect.scatter.add.f32 [tilespmem:s25], [sflag:$0xE], $0x40, s23, s18, $0xb8;
	[tilespmem:$0x1F000] =	vst v63  }
0x6c: {  	_ =	swait.ge [sflag:s0], $0x2000  }
0x6d: {  	[sflag:s0] =	ssyncset.done $0x0  }
0x6e: {  	s5 =	simm.s32 @p0 $0x7;
	[sflag:s0] =	ssyncadd.s32 $0xFFFFE000  }
0x6f: {  	_ =	swait.ge @p0 [sflag:s5], $0x2000  }
0x70: {  	[sflag:s5] =	ssyncset.done @p0 $0x0  }
0x71: {  	s13 =	simm.s32 @p0 $0x2B00;
	[sflag:s5] =	ssyncadd.s32 @p0 $0xFFFFE000;
	s5 =	simm.s32 @p0 $0x11000  }
0x72: {  	[spmem:s2] =	stream.indirect.scatter.add.f32 @p0 [tilespmem:s5], [sflag:$0xF], $0x40, s13, s3, $0xb8;
	[tilespmem:$0x1F000] =	vst v63  }
0x73: {  	s3 =	simm.s32 @p0 $0xC  }
0x74: {  	_ =	swait.ge @p0 [sflag:s3], $0x2000  }
0x75: {  	[sflag:s3] =	ssyncset.done @p0 $0x0  }
0x76: {  	s5 =	simm.s32 @!p0 $0x500;
	[sflag:s3] =	ssyncadd.s32 @p0 $0xFFFFE000;
	s3 =	simm.s32 @!p0 $0x9000  }
0x77: {  	[tilespmem:s3], [sflag:$0x3] =	stream.indirect.gather @!p0 [hbm4b:s4+s6], $0x40, s5, s6, $0xb8;
	[tilespmem:$0x1F000] =	vst v63  }
0x78: {  	s3 =	simm.s32 @!p0 $0x7  }
0x79: {  	_ =	swait.ge @!p0 [sflag:s3], $0x2000  }
0x7a: {  	[sflag:s3] =	ssyncset.done @!p0 $0x0  }
0x7b: {  	s5 =	simm.s32 @!p0 $0x2B00;
	[sflag:s3] =	ssyncadd.s32 @!p0 $0xFFFFE000;
	s3 =	simm.s32 @!p0 $0x11000  }
0x7c: {  	[spmem:s2] =	stream.indirect.scatter.add.f32 @!p0 [tilespmem:s3], [sflag:$0xF], $0x40, s5, s6, $0xb8;
	[tilespmem:$0x1F000] =	vst v63  }
0x7d: {  	s3 =	simm.s32 @!p0 $0xC  }
0x7e: {  	_ =	swait.ge @!p0 [sflag:s3], $0x2000  }
0x7f: {  	p2 =	por $0x0, $0x0;
	[sflag:s3] =	ssyncset.done @!p0 $0x0  }
0x80: {  	s5 =	simm.s32 @!p0 $0x580;
	[sflag:s3] =	ssyncadd.s32 @!p0 $0xFFFFE000;
	s3 =	simm.s32 @!p0 $0xB000  }
0x81: {  	[tilespmem:s3], [sflag:$0x4] =	stream.indirect.gather @!p0 [hbm4b:s4+s6], $0x40, s5, s6, $0xb8;
	[tilespmem:$0x1F000] =	vst v63  }
0x82: {  	s14 =	simm.s32 $0x2000;
	s13 =	simm.s32 $0x1000;
	_ =	swait.ge [sflag:s1], $0x2000  }
0x83: {  	p0 =	por p1, p1;
	s3 =	simm.s32 $0x2B80;
	[sflag:s1] =	ssyncset.done $0x0  }
.LBB2_3:
0x84: {  	s5 =	simm.s32 @!p2 $0xD;
	[sflag:s1] =	ssyncadd.s32 $0xFFFFE000  }
0x85: {  	[spmem:s2] =	stream.indirect.scatter.add.f32 [tilespmem:s28], [sflag:$0x10], $0x40, s3, s18, $0xb8;
	[tilespmem:$0x1F000] =	vst v63  }
0x86: {  	_ =	swait.ge @!p2 [sflag:s5], $0x2000  }
0x87: {  	s3 =	sshra.s32 s13, $0x2;
	[sflag:s5] =	ssyncset.done @!p2 $0x0  }
0x88: {  	s11 =	sadd.s32 $0x200, s3;
	s6 =	rddreg [dreg:$0x3];
	[sflag:s5] =	ssyncadd.s32 @!p2 $0xFFFFE000  }
0x89: {  	[tilespmem:s6], [sflag:$0x5] =	stream.indirect.gather [hbm4b:s4+s18], $0x40, s11, s18, $0xb8;
	[tilespmem:$0x1F000] =	vst v63  }
0x8a: {  	_ =	swait.ge [sflag:s16], $0x2000  }
0x8b: {  	[sflag:s16] =	ssyncset.done $0x0  }
0x8c: {  	s12 =	sadd.s32 $0x2800, s3;
	s6 =	simm.s32 @!p2 $0xE;
	[sflag:s16] =	ssyncadd.s32 $0xFFFFE000  }
0x8d: {  	[spmem:s2] =	stream.indirect.scatter.add.f32 [tilespmem:s19], [sflag:$0x9], $0x40, s12, s18, $0xb8;
	[tilespmem:$0x1F000] =	vst v63  }
0x8e: {  	_ =	swait.ge @!p2 [sflag:s6], $0x2000  }
0x8f: {  	[sflag:s6] =	ssyncset.done @!p2 $0x0  }
0x90: {  	s21 =	sadd.s32 $0x280, s3;
	[sflag:s6] =	ssyncadd.s32 @!p2 $0xFFFFE000  }
0x91: {  	[tilespmem:s25], [sflag:$0x6] =	stream.indirect.gather [hbm4b:s4+s18], $0x40, s21, s18, $0xb8;
	[tilespmem:$0x1F000] =	vst v63  }
0x92: {  	_ =	swait.ge [sflag:s17], $0x2000  }
0x93: {  	[sflag:s17] =	ssyncset.done $0x0  }
0x94: {  	s23 =	sadd.s32 $0x2880, s3;
	s6 =	simm.s32 @!p2 $0xF;
	[sflag:s17] =	ssyncadd.s32 $0xFFFFE000  }
0x95: {  	[spmem:s2] =	stream.indirect.scatter.add.f32 [tilespmem:s20], [sflag:$0xA], $0x40, s23, s18, $0xb8;
	[tilespmem:$0x1F000] =	vst v63  }
0x96: {  	_ =	swait.ge @!p2 [sflag:s6], $0x2000  }
0x97: {  	[sflag:s6] =	ssyncset.done @!p2 $0x0  }
0x98: {  	s8 =	sadd.s32 $0x300, s3;
	s7 =	rddreg [dreg:$0x4];
	[sflag:s6] =	ssyncadd.s32 @!p2 $0xFFFFE000  }
0x99: {  	[tilespmem:s7], [sflag:$0x7] =	stream.indirect.gather [hbm4b:s4+s18], $0x40, s8, s18, $0xb8;
	[tilespmem:$0x1F000] =	vst v63  }
0x9a: {  	_ =	swait.ge [sflag:s26], $0x2000  }
0x9b: {  	[sflag:s26] =	ssyncset.done $0x0  }
0x9c: {  	s10 =	sadd.s32 $0x2900, s3;
	s6 =	simm.s32 @!p2 $0x10;
	[sflag:s26] =	ssyncadd.s32 $0xFFFFE000  }
0x9d: {  	[spmem:s2] =	stream.indirect.scatter.add.f32 [tilespmem:s22], [sflag:$0xB], $0x40, s10, s18, $0xb8;
	[tilespmem:$0x1F000] =	vst v63  }
0x9e: {  	_ =	swait.ge @!p2 [sflag:s6], $0x2000  }
0x9f: {  	[sflag:s6] =	ssyncset.done @!p2 $0x0  }
0xa0: {  	s11 =	sadd.s32 $0x380, s3;
	[sflag:s6] =	ssyncadd.s32 @!p2 $0xFFFFE000  }
0xa1: {  	[tilespmem:s28], [sflag:$0x8] =	stream.indirect.gather [hbm4b:s4+s18], $0x40, s11, s18, $0xb8;
	[tilespmem:$0x1F000] =	vst v63  }
0xa2: {  	_ =	swait.ge [sflag:s29], $0x2000  }
0xa3: {  	[sflag:s29] =	ssyncset.done $0x0  }
0xa4: {  	s12 =	sadd.s32 $0x2980, s3;
	[sflag:s29] =	ssyncadd.s32 $0xFFFFE000  }
0xa5: {  	[spmem:s2] =	stream.indirect.scatter.add.f32 [tilespmem:s24], [sflag:$0xC], $0x40, s12, s18, $0xb8;
	[tilespmem:$0x1F000] =	vst v63  }
0xa6: {  	_ =	swait.ge [sflag:s30], $0x2000  }
0xa7: {  	s15 =	smov.u32 s14;
	p2 =	seq.s32 s13, $0x9000;
	[sflag:s30] =	ssyncset.done $0x0  }
0xa8: {  	s5 =	simm.s32 @p2 $0x5;
	s6 =	sshra.s32 @p2 s13, $0x2;
	[sflag:s30] =	ssyncadd.s32 $0xFFFFE000  }
0xa9: {  	s13 =	sshra.s32 @!p2 s13, $0x2;
	s23 =	simm.s32 @p2 $0xA;
	_ =	swait.ge @p2 [sflag:s5], $0x2000  }
0xaa: {  	s10 =	simm.s32 @p2 $0xD000;
	s11 =	simm.s32 @!p2 $0x5;
	[sflag:s5] =	ssyncset.done @p2 $0x0  }
0xab: {  	s21 =	sadd.s32 @p2 $0x2A00, s6;
	[sflag:s5] =	ssyncadd.s32 @p2 $0xFFFFE000;
	s5 =	simm.s32 @p2 $0x80  }
0xac: {  	[spmem:s2] =	stream.indirect.scatter.add.f32 @p2 [tilespmem:s10], [sflag:$0xD], $0x40, s21, s5, $0xb8;
	[tilespmem:$0x1F000] =	vst v63  }
0xad: {  	s7 =	sadd.s32 @!p2 $0x400, s13;
	s8 =	sadd.s32 @!p2 $0x480, s13;
	_ =	swait.ge @p2 [sflag:s23], $0x2000  }
0xae: {  	s12 =	sadd.s32 @p2 $0x2B00, s6;
	s6 =	simm.s32 @!p2 $0x5000;
	[sflag:s23] =	ssyncset.done @p2 $0x0  }
0xaf: {  	s10 =	sadd.s32 @!p2 $0x2A00, s13;
	s21 =	simm.s32 @!p2 $0x80;
	[sflag:s23] =	ssyncadd.s32 @p2 $0xFFFFE000  }
0xb0: {  	[tilespmem:s6], [sflag:$0x1] =	stream.indirect.gather @!p2 [hbm4b:s4+s21], $0x40, s7, s21, $0xb8;
	[tilespmem:$0x1F000] =	vst v63  }
0xb1: {  	s23 =	sadd.s32 @!p2 $0x580, s13;
	s7 =	sadd.s32 @!p2 $0x500, s13;
	_ =	swait.ge @!p2 [sflag:s11], $0x2000  }
0xb2: {  	s6 =	sadd.s32 @!p2 $0x2B00, s13;
	s13 =	smov.u32 s15;
	[sflag:s11] =	ssyncset.done @!p2 $0x0  }
0xb3: {  	s15 =	simm.s32 @!p2 $0xA;
	[sflag:s11] =	ssyncadd.s32 @!p2 $0xFFFFE000;
	s11 =	simm.s32 @!p2 $0xD000  }
0xb4: {  	[spmem:s2] =	stream.indirect.scatter.add.f32 @!p2 [tilespmem:s11], [sflag:$0xD], $0x40, s10, s21, $0xb8;
	[tilespmem:$0x1F000] =	vst v63  }
0xb5: {  	_ =	swait.ge @!p2 [sflag:s15], $0x2000  }
0xb6: {  	[sflag:s15] =	ssyncset.done @!p2 $0x0  }
0xb7: {  	s10 =	simm.s32 @!p2 $0x7000;
	[sflag:s15] =	ssyncadd.s32 @!p2 $0xFFFFE000  }
0xb8: {  	[tilespmem:s10], [sflag:$0x2] =	stream.indirect.gather @!p2 [hbm4b:s4+s21], $0x40, s8, s21, $0xb8;
	[tilespmem:$0x1F000] =	vst v63  }
0xb9: {  	_ =	swait.ge [sflag:s31], $0x2000  }
0xba: {  	[sflag:s31] =	ssyncset.done $0x0  }
0xbb: {  	s15 =	sadd.s32 $0x2A80, s3;
	[sflag:s31] =	ssyncadd.s32 $0xFFFFE000  }
0xbc: {  	[spmem:s2] =	stream.indirect.scatter.add.f32 [tilespmem:s25], [sflag:$0xE], $0x40, s15, s18, $0xb8;
	[tilespmem:$0x1F000] =	vst v63  }
0xbd: {  	_ =	swait.ge [sflag:s0], $0x2000  }
0xbe: {  	[sflag:s0] =	ssyncset.done $0x0  }
0xbf: {  	s8 =	simm.s32 @p2 $0x7;
	[sflag:s0] =	ssyncadd.s32 $0xFFFFE000  }
0xc0: {  	_ =	swait.ge @p2 [sflag:s8], $0x2000  }
0xc1: {  	[sflag:s8] =	ssyncset.done @p2 $0x0  }
0xc2: {  	s10 =	simm.s32 @p2 $0xC;
	[sflag:s8] =	ssyncadd.s32 @p2 $0xFFFFE000;
	s8 =	simm.s32 @p2 $0x11000  }
0xc3: {  	[spmem:s2] =	stream.indirect.scatter.add.f32 @p2 [tilespmem:s8], [sflag:$0xF], $0x40, s12, s5, $0xb8;
	[tilespmem:$0x1F000] =	vst v63  }
0xc4: {  	_ =	swait.ge @p2 [sflag:s10], $0x2000  }
0xc5: {  	[sflag:s10] =	ssyncset.done @p2 $0x0  }
0xc6: {  	s5 =	simm.s32 @!p2 $0x9000;
	s8 =	simm.s32 @!p2 $0x7;
	[sflag:s10] =	ssyncadd.s32 @p2 $0xFFFFE000  }
0xc7: {  	[tilespmem:s5], [sflag:$0x3] =	stream.indirect.gather @!p2 [hbm4b:s4+s21], $0x40, s7, s21, $0xb8;
	[tilespmem:$0x1F000] =	vst v63  }
0xc8: {  	_ =	swait.ge @!p2 [sflag:s8], $0x2000  }
0xc9: {  	s14 =	sadd.s32 $0x1000, s14;
	[sflag:s8] =	ssyncset.done @!p2 $0x0  }
0xca: {  	s5 =	simm.s32 @!p2 $0x11000;
	s7 =	simm.s32 @!p2 $0xC;
	[sflag:s8] =	ssyncadd.s32 @!p2 $0xFFFFE000  }
0xcb: {  	[spmem:s2] =	stream.indirect.scatter.add.f32 @!p2 [tilespmem:s5], [sflag:$0xF], $0x40, s6, s21, $0xb8;
	[tilespmem:$0x1F000] =	vst v63  }
0xcc: {  	p1 =	sne.s32 s14, $0xA000;
	_ =	swait.ge @!p2 [sflag:s7], $0x2000  }
.Ltmp0:
0xcd: {  	[sflag:s7] =	ssyncset.done @!p2 $0x0;
	(pc) =	sbr.rel @p1 .LBB2_3-.Ltmp0, $4  }
0xce: {  	s5 =	simm.s32 @!p2 $0xB000;
	[sflag:s7] =	ssyncadd.s32 @!p2 $0xFFFFE000  }
0xcf: {  	[tilespmem:s5], [sflag:$0x4] =	stream.indirect.gather @!p2 [hbm4b:s4+s21], $0x40, s23, s21, $0xb8;
	[tilespmem:$0x1F000] =	vst v63  }
0xd0: {  	_ =	swait.ge [sflag:s1], $0x2000  }
0xd1: {  	s3 =	sadd.s32 $0x2B80, s3;
	p2 =	seq.s32 s13, $0x0;
	[sflag:s1] =	ssyncset.done $0x0  }
0xd2: {  	s5 =	simm.s32 @!p2 $0xD;
	[sflag:s1] =	ssyncadd.s32 $0xFFFFE000  }
0xd3: {  	[spmem:s2] =	stream.indirect.scatter.add.f32 [tilespmem:s28], [sflag:$0x10], $0x40, s3, s18, $0xb8;
	[tilespmem:$0x1F000] =	vst v63  }
0xd4: {  	_ =	swait.ge @!p2 [sflag:s5], $0x2000  }
0xd5: {  	s3 =	sshra.s32 s13, $0x2;
	[sflag:s5] =	ssyncset.done @!p2 $0x0  }
0xd6: {  	s14 =	sadd.s32 $0x200, s3;
	s6 =	rddreg [dreg:$0x3];
	[sflag:s5] =	ssyncadd.s32 @!p2 $0xFFFFE000  }
0xd7: {  	[tilespmem:s6], [sflag:$0x5] =	stream.indirect.gather [hbm4b:s4+s18], $0x40, s14, s18, $0xb8;
	[tilespmem:$0x1F000] =	vst v63  }
0xd8: {  	_ =	swait.ge [sflag:s16], $0x2000  }
0xd9: {  	[sflag:s16] =	ssyncset.done $0x0  }
0xda: {  	s15 =	sadd.s32 $0x2800, s3;
	s6 =	simm.s32 @!p2 $0xE;
	[sflag:s16] =	ssyncadd.s32 $0xFFFFE000  }
0xdb: {  	[spmem:s2] =	stream.indirect.scatter.add.f32 [tilespmem:s19], [sflag:$0x9], $0x40, s15, s18, $0xb8;
	[tilespmem:$0x1F000] =	vst v63  }
0xdc: {  	_ =	swait.ge @!p2 [sflag:s6], $0x2000  }
0xdd: {  	[sflag:s6] =	ssyncset.done @!p2 $0x0  }
0xde: {  	s21 =	sadd.s32 $0x280, s3;
	[sflag:s6] =	ssyncadd.s32 @!p2 $0xFFFFE000  }
0xdf: {  	[tilespmem:s25], [sflag:$0x6] =	stream.indirect.gather [hbm4b:s4+s18], $0x40, s21, s18, $0xb8;
	[tilespmem:$0x1F000] =	vst v63  }
0xe0: {  	_ =	swait.ge [sflag:s17], $0x2000  }
0xe1: {  	[sflag:s17] =	ssyncset.done $0x0  }
0xe2: {  	s23 =	sadd.s32 $0x2880, s3;
	s6 =	simm.s32 @!p2 $0xF;
	[sflag:s17] =	ssyncadd.s32 $0xFFFFE000  }
0xe3: {  	[spmem:s2] =	stream.indirect.scatter.add.f32 [tilespmem:s20], [sflag:$0xA], $0x40, s23, s18, $0xb8;
	[tilespmem:$0x1F000] =	vst v63  }
0xe4: {  	_ =	swait.ge @!p2 [sflag:s6], $0x2000  }
0xe5: {  	[sflag:s6] =	ssyncset.done @!p2 $0x0  }
0xe6: {  	s8 =	sadd.s32 $0x300, s3;
	s7 =	rddreg [dreg:$0x4];
	[sflag:s6] =	ssyncadd.s32 @!p2 $0xFFFFE000  }
0xe7: {  	[tilespmem:s7], [sflag:$0x7] =	stream.indirect.gather [hbm4b:s4+s18], $0x40, s8, s18, $0xb8;
	[tilespmem:$0x1F000] =	vst v63  }
0xe8: {  	_ =	swait.ge [sflag:s26], $0x2000  }
0xe9: {  	[sflag:s26] =	ssyncset.done $0x0  }
0xea: {  	s10 =	sadd.s32 $0x2900, s3;
	s6 =	simm.s32 @!p2 $0x10;
	[sflag:s26] =	ssyncadd.s32 $0xFFFFE000  }
0xeb: {  	[spmem:s2] =	stream.indirect.scatter.add.f32 [tilespmem:s22], [sflag:$0xB], $0x40, s10, s18, $0xb8;
	[tilespmem:$0x1F000] =	vst v63  }
0xec: {  	_ =	swait.ge @!p2 [sflag:s6], $0x2000  }
0xed: {  	[sflag:s6] =	ssyncset.done @!p2 $0x0  }
0xee: {  	s11 =	sadd.s32 $0x380, s3;
	[sflag:s6] =	ssyncadd.s32 @!p2 $0xFFFFE000  }
0xef: {  	[tilespmem:s28], [sflag:$0x8] =	stream.indirect.gather [hbm4b:s4+s18], $0x40, s11, s18, $0xb8;
	[tilespmem:$0x1F000] =	vst v63  }
0xf0: {  	_ =	swait.ge [sflag:s29], $0x2000  }
0xf1: {  	[sflag:s29] =	ssyncset.done $0x0  }
0xf2: {  	s12 =	sadd.s32 $0x2980, s3;
	[sflag:s29] =	ssyncadd.s32 $0xFFFFE000  }
0xf3: {  	[spmem:s2] =	stream.indirect.scatter.add.f32 [tilespmem:s24], [sflag:$0xC], $0x40, s12, s18, $0xb8;
	[tilespmem:$0x1F000] =	vst v63  }
0xf4: {  	_ =	swait.ge [sflag:s30], $0x2000  }
0xf5: {  	p1 =	seq.s32 s13, $0x9000;
	[sflag:s30] =	ssyncset.done $0x0  }
0xf6: {  	s5 =	simm.s32 @p1 $0x5;
	[sflag:s30] =	ssyncadd.s32 $0xFFFFE000  }
0xf7: {  	s8 =	simm.s32 @p1 $0xA;
	_ =	swait.ge @p1 [sflag:s5], $0x2000  }
0xf8: {  	s10 =	simm.s32 @p1 $0xD000;
	s6 =	sshra.s32 @p1 s13, $0x2;
	[sflag:s5] =	ssyncset.done @p1 $0x0  }
0xf9: {  	s7 =	sadd.s32 @p1 $0x2A00, s6;
	[sflag:s5] =	ssyncadd.s32 @p1 $0xFFFFE000;
	s5 =	simm.s32 @p1 $0x80  }
0xfa: {  	[spmem:s2] =	stream.indirect.scatter.add.f32 @p1 [tilespmem:s10], [sflag:$0xD], $0x40, s7, s5, $0xb8;
	[tilespmem:$0x1F000] =	vst v63  }
0xfb: {  	_ =	swait.ge @p1 [sflag:s8], $0x2000  }
0xfc: {  	s11 =	simm.s32 @!p1 $0x5000;
	s7 =	sshra.s32 @!p1 s13, $0x2;
	[sflag:s8] =	ssyncset.done @p1 $0x0  }
0xfd: {  	s10 =	sadd.s32 @!p1 $0x400, s7;
	[sflag:s8] =	ssyncadd.s32 @p1 $0xFFFFE000;
	s8 =	simm.s32 @!p1 $0x80  }
0xfe: {  	[tilespmem:s11], [sflag:$0x1] =	stream.indirect.gather @!p1 [hbm4b:s4+s8], $0x40, s10, s8, $0xb8;
	[tilespmem:$0x1F000] =	vst v63  }
0xff: {  	s10 =	simm.s32 @!p1 $0x5  }
0x100: {  	_ =	swait.ge @!p1 [sflag:s10], $0x2000  }
0x101: {  	[sflag:s10] =	ssyncset.done @!p1 $0x0  }
0x102: {  	s11 =	sadd.s32 @!p1 $0x2A00, s7;
	[sflag:s10] =	ssyncadd.s32 @!p1 $0xFFFFE000;
	s10 =	simm.s32 @!p1 $0xD000  }
0x103: {  	[spmem:s2] =	stream.indirect.scatter.add.f32 @!p1 [tilespmem:s10], [sflag:$0xD], $0x40, s11, s8, $0xb8;
	[tilespmem:$0x1F000] =	vst v63  }
0x104: {  	s10 =	simm.s32 @!p1 $0xA  }
0x105: {  	_ =	swait.ge @!p1 [sflag:s10], $0x2000  }
0x106: {  	[sflag:s10] =	ssyncset.done @!p1 $0x0  }
0x107: {  	s11 =	sadd.s32 @!p1 $0x480, s7;
	[sflag:s10] =	ssyncadd.s32 @!p1 $0xFFFFE000;
	s10 =	simm.s32 @!p1 $0x7000  }
0x108: {  	[tilespmem:s10], [sflag:$0x2] =	stream.indirect.gather @!p1 [hbm4b:s4+s8], $0x40, s11, s8, $0xb8;
	[tilespmem:$0x1F000] =	vst v63  }
0x109: {  	_ =	swait.ge [sflag:s31], $0x2000  }
0x10a: {  	[sflag:s31] =	ssyncset.done $0x0  }
0x10b: {  	s14 =	sadd.s32 $0x2A80, s3;
	[sflag:s31] =	ssyncadd.s32 $0xFFFFE000  }
0x10c: {  	[spmem:s2] =	stream.indirect.scatter.add.f32 [tilespmem:s25], [sflag:$0xE], $0x40, s14, s18, $0xb8;
	[tilespmem:$0x1F000] =	vst v63  }
0x10d: {  	_ =	swait.ge [sflag:s0], $0x2000  }
0x10e: {  	[sflag:s0] =	ssyncset.done $0x0  }
0x10f: {  	s10 =	simm.s32 @p1 $0x7;
	[sflag:s0] =	ssyncadd.s32 $0xFFFFE000  }
0x110: {  	_ =	swait.ge @p1 [sflag:s10], $0x2000  }
0x111: {  	[sflag:s10] =	ssyncset.done @p1 $0x0  }
0x112: {  	s6 =	sadd.s32 @p1 $0x2B00, s6;
	[sflag:s10] =	ssyncadd.s32 @p1 $0xFFFFE000;
	s10 =	simm.s32 @p1 $0x11000  }
0x113: {  	[spmem:s2] =	stream.indirect.scatter.add.f32 @p1 [tilespmem:s10], [sflag:$0xF], $0x40, s6, s5, $0xb8;
	[tilespmem:$0x1F000] =	vst v63  }
0x114: {  	s5 =	simm.s32 @p1 $0xC  }
0x115: {  	_ =	swait.ge @p1 [sflag:s5], $0x2000  }
0x116: {  	[sflag:s5] =	ssyncset.done @p1 $0x0  }
0x117: {  	s6 =	sadd.s32 @!p1 $0x500, s7;
	[sflag:s5] =	ssyncadd.s32 @p1 $0xFFFFE000;
	s5 =	simm.s32 @!p1 $0x9000  }
0x118: {  	[tilespmem:s5], [sflag:$0x3] =	stream.indirect.gather @!p1 [hbm4b:s4+s8], $0x40, s6, s8, $0xb8;
	[tilespmem:$0x1F000] =	vst v63  }
0x119: {  	s5 =	simm.s32 @!p1 $0x7  }
0x11a: {  	_ =	swait.ge @!p1 [sflag:s5], $0x2000  }
0x11b: {  	[sflag:s5] =	ssyncset.done @!p1 $0x0  }
0x11c: {  	s6 =	sadd.s32 @!p1 $0x2B00, s7;
	[sflag:s5] =	ssyncadd.s32 @!p1 $0xFFFFE000;
	s5 =	simm.s32 @!p1 $0x11000  }
0x11d: {  	[spmem:s2] =	stream.indirect.scatter.add.f32 @!p1 [tilespmem:s5], [sflag:$0xF], $0x40, s6, s8, $0xb8;
	[tilespmem:$0x1F000] =	vst v63  }
0x11e: {  	s5 =	simm.s32 @!p1 $0xC  }
0x11f: {  	_ =	swait.ge @!p1 [sflag:s5], $0x2000  }
0x120: {  	[sflag:s5] =	ssyncset.done @!p1 $0x0  }
0x121: {  	s6 =	sadd.s32 @!p1 $0x580, s7;
	[sflag:s5] =	ssyncadd.s32 @!p1 $0xFFFFE000;
	s5 =	simm.s32 @!p1 $0xB000  }
0x122: {  	[tilespmem:s5], [sflag:$0x4] =	stream.indirect.gather @!p1 [hbm4b:s4+s8], $0x40, s6, s8, $0xb8;
	[tilespmem:$0x1F000] =	vst v63  }
0x123: {  	_ =	swait.ge [sflag:s1], $0x2000  }
0x124: {  	[sflag:s1] =	ssyncset.done $0x0  }
0x125: {  	s3 =	sadd.s32 $0x2B80, s3;
	s15 =	simm.s32 $0xD;
	[sflag:s1] =	ssyncadd.s32 $0xFFFFE000  }
0x126: {  	[spmem:s2] =	stream.indirect.scatter.add.f32 [tilespmem:s28], [sflag:$0x10], $0x40, s3, s18, $0xb8;
	[tilespmem:$0x1F000] =	vst v63  }
0x127: {  	_ =	swait.ge [sflag:s15], $0x2000  }
0x128: {  	[sflag:s15] =	ssyncset.done $0x0  }
0x129: {  	s21 =	simm.s32 $0xE;
	[sflag:s15] =	ssyncadd.s32 $0xFFFFE000  }
0x12a: {  	_ =	swait.ge [sflag:s21], $0x2000  }
0x12b: {  	[sflag:s21] =	ssyncset.done $0x0  }
0x12c: {  	s23 =	simm.s32 $0xF;
	[sflag:s21] =	ssyncadd.s32 $0xFFFFE000  }
0x12d: {  	_ =	swait.ge [sflag:s23], $0x2000  }
.Ltmp1:
0x12e: {  	[sflag:s23] =	ssyncset.done $0x0;
	(pc) =	sbr.rel @p0 .LBB2_2-.Ltmp1, $4  }
0x12f: {  	[sflag:s23] =	ssyncadd.s32 $0xFFFFE000  }
0x130: {  	_ =	swait.ge [sflag:s9], $0x2000  }
0x131: {  	[sflag:s9] =	ssyncset.done $0x0  }
0x132: {  	p1 =	por $0x0, $0x0;
	s3 =	simm.s32 $0x2800;
	[sflag:s9] =	ssyncadd.s32 $0xFFFFE000  }
0x133: {  	[bflag:$0x0] =	sbarrier.arrive $0xFFFF  }
0x134: {  	s6 =	rddreg [dreg:$0xa]  }
0x135: {  	s3 =	rddreg [dreg:$0xc]  }
0x136: {  	s7 =	simm.s32 $0x11;
	s5 =	rddreg [dreg:$0xe]  }
0x137: {  	[hbm:s3@s9], [sflag:s6] =	dma.strided [spmem:s5@s1], $0x1400, s16, $0x8   }
0x138: {  	_ =	swait.ge [sflag:s7], $0x1400  }
0x139: {  	s10 =	rddreg [dreg:$0x5]  }
0x13a: {  	s23 =	rddreg [dreg:$0xd];
	s10 =	sadd.s32 $0x1, s10  }
0x13b: {  	p0 =	sne.s32 s10, s23  }
.Ltmp2:
0x13c: {  	_ = 	snop;
	(pc) =	sbr.rel @p0 .LBB2_1-.Ltmp2, $3  }
0x13d: {  	_ =	sdelay $0x1  }
0x13e: {  	[sflag:s7] =	ssyncset.done $0x0  }
0x13f: {  	[sflag:s7] =	ssyncadd.s32 $0xFFFFEC00  }
0x140: {  	_ =	sfence.sel $0x180000  }
0x141: {  	[bflag:$0x0] =	sbarrier.arrive $0xFFFF  }
0x142: {  	_ =	strace $0x9000004A  }
0x143: {  	s0 =	stileid.u32;
	[bflag:$0x2] =	sbarrier.arrive $0xFFFF  }
0x144: {  	p0 =	sne.s32 s0, $0x0;
	s0 =	rddreg [dreg:$0x2]  }
0x145: {  	s0 =	sadd.s32 @!p0 $0x100000, s0  }
0x146: {  	[sflag:s0] =	ssyncadd.tile.s32 @!p0 $0x1;
	_ =	shalt  }
.Lfunc_end2:
_tile_overlayer_lowered:
.L_overlay_start_2:
0x147: {  	(tag) =	ssettag $0x2  }
0x148: {  	s0 =	rddreg [dreg:$0x0];
	s2 =	stileid.u32  }
0x149: {  	s1 =	rddreg [dreg:$0x1];
	p0 =	sne.s32 s2, $0x0  }
0x14a: {  	s3 =	rddreg [dreg:$0x2];
	[bflag:$0x3] =	sbarrier.arrive $0xFFFF;
	s2 =	simm.s32 @!p0 $0x1C12  }
0x14b: {  	[timem:s3], [sflag:s2] =	dma.local @!p0 [hbm:s0], s1  }
0x14c: {  	s0 =	simm.s32 @!p0 $0x12  }
0x14d: {  	_ =	swait.ge @!p0 [sflag:s0], s1  }
0x14e: {  	s1 =	ssub.s32 @!p0 $0x0, s1;
	[sflag:s0] =	ssyncset.done @!p0 $0x0  }
0x14f: {  	[sflag:s0] =	ssyncadd.s32 @!p0 s1  }
0x150: {  	[bflag:$0x3] =	sbarrier.arrive $0xFFFF  }
0x151: {  	_ =	shalt  }

// kernel: kernel.14.cloned.1.call-start
scs
__scs_entry_jumppad:
0x0: {  	(pc) =	sbr.rel $0x88, $3  }
0x1: {  	(tag) =	ssettag $0x0;
	lr =	simm.s32 $0x1  }
0x2: {  	[smem:$0x3F94] =	sst lr;
	_ =	strace $0xD0000000  }
0x3: {  	_ = 	snop  }
0x4: {  	_ = 	snop  }
0x5: {  	_ = 	snop  }
0x6: {  	_ = 	snop  }
0x7: {  	_ = 	snop  }
__scs_overlays_trampoline_lowered:
0x8: {  	[smem:$0x3FA3] =	sst s0  }
0x9: {  	[smem:$0x3FA4] =	sst s1  }
0xa: {  	[smem:$0x3FA5] =	sst s2  }
0xb: {  	[smem:$0x3FA6] =	sst s3  }
0xc: {  	[smem:$0x3FA7] =	sst s4  }
0xd: {  	[smem:$0x3FA8] =	sst s5  }
0xe: {  	[smem:$0x3FA9] =	sst s6  }
0xf: {  	[smem:$0x3FAA] =	sst s7  }
0x10: {  	[smem:$0x3FAB] =	sst s8  }
0x11: {  	[smem:$0x3FAC] =	sst s9;
	s0 =	simm.s32 @!p0 $0x0  }
0x12: {  	s1 =	sld [smem:$0x3F92];
	s0 =	simm.s32 @p0 $0x1  }
0x13: {  	[smem:$0x3FAD] =	sst s0;
	s0 =	simm.s32 @!p1 $0x0  }
0x14: {  	s2 =	sld [smem:$0x3F91];
	s0 =	simm.s32 @p1 $0x1  }
0x15: {  	[smem:$0x3FAE] =	sst s0;
	s0 =	simm.s32 @!p2 $0x0  }
0x16: {  	s3 =	sld [smem:$0x3FDB];
	s0 =	simm.s32 @p2 $0x1  }
0x17: {  	s4 =	simm.s32 $0x1BF5;
	[smem:$0x3FB0] =	sst s0  }
0x18: {  	s0 =	sld [smem:$0x3F93];
	_ =	swait.ge [sflag:s4], $0x0  }
0x19: {  	s7 =	sld [smem:$0x3F94]  }
0x1a: {  	s8 =	sadd.s32 $0xFFFFE003, lr  }
0x1b: {  	s9 =	sadd.s32 $0xFFFFFEF7, lr;
	s5 =	simm.s32 $0xFFFFFFFF;
	p2 =	slt.u32 s8, $0xFFFFF086  }
0x1c: {  	p1 =	slt.u32 s9, $0xF7A;
	s5 =	simm.s32 @!p2 $0x0  }
0x1d: {  	s5 =	simm.s32 @p1 $0x1;
	p0 =	seq.s32 s7, s2  }
0x1e: {  	s7 =	smul.u32 @!p0 $0xF7A, s2;
	p2 =	seq.s32 @!p0 s5, $0x0  }
0x1f: {  	s9 =	smul.u32 $0xF7A, s1;
	s8 =	simm.s32 @!p0 $0x1BF5;
	p2 =	por !p2, p0  }
0x20: {  	[sflag:s8] =	ssyncset.s32 @!p0 $0xFFFFF086;
	s6 =	sadd.s32 @!p0 s3, s7;
	s7 =	simm.s32 @!p0 $0x108  }
0x21: {  	s3 =	sadd.s32 s3, s9;
	s6 =	sadd.s32 @!p0 $0x88, s6;
	s7 =	simm.s32 @p2 $0x1082  }
0x22: {  	[simem:s7], [sflag:s8] =	dma.local @!p0 [hbm:s6], $0xF7A  }
0x23: {  	s9 =	sor.u32 $0xD0000000, s2;
	s6 =	simm.s32 $0x108;
	_ =	swait.ge @!p0 [sflag:s8], $0x0  }
0x24: {  	s3 =	sadd.s32 $0x88, s3;
	s6 =	simm.s32 @!p1 $0x1082;
	[sflag:s4] =	ssyncset.s32 $0xFFFFF086  }
0x25: {  	[simem:s6], [sflag:s4] =	dma.local [hbm:s3], $0xF7A  }
0x26: {  	[smem:$0x3F94] =	sst s1;
	(tag) =	ssettag s2;
	_ =	strace s9  }
0x27: {  	s1 =	sld [smem:$0x3FA4]  }
0x28: {  	s2 =	sld [smem:$0x3FA5]  }
0x29: {  	s4 =	sld [smem:$0x3FA7]  }
0x2a: {  	p0 =	seq.s32 s5, $0x0;
	s5 =	sld [smem:$0x3FA8]  }
0x2b: {  	s6 =	sld [smem:$0x3FA9]  }
0x2c: {  	s7 =	sld [smem:$0x3FAA]  }
0x2d: {  	s3 =	simm.s32 $0x108;
	s8 =	sld [smem:$0x3FAB]  }
0x2e: {  	s3 =	simm.s32 @!p0 $0x1082;
	s9 =	sld [smem:$0x3FAC]  }
0x2f: {  	lr =	sadd.s32 s0, s3;
	s0 =	sld [smem:$0x3FA3]  }
0x30: {  	s3 =	sld [smem:$0x3FA6]  }
0x31: {  	[smem:$0x3FAF] =	sst s10  }
0x32: {  	s10 =	sld [smem:$0x3FAD];
	_ =	sdelay $0x3  }
0x33: {  	p0 =	seq.s32 s10, $0x1;
	s10 =	sld [smem:$0x3FAF];
	_ =	sdelay $0x3  }
0x34: {  	[smem:$0x3FAF] =	sst s10  }
0x35: {  	s10 =	sld [smem:$0x3FAE];
	_ =	sdelay $0x3  }
0x36: {  	p1 =	seq.s32 s10, $0x1;
	s10 =	sld [smem:$0x3FAF];
	_ =	sdelay $0x3  }
0x37: {  	[smem:$0x3FAF] =	sst s10  }
0x38: {  	s10 =	sld [smem:$0x3FB0]  }
0x39: {  	_ = 	snop;
	(pc) =	sbr.ind lr, $3  }
0x3a: {  	_ = 	snop  }
0x3b: {  	_ = 	snop  }
0x3c: {  	p2 =	seq.s32 s10, $0x1;
	s10 =	sld [smem:$0x3FAF]  }
0x3d: {  	_ =	shalt  }
0x3e: {  	_ =	shalt  }
0x3f: {  	_ =	shalt  }
0x40: {  	_ =	shalt  }
0x41: {  	_ =	shalt  }
0x42: {  	_ =	shalt  }
0x43: {  	_ =	shalt  }
0x44: {  	_ =	shalt  }
0x45: {  	_ =	shalt  }
0x46: {  	_ =	shalt  }
0x47: {  	_ =	shalt  }
0x48: {  	_ =	shalt  }
0x49: {  	_ =	shalt  }
0x4a: {  	_ =	shalt  }
0x4b: {  	_ =	shalt  }
0x4c: {  	_ =	shalt  }
0x4d: {  	_ =	shalt  }
0x4e: {  	_ =	shalt  }
0x4f: {  	_ =	shalt  }
0x50: {  	_ =	shalt  }
0x51: {  	_ =	shalt  }
0x52: {  	_ =	shalt  }
0x53: {  	_ =	shalt  }
0x54: {  	_ =	shalt  }
0x55: {  	_ =	shalt  }
0x56: {  	_ =	shalt  }
0x57: {  	_ =	shalt  }
0x58: {  	_ =	shalt  }
0x59: {  	_ =	shalt  }
0x5a: {  	_ =	shalt  }
0x5b: {  	_ =	shalt  }
0x5c: {  	_ =	shalt  }
0x5d: {  	_ =	shalt  }
0x5e: {  	_ =	shalt  }
0x5f: {  	_ =	shalt  }
0x60: {  	_ =	shalt  }
0x61: {  	_ =	shalt  }
0x62: {  	_ =	shalt  }
0x63: {  	_ =	shalt  }
0x64: {  	_ =	shalt  }
0x65: {  	_ =	shalt  }
0x66: {  	_ =	shalt  }
0x67: {  	_ =	shalt  }
0x68: {  	_ =	shalt  }
0x69: {  	_ =	shalt  }
0x6a: {  	_ =	shalt  }
0x6b: {  	_ =	shalt  }
0x6c: {  	_ =	shalt  }
0x6d: {  	_ =	shalt  }
0x6e: {  	_ =	shalt  }
0x6f: {  	_ =	shalt  }
0x70: {  	_ =	shalt  }
0x71: {  	_ =	shalt  }
0x72: {  	_ =	shalt  }
0x73: {  	_ =	shalt  }
0x74: {  	_ =	shalt  }
0x75: {  	_ =	shalt  }
0x76: {  	_ =	shalt  }
0x77: {  	_ =	shalt  }
0x78: {  	_ =	shalt  }
0x79: {  	_ =	shalt  }
0x7a: {  	_ =	shalt  }
0x7b: {  	_ =	shalt  }
0x7c: {  	_ =	shalt  }
0x7d: {  	_ =	shalt  }
0x7e: {  	_ =	shalt  }
0x7f: {  	_ =	shalt  }
0x80: {  	_ =	shalt  }
0x81: {  	_ =	shalt  }
0x82: {  	_ =	shalt  }
0x83: {  	_ =	shalt  }
0x84: {  	_ =	shalt  }
0x85: {  	_ =	shalt  }
0x86: {  	_ =	shalt  }
0x87: {  	_ =	shalt  }
.Lfunc_end0:
.L_simem_size_0:
called_computation.2_lowered:
.L_overlay_start_0:
0x88: {  	s2 =	sld [smem:$0x3FD9]  }
0x89: {  	s3 =	sld [smem:$0x3FFE];
	_ =	sdelay $0x1  }
0x8a: {  	s1 =	srdreg.scid  }
0x8b: {  	s0 =	sand.u32 $0x1, s1  }
0x8c: {  	s16 =	sshll.u32 s0, $0xA;
	s2 =	sadd.s32 s3, s2  }
0x8d: {  	s2 =	sadd.s32 s2, s16  }
0x8e: {  	[smem:$0x3FBB] =	sst s2  }
0x8f: {  	_ = 	snop  }
0x90: {  	(tm) =	ssettm $0x1  }
0x91: {  	s17 =	sld [smem:$0x3FFB];
	_ =	sdelay $0x3  }
0x92: {  	_ =	strace s17  }
0x93: {  	s2 =	sld [smem:$0x3FFC];
	_ =	sdelay $0x3  }
0x94: {  	_ =	strace s2  }
0x95: {  	s2 =	sld [smem:$0x3FFD];
	_ =	sdelay $0x3  }
0x96: {  	_ =	strace s2  }
0x97: {  	_ =	strace $0x8FFFFFFF  }
0x98: {  	s18 =	sld [smem:$0x3FDB];
	_ =	sdelay $0x1  }
0x99: {  	s19 =	simm.s32 $_scs_section_size  }
0x9a: {  	s4 =	simm.s32 $_size__tile_overlayer_lowered;
	s5 =	simm.s32 $_tile_overlayer_lowered  }
0x9b: {  	s22 =	simm.s32 $0x1BFF;
	s21 =	sshll.u32 s5, $0x1;
	s2 =	sadd.s32 s19, s18  }
0x9c: {  	s6 =	simm.s32 $0x0;
	s20 =	sshll.u32 s4, $0x1;
	s4 =	sadd.s32 s21, s2  }
0x9d: {  	[timem:s6], [sflag:s22] =	dma.local [hbm:s4], s20  }
0x9e: {  	_ =	swait.ge [sflag:s22], s20  }
0x9f: {  	s3 =	ssub.s32 $0x0, s20;
	[sflag:s22] =	ssyncset.done $0x0  }
0xa0: {  	[sflag:s22] =	ssyncadd.s32 s3;
	_ =	sdelay $0x1  }
0xa1: {  	s23 =	simm.s32 $0x1B8B  }
0xa2: {  	_ =	swait.ge [sflag:s23], $0x1  }
0xa3: {  	[sflag:s23] =	ssyncset.done $0x0  }
0xa4: {  	s25 =	simm.s32 $0x1B8E;
	s24 =	sld [smem:$0x3FFE];
	[sflag:s23] =	ssyncadd.s32 $0xFFFFFFFF  }
0xa5: {  	s26 =	simm.s32 $execute0_lowered;
	[smem:$0x3FD2] =	sst s25  }
0xa6: {  	s4 =	sshll.u32 s26, $0x1;
	_ =	strace $0x8000004C;
	[dreg:$0x1] =	wrdreg $0xFFFFFFFF  }
0xa7: {  	s28 =	simm.s32 $_size_execute0_lowered;
	s2 =	sadd.s32 s2, s4;
	[dreg:$0x0] =	wrdreg $0x0  }
0xa8: {  	s4 =	sshll.u32 s28, $0x1;
	[dreg:$0x2] =	wrdreg s2  }
0xa9: {  	[dreg:$0x3] =	wrdreg s4  }
0xaa: {  	[dreg:$0x4] =	wrdreg $0xC0  }
0xab: {  	_ =	task [dreg:s6], $0x5FFFF  }
0xac: {  	[dreg:$0x1] =	wrdreg $0xFFFFFFFF  }
0xad: {  	[dreg:$0x0] =	wrdreg $0x60  }
0xae: {  	[dreg:$0x2] =	wrdreg s24  }
0xaf: {  	[dreg:$0x3] =	wrdreg $0x150000  }
0xb0: {  	[dreg:$0x4] =	wrdreg $0x9  }
0xb1: {  	_ =	task.clear_ibuf [dreg:s6], $0x5FFFF;
	_ =	strace $0x9000004C  }
0xb2: {  	s29 =	simm.s32 $0x9;
	_ =	strace $0x8000004E  }
0xb3: {  	_ =	swait.ge [sflag:s29], $0x1  }
0xb4: {  	[sflag:s29] =	ssyncadd.s32 $0xFFFFFFFF  }
0xb5: {  	_ =	strace $0x9000004E  }
0xb6: {  	_ =	sfence  }
0xb7: {  	s30 =	sld [smem:$0x0];
	_ =	sdelay $0x2  }
0xb8: {  	s31 =	sshll.u32 s1, $0xD;
	s1 =	sshrl.u32 s1, $0x2  }
0xb9: {  	s3 =	sand.u32 $0x4000, s31;
	s1 =	sadd.s32 s1, s30  }
0xba: {  	s0 =	sor.u32 s3, s0;
	s1 =	sshll.u32 s1, $0x11  }
0xbb: {  	s0 =	sor.u32 s1, s0  }
0xbc: {  	s0 =	sadd.s32 $0x8F2B, s0  }
0xbd: {  	[sflag:s0] =	ssyncadd.remote.s32 $0x1  }
0xbe: {  	_ =	sfence.sel $0xFFFF  }
0xbf: {  	[dreg:$0x0] =	wrdreg $0xFFFFFFFF;
	(pc) =	sbr.abs _section_cstart, $3  }
0xc0: {  	[dreg:$0x1] =	wrdreg $0xFFFFFFFF  }
0xc1: {  	_ =	task.clear_ibuf [dreg:s6], $0x2FFFF;
	_ =	strace $0x9FFFFFFF  }
0xc2: {  	(tm) =	ssettm $0x7FFFFFFF  }
0xc3: {  	_ =	shalt  }
tec
execute0_lowered:
.L_overlay_start_1:
0x0: {  	(tag) =	ssettag $0x1  }
0x1: {  	s0 =	rddreg [dreg:$0x0]  }
0x2: {  	s2 =	rddreg [dreg:$0x1]  }
0x3: {  	s10 =	simm.s32 $0x0;
	s9 =	stileid.u32;
	s3 =	srdreg.scid  }
0x4: {  	s16 =	simm.s32 $0x1;
	s17 =	simm.s32 $0x2;
	s18 =	simm.s32 $0x80  }
0x5: {  	s25 =	simm.s32 $0xD000;
	s26 =	simm.s32 $0x11000;
	s28 =	simm.s32 $0x13000  }
0x6: {  	s29 =	simm.s32 $0x4;
	s30 =	simm.s32 $0x9;
	s31 =	simm.s32 $0x6  }
0x7: {  	[smem:$0x7FF] =	sst s10;
	s1 =	smul.u32 $0xA000, s9;
	s4 =	sadd.s32 $0x36A00, s0  }
0x8: {  	s3 =	sand.u32 $0x1, s3;
	s5 =	smul.u32 $0x14000, s9;
	s6 =	sadd.s32 $0x22A00, s0  }
0x9: {  	s8 =	sadd.s32 $0xEA00, s0;
	_ =	strace $0x8000004D;
	[dreg:$0x6] =	wrdreg s6  }
0xa: {  	s22 =	smul.u32 $0x5000, s9;
	s23 =	sshll.u32 s9, $0x6;
	[dreg:$0x7] =	wrdreg s8  }
0xb: {  	s9 =	simm.s32 $0x10;
	s7 =	sshll.u32 s3, $0x6;
	[dreg:$0x3] =	wrdreg s25  }
0xc: {  	s20 =	ssub.s32 $0x2, s3;
	s3 =	smul.u32 $0x50000, s3;
	[dreg:$0x4] =	wrdreg s26  }
0xd: {  	s25 =	simm.s32 $0xF000;
	s26 =	simm.s32 $0x3;
	s19 =	sshrl.u32 s1, $0x3  }
0xe: {  	s5 =	sor.u32 s7, s5;
	s21 =	sshrl.u32 s20, $0x1;
	s1 =	sadd.s32 s1, s2  }
0xf: {  	[dreg:$0x8] =	wrdreg s22;
	s7 =	simm.s32 $0x11;
	s6 =	sadd.s32 s19, s0  }
0x10: {  	s5 =	sshrl.u32 s5, $0x3;
	s3 =	sadd.s32 s3, s22;
	s19 =	simm.s32 $0x5000  }
0x11: {  	s0 =	sadd.s32 s5, s0;
	s6 =	sadd.s32 $0x5EA00, s6;
	[dreg:$0xb] =	wrdreg s3  }
0x12: {  	s5 =	ssub.s32 s20, s21;
	[dreg:$0x9] =	wrdreg s6;
	s0 =	sadd.s32 $0x72A00, s0  }
0x13: {  	s22 =	simm.s32 $0x9000;
	s24 =	smax.u32 s5, $0x1;
	[dreg:$0xc] =	wrdreg s0  }
0x14: {  	s20 =	simm.s32 $0x7000;
	s6 =	sor.u32 $0x1C11, s23;
	[dreg:$0xd] =	wrdreg s24  }
0x15: {  	s5 =	sshrl.u32 s1, $0x3;
	s1 =	simm.s32 $0x8;
	[dreg:$0xa] =	wrdreg s6  }
0x16: {  	s24 =	simm.s32 $0xB000;
	s0 =	simm.s32 $0xB;
	[dreg:$0xe] =	wrdreg s5  }
.LBB2_1:
0x17: {  	[dreg:$0x5] =	wrdreg s10  }
0x18: {  	s3 =	rddreg [dreg:$0x9]  }
0x19: {  	[spmem:s5], [sflag:s6] =	dma.local [hbm:s3], $0x1400  }
0x1a: {  	_ =	swait.ge [sflag:s7], $0x1400  }
0x1b: {  	[sflag:s7] =	ssyncset.done $0x0  }
0x1c: {  	[sflag:s7] =	ssyncadd.s32 $0xFFFFEC00  }
0x1d: {  	p1 =	por $0x1, $0x1;
	s3 =	simm.s32 $0x0;
	[bflag:$0x0] =	sbarrier.arrive $0xFFFF  }
.LBB2_2:
0x1e: {  	s5 =	rddreg [dreg:$0xb]  }
0x1f: {  	s6 =	rddreg [dreg:$0x6]  }
0x20: {  	s13 =	rddreg [dreg:$0x8];
	s5 =	sadd.s32 s5, s3  }
0x21: {  	s12 =	simm.s32 $0x0;
	s14 =	sadd.s32 s13, s3;
	s5 =	sshrl.u32 s5, $0x3  }
0x22: {  	s15 =	rddreg [dreg:$0x7];
	s3 =	sshrl.u32 s14, $0x3;
	s5 =	sadd.s32 s6, s5  }
0x23: {  	[tilespmem:s12], [sflag:$0x1] =	stream.linear.gather [hbm4b:s5+s12], $0x2800, $0x38;
	[tilespmem:$0x1F000] =	vst v63  }
0x24: {  	s21 =	simm.s32 $0x2800;
	s3 =	sadd.s32 s15, s3  }
0x25: {  	[tilespmem:s21], [sflag:$0x2] =	stream.linear.gather [hbm4b:s3+s12], $0x2800, $0x38;
	[tilespmem:$0x1F000] =	vst v63  }
0x26: {  	_ =	swait.ge [sflag:s16], $0x2800  }
0x27: {  	[sflag:s16] =	ssyncset.done $0x0  }
0x28: {  	[sflag:s16] =	ssyncadd.s32 $0xFFFFD800  }
0x29: {  	_ =	swait.ge [sflag:s17], $0x2800  }
0x2a: {  	[sflag:s17] =	ssyncset.done $0x0  }
0x2b: {  	[sflag:s17] =	ssyncadd.s32 $0xFFFFD800  }
0x2c: {  	[tilespmem:s19], [sflag:$0x1] =	stream.indirect.gather [hbm4b:s4+s18], $0x40, s12, s18, $0xb8;
	[tilespmem:$0x1F000] =	vst v63  }
0x2d: {  	_ = 	snop  }
0x2e: {  	[tilespmem:s20], [sflag:$0x2] =	stream.indirect.gather [hbm4b:s4+s18], $0x40, s18, s18, $0xb8;
	[tilespmem:$0x1F000] =	vst v63  }
0x2f: {  	s23 =	simm.s32 $0x100;
	p0 =	por $0x1, $0x1  }
0x30: {  	[tilespmem:s22], [sflag:$0x3] =	stream.indirect.gather [hbm4b:s4+s18], $0x40, s23, s18, $0xb8;
	[tilespmem:$0x1F000] =	vst v63  }
0x31: {  	s5 =	simm.s32 $0x180;
	s3 =	simm.s32 @!p0 $0xD  }
0x32: {  	[tilespmem:s24], [sflag:$0x4] =	stream.indirect.gather [hbm4b:s4+s18], $0x40, s5, s18, $0xb8;
	[tilespmem:$0x1F000] =	vst v63  }
0x33: {  	_ =	swait.ge @!p0 [sflag:s3], $0x2000  }
0x34: {  	[sflag:s3] =	ssyncset.done @!p0 $0x0  }
0x35: {  	s7 =	simm.s32 $0x200;
	s6 =	rddreg [dreg:$0x3];
	[sflag:s3] =	ssyncadd.s32 @!p0 $0xFFFFE000  }
0x36: {  	[tilespmem:s6], [sflag:$0x5] =	stream.indirect.gather [hbm4b:s4+s18], $0x40, s7, s18, $0xb8;
	[tilespmem:$0x1F000] =	vst v63  }
0x37: {  	_ =	swait.ge [sflag:s16], $0x2000  }
0x38: {  	[sflag:s16] =	ssyncset.done $0x0  }
0x39: {  	s8 =	simm.s32 $0x2800;
	s5 =	simm.s32 @!p0 $0xE;
	[sflag:s16] =	ssyncadd.s32 $0xFFFFE000  }
0x3a: {  	[spmem:s2] =	stream.indirect.scatter.add.f32 [tilespmem:s19], [sflag:$0x9], $0x40, s8, s18, $0xb8;
	[tilespmem:$0x1F000] =	vst v63  }
0x3b: {  	_ =	swait.ge @!p0 [sflag:s5], $0x2000  }
0x3c: {  	[sflag:s5] =	ssyncset.done @!p0 $0x0  }
0x3d: {  	s10 =	simm.s32 $0x280;
	[sflag:s5] =	ssyncadd.s32 @!p0 $0xFFFFE000  }
0x3e: {  	[tilespmem:s25], [sflag:$0x6] =	stream.indirect.gather [hbm4b:s4+s18], $0x40, s10, s18, $0xb8;
	[tilespmem:$0x1F000] =	vst v63  }
0x3f: {  	_ =	swait.ge [sflag:s17], $0x2000  }
0x40: {  	[sflag:s17] =	ssyncset.done $0x0  }
0x41: {  	s11 =	simm.s32 $0x2880;
	s5 =	simm.s32 @!p0 $0xF;
	[sflag:s17] =	ssyncadd.s32 $0xFFFFE000  }
0x42: {  	[spmem:s2] =	stream.indirect.scatter.add.f32 [tilespmem:s20], [sflag:$0xA], $0x40, s11, s18, $0xb8;
	[tilespmem:$0x1F000] =	vst v63  }
0x43: {  	_ =	swait.ge @!p0 [sflag:s5], $0x2000  }
0x44: {  	[sflag:s5] =	ssyncset.done @!p0 $0x0  }
0x45: {  	s13 =	simm.s32 $0x300;
	s12 =	rddreg [dreg:$0x4];
	[sflag:s5] =	ssyncadd.s32 @!p0 $0xFFFFE000  }
0x46: {  	[tilespmem:s12], [sflag:$0x7] =	stream.indirect.gather [hbm4b:s4+s18], $0x40, s13, s18, $0xb8;
	[tilespmem:$0x1F000] =	vst v63  }
0x47: {  	_ =	swait.ge [sflag:s26], $0x2000  }
0x48: {  	[sflag:s26] =	ssyncset.done $0x0  }
0x49: {  	s14 =	simm.s32 $0x2900;
	s5 =	simm.s32 @!p0 $0x10;
	[sflag:s26] =	ssyncadd.s32 $0xFFFFE000  }
0x4a: {  	[spmem:s2] =	stream.indirect.scatter.add.f32 [tilespmem:s22], [sflag:$0xB], $0x40, s14, s18, $0xb8;
	[tilespmem:$0x1F000] =	vst v63  }
0x4b: {  	_ =	swait.ge @!p0 [sflag:s5], $0x2000  }
0x4c: {  	[sflag:s5] =	ssyncset.done @!p0 $0x0  }
0x4d: {  	s15 =	simm.s32 $0x380;
	[sflag:s5] =	ssyncadd.s32 @!p0 $0xFFFFE000  }
0x4e: {  	[tilespmem:s28], [sflag:$0x8] =	stream.indirect.gather [hbm4b:s4+s18], $0x40, s15, s18, $0xb8;
	[tilespmem:$0x1F000] =	vst v63  }
0x4f: {  	_ =	swait.ge [sflag:s29], $0x2000  }
0x50: {  	[sflag:s29] =	ssyncset.done $0x0  }
0x51: {  	s21 =	simm.s32 $0x2980;
	[sflag:s29] =	ssyncadd.s32 $0xFFFFE000  }
0x52: {  	[spmem:s2] =	stream.indirect.scatter.add.f32 [tilespmem:s24], [sflag:$0xC], $0x40, s21, s18, $0xb8;
	[tilespmem:$0x1F000] =	vst v63  }
0x53: {  	_ =	swait.ge [sflag:s30], $0x2000  }
0x54: {  	p0 =	por $0x0, $0x0;
	[sflag:s30] =	ssyncset.done $0x0  }
0x55: {  	s3 =	simm.s32 @p0 $0x5;
	[sflag:s30] =	ssyncadd.s32 $0xFFFFE000  }
0x56: {  	_ =	swait.ge @p0 [sflag:s3], $0x2000  }
0x57: {  	s5 =	simm.s32 @p0 $0x2A00;
	s6 =	simm.s32 @p0 $0xA;
	[sflag:s3] =	ssyncset.done @p0 $0x0  }
0x58: {  	s13 =	simm.s32 @p0 $0xD000;
	[sflag:s3] =	ssyncadd.s32 @p0 $0xFFFFE000;
	s3 =	simm.s32 @p0 $0x80  }
0x59: {  	[spmem:s2] =	stream.indirect.scatter.add.f32 @p0 [tilespmem:s13], [sflag:$0xD], $0x40, s5, s3, $0xb8;
	[tilespmem:$0x1F000] =	vst v63  }
0x5a: {  	_ =	swait.ge @p0 [sflag:s6], $0x2000  }
0x5b: {  	s5 =	simm.s32 @!p0 $0x400;
	[sflag:s6] =	ssyncset.done @p0 $0x0  }
0x5c: {  	s13 =	simm.s32 @!p0 $0x5000;
	[sflag:s6] =	ssyncadd.s32 @p0 $0xFFFFE000;
	s6 =	simm.s32 @!p0 $0x80  }
0x5d: {  	[tilespmem:s13], [sflag:$0x1] =	stream.indirect.gather @!p0 [hbm4b:s4+s6], $0x40, s5, s6, $0xb8;
	[tilespmem:$0x1F000] =	vst v63  }
0x5e: {  	s5 =	simm.s32 @!p0 $0x5  }
0x5f: {  	_ =	swait.ge @!p0 [sflag:s5], $0x2000  }
0x60: {  	[sflag:s5] =	ssyncset.done @!p0 $0x0  }
0x61: {  	s13 =	simm.s32 @!p0 $0x2A00;
	[sflag:s5] =	ssyncadd.s32 @!p0 $0xFFFFE000;
	s5 =	simm.s32 @!p0 $0xD000  }
0x62: {  	[spmem:s2] =	stream.indirect.scatter.add.f32 @!p0 [tilespmem:s5], [sflag:$0xD], $0x40, s13, s6, $0xb8;
	[tilespmem:$0x1F000] =	vst v63  }
0x63: {  	s5 =	simm.s32 @!p0 $0xA  }
0x64: {  	_ =	swait.ge @!p0 [sflag:s5], $0x2000  }
0x65: {  	[sflag:s5] =	ssyncset.done @!p0 $0x0  }
0x66: {  	s13 =	simm.s32 @!p0 $0x480;
	[sflag:s5] =	ssyncadd.s32 @!p0 $0xFFFFE000;
	s5 =	simm.s32 @!p0 $0x7000  }
0x67: {  	[tilespmem:s5], [sflag:$0x2] =	stream.indirect.gather @!p0 [hbm4b:s4+s6], $0x40, s13, s6, $0xb8;
	[tilespmem:$0x1F000] =	vst v63  }
0x68: {  	_ =	swait.ge [sflag:s31], $0x2000  }
0x69: {  	[sflag:s31] =	ssyncset.done $0x0  }
0x6a: {  	s23 =	simm.s32 $0x2A80;
	[sflag:s31] =	ssyncadd.s32 $0xFFFFE000  }
0x6b: {  	[spmem:s2] =	stream.indirect.scatter.add.f32 [tilespmem:s25], [sflag:$0xE], $0x40, s23, s18, $0xb8;
	[tilespmem:$0x1F000] =	vst v63  }
0x6c: {  	_ =	swait.ge [sflag:s0], $0x2000  }
0x6d: {  	[sflag:s0] =	ssyncset.done $0x0  }
0x6e: {  	s5 =	simm.s32 @p0 $0x7;
	[sflag:s0] =	ssyncadd.s32 $0xFFFFE000  }
0x6f: {  	_ =	swait.ge @p0 [sflag:s5], $0x2000  }
0x70: {  	[sflag:s5] =	ssyncset.done @p0 $0x0  }
0x71: {  	s13 =	simm.s32 @p0 $0x2B00;
	[sflag:s5] =	ssyncadd.s32 @p0 $0xFFFFE000;
	s5 =	simm.s32 @p0 $0x11000  }
0x72: {  	[spmem:s2] =	stream.indirect.scatter.add.f32 @p0 [tilespmem:s5], [sflag:$0xF], $0x40, s13, s3, $0xb8;
	[tilespmem:$0x1F000] =	vst v63  }
0x73: {  	s3 =	simm.s32 @p0 $0xC  }
0x74: {  	_ =	swait.ge @p0 [sflag:s3], $0x2000  }
0x75: {  	[sflag:s3] =	ssyncset.done @p0 $0x0  }
0x76: {  	s5 =	simm.s32 @!p0 $0x500;
	[sflag:s3] =	ssyncadd.s32 @p0 $0xFFFFE000;
	s3 =	simm.s32 @!p0 $0x9000  }
0x77: {  	[tilespmem:s3], [sflag:$0x3] =	stream.indirect.gather @!p0 [hbm4b:s4+s6], $0x40, s5, s6, $0xb8;
	[tilespmem:$0x1F000] =	vst v63  }
0x78: {  	s3 =	simm.s32 @!p0 $0x7  }
0x79: {  	_ =	swait.ge @!p0 [sflag:s3], $0x2000  }
0x7a: {  	[sflag:s3] =	ssyncset.done @!p0 $0x0  }
0x7b: {  	s5 =	simm.s32 @!p0 $0x2B00;
	[sflag:s3] =	ssyncadd.s32 @!p0 $0xFFFFE000;
	s3 =	simm.s32 @!p0 $0x11000  }
0x7c: {  	[spmem:s2] =	stream.indirect.scatter.add.f32 @!p0 [tilespmem:s3], [sflag:$0xF], $0x40, s5, s6, $0xb8;
	[tilespmem:$0x1F000] =	vst v63  }
0x7d: {  	s3 =	simm.s32 @!p0 $0xC  }
0x7e: {  	_ =	swait.ge @!p0 [sflag:s3], $0x2000  }
0x7f: {  	p2 =	por $0x0, $0x0;
	[sflag:s3] =	ssyncset.done @!p0 $0x0  }
0x80: {  	s5 =	simm.s32 @!p0 $0x580;
	[sflag:s3] =	ssyncadd.s32 @!p0 $0xFFFFE000;
	s3 =	simm.s32 @!p0 $0xB000  }
0x81: {  	[tilespmem:s3], [sflag:$0x4] =	stream.indirect.gather @!p0 [hbm4b:s4+s6], $0x40, s5, s6, $0xb8;
	[tilespmem:$0x1F000] =	vst v63  }
0x82: {  	s14 =	simm.s32 $0x2000;
	s13 =	simm.s32 $0x1000;
	_ =	swait.ge [sflag:s1], $0x2000  }
0x83: {  	p0 =	por p1, p1;
	s3 =	simm.s32 $0x2B80;
	[sflag:s1] =	ssyncset.done $0x0  }
.LBB2_3:
0x84: {  	s5 =	simm.s32 @!p2 $0xD;
	[sflag:s1] =	ssyncadd.s32 $0xFFFFE000  }
0x85: {  	[spmem:s2] =	stream.indirect.scatter.add.f32 [tilespmem:s28], [sflag:$0x10], $0x40, s3, s18, $0xb8;
	[tilespmem:$0x1F000] =	vst v63  }
0x86: {  	_ =	swait.ge @!p2 [sflag:s5], $0x2000  }
0x87: {  	s3 =	sshra.s32 s13, $0x2;
	[sflag:s5] =	ssyncset.done @!p2 $0x0  }
0x88: {  	s11 =	sadd.s32 $0x200, s3;
	s6 =	rddreg [dreg:$0x3];
	[sflag:s5] =	ssyncadd.s32 @!p2 $0xFFFFE000  }
0x89: {  	[tilespmem:s6], [sflag:$0x5] =	stream.indirect.gather [hbm4b:s4+s18], $0x40, s11, s18, $0xb8;
	[tilespmem:$0x1F000] =	vst v63  }
0x8a: {  	_ =	swait.ge [sflag:s16], $0x2000  }
0x8b: {  	[sflag:s16] =	ssyncset.done $0x0  }
0x8c: {  	s12 =	sadd.s32 $0x2800, s3;
	s6 =	simm.s32 @!p2 $0xE;
	[sflag:s16] =	ssyncadd.s32 $0xFFFFE000  }
0x8d: {  	[spmem:s2] =	stream.indirect.scatter.add.f32 [tilespmem:s19], [sflag:$0x9], $0x40, s12, s18, $0xb8;
	[tilespmem:$0x1F000] =	vst v63  }
0x8e: {  	_ =	swait.ge @!p2 [sflag:s6], $0x2000  }
0x8f: {  	[sflag:s6] =	ssyncset.done @!p2 $0x0  }
0x90: {  	s21 =	sadd.s32 $0x280, s3;
	[sflag:s6] =	ssyncadd.s32 @!p2 $0xFFFFE000  }
0x91: {  	[tilespmem:s25], [sflag:$0x6] =	stream.indirect.gather [hbm4b:s4+s18], $0x40, s21, s18, $0xb8;
	[tilespmem:$0x1F000] =	vst v63  }
0x92: {  	_ =	swait.ge [sflag:s17], $0x2000  }
0x93: {  	[sflag:s17] =	ssyncset.done $0x0  }
0x94: {  	s23 =	sadd.s32 $0x2880, s3;
	s6 =	simm.s32 @!p2 $0xF;
	[sflag:s17] =	ssyncadd.s32 $0xFFFFE000  }
0x95: {  	[spmem:s2] =	stream.indirect.scatter.add.f32 [tilespmem:s20], [sflag:$0xA], $0x40, s23, s18, $0xb8;
	[tilespmem:$0x1F000] =	vst v63  }
0x96: {  	_ =	swait.ge @!p2 [sflag:s6], $0x2000  }
0x97: {  	[sflag:s6] =	ssyncset.done @!p2 $0x0  }
0x98: {  	s8 =	sadd.s32 $0x300, s3;
	s7 =	rddreg [dreg:$0x4];
	[sflag:s6] =	ssyncadd.s32 @!p2 $0xFFFFE000  }
0x99: {  	[tilespmem:s7], [sflag:$0x7] =	stream.indirect.gather [hbm4b:s4+s18], $0x40, s8, s18, $0xb8;
	[tilespmem:$0x1F000] =	vst v63  }
0x9a: {  	_ =	swait.ge [sflag:s26], $0x2000  }
0x9b: {  	[sflag:s26] =	ssyncset.done $0x0  }
0x9c: {  	s10 =	sadd.s32 $0x2900, s3;
	s6 =	simm.s32 @!p2 $0x10;
	[sflag:s26] =	ssyncadd.s32 $0xFFFFE000  }
0x9d: {  	[spmem:s2] =	stream.indirect.scatter.add.f32 [tilespmem:s22], [sflag:$0xB], $0x40, s10, s18, $0xb8;
	[tilespmem:$0x1F000] =	vst v63  }
0x9e: {  	_ =	swait.ge @!p2 [sflag:s6], $0x2000  }
0x9f: {  	[sflag:s6] =	ssyncset.done @!p2 $0x0  }
0xa0: {  	s11 =	sadd.s32 $0x380, s3;
	[sflag:s6] =	ssyncadd.s32 @!p2 $0xFFFFE000  }
0xa1: {  	[tilespmem:s28], [sflag:$0x8] =	stream.indirect.gather [hbm4b:s4+s18], $0x40, s11, s18, $0xb8;
	[tilespmem:$0x1F000] =	vst v63  }
0xa2: {  	_ =	swait.ge [sflag:s29], $0x2000  }
0xa3: {  	[sflag:s29] =	ssyncset.done $0x0  }
0xa4: {  	s12 =	sadd.s32 $0x2980, s3;
	[sflag:s29] =	ssyncadd.s32 $0xFFFFE000  }
0xa5: {  	[spmem:s2] =	stream.indirect.scatter.add.f32 [tilespmem:s24], [sflag:$0xC], $0x40, s12, s18, $0xb8;
	[tilespmem:$0x1F000] =	vst v63  }
0xa6: {  	_ =	swait.ge [sflag:s30], $0x2000  }
0xa7: {  	s15 =	smov.u32 s14;
	p2 =	seq.s32 s13, $0x9000;
	[sflag:s30] =	ssyncset.done $0x0  }
0xa8: {  	s5 =	simm.s32 @p2 $0x5;
	s6 =	sshra.s32 @p2 s13, $0x2;
	[sflag:s30] =	ssyncadd.s32 $0xFFFFE000  }
0xa9: {  	s13 =	sshra.s32 @!p2 s13, $0x2;
	s23 =	simm.s32 @p2 $0xA;
	_ =	swait.ge @p2 [sflag:s5], $0x2000  }
0xaa: {  	s10 =	simm.s32 @p2 $0xD000;
	s11 =	simm.s32 @!p2 $0x5;
	[sflag:s5] =	ssyncset.done @p2 $0x0  }
0xab: {  	s21 =	sadd.s32 @p2 $0x2A00, s6;
	[sflag:s5] =	ssyncadd.s32 @p2 $0xFFFFE000;
	s5 =	simm.s32 @p2 $0x80  }
0xac: {  	[spmem:s2] =	stream.indirect.scatter.add.f32 @p2 [tilespmem:s10], [sflag:$0xD], $0x40, s21, s5, $0xb8;
	[tilespmem:$0x1F000] =	vst v63  }
0xad: {  	s7 =	sadd.s32 @!p2 $0x400, s13;
	s8 =	sadd.s32 @!p2 $0x480, s13;
	_ =	swait.ge @p2 [sflag:s23], $0x2000  }
0xae: {  	s12 =	sadd.s32 @p2 $0x2B00, s6;
	s6 =	simm.s32 @!p2 $0x5000;
	[sflag:s23] =	ssyncset.done @p2 $0x0  }
0xaf: {  	s10 =	sadd.s32 @!p2 $0x2A00, s13;
	s21 =	simm.s32 @!p2 $0x80;
	[sflag:s23] =	ssyncadd.s32 @p2 $0xFFFFE000  }
0xb0: {  	[tilespmem:s6], [sflag:$0x1] =	stream.indirect.gather @!p2 [hbm4b:s4+s21], $0x40, s7, s21, $0xb8;
	[tilespmem:$0x1F000] =	vst v63  }
0xb1: {  	s23 =	sadd.s32 @!p2 $0x580, s13;
	s7 =	sadd.s32 @!p2 $0x500, s13;
	_ =	swait.ge @!p2 [sflag:s11], $0x2000  }
0xb2: {  	s6 =	sadd.s32 @!p2 $0x2B00, s13;
	s13 =	smov.u32 s15;
	[sflag:s11] =	ssyncset.done @!p2 $0x0  }
0xb3: {  	s15 =	simm.s32 @!p2 $0xA;
	[sflag:s11] =	ssyncadd.s32 @!p2 $0xFFFFE000;
	s11 =	simm.s32 @!p2 $0xD000  }
0xb4: {  	[spmem:s2] =	stream.indirect.scatter.add.f32 @!p2 [tilespmem:s11], [sflag:$0xD], $0x40, s10, s21, $0xb8;
	[tilespmem:$0x1F000] =	vst v63  }
0xb5: {  	_ =	swait.ge @!p2 [sflag:s15], $0x2000  }
0xb6: {  	[sflag:s15] =	ssyncset.done @!p2 $0x0  }
0xb7: {  	s10 =	simm.s32 @!p2 $0x7000;
	[sflag:s15] =	ssyncadd.s32 @!p2 $0xFFFFE000  }
0xb8: {  	[tilespmem:s10], [sflag:$0x2] =	stream.indirect.gather @!p2 [hbm4b:s4+s21], $0x40, s8, s21, $0xb8;
	[tilespmem:$0x1F000] =	vst v63  }
0xb9: {  	_ =	swait.ge [sflag:s31], $0x2000  }
0xba: {  	[sflag:s31] =	ssyncset.done $0x0  }
0xbb: {  	s15 =	sadd.s32 $0x2A80, s3;
	[sflag:s31] =	ssyncadd.s32 $0xFFFFE000  }
0xbc: {  	[spmem:s2] =	stream.indirect.scatter.add.f32 [tilespmem:s25], [sflag:$0xE], $0x40, s15, s18, $0xb8;
	[tilespmem:$0x1F000] =	vst v63  }
0xbd: {  	_ =	swait.ge [sflag:s0], $0x2000  }
0xbe: {  	[sflag:s0] =	ssyncset.done $0x0  }
0xbf: {  	s8 =	simm.s32 @p2 $0x7;
	[sflag:s0] =	ssyncadd.s32 $0xFFFFE000  }
0xc0: {  	_ =	swait.ge @p2 [sflag:s8], $0x2000  }
0xc1: {  	[sflag:s8] =	ssyncset.done @p2 $0x0  }
0xc2: {  	s10 =	simm.s32 @p2 $0xC;
	[sflag:s8] =	ssyncadd.s32 @p2 $0xFFFFE000;
	s8 =	simm.s32 @p2 $0x11000  }
0xc3: {  	[spmem:s2] =	stream.indirect.scatter.add.f32 @p2 [tilespmem:s8], [sflag:$0xF], $0x40, s12, s5, $0xb8;
	[tilespmem:$0x1F000] =	vst v63  }
0xc4: {  	_ =	swait.ge @p2 [sflag:s10], $0x2000  }
0xc5: {  	[sflag:s10] =	ssyncset.done @p2 $0x0  }
0xc6: {  	s5 =	simm.s32 @!p2 $0x9000;
	s8 =	simm.s32 @!p2 $0x7;
	[sflag:s10] =	ssyncadd.s32 @p2 $0xFFFFE000  }
0xc7: {  	[tilespmem:s5], [sflag:$0x3] =	stream.indirect.gather @!p2 [hbm4b:s4+s21], $0x40, s7, s21, $0xb8;
	[tilespmem:$0x1F000] =	vst v63  }
0xc8: {  	_ =	swait.ge @!p2 [sflag:s8], $0x2000  }
0xc9: {  	s14 =	sadd.s32 $0x1000, s14;
	[sflag:s8] =	ssyncset.done @!p2 $0x0  }
0xca: {  	s5 =	simm.s32 @!p2 $0x11000;
	s7 =	simm.s32 @!p2 $0xC;
	[sflag:s8] =	ssyncadd.s32 @!p2 $0xFFFFE000  }
0xcb: {  	[spmem:s2] =	stream.indirect.scatter.add.f32 @!p2 [tilespmem:s5], [sflag:$0xF], $0x40, s6, s21, $0xb8;
	[tilespmem:$0x1F000] =	vst v63  }
0xcc: {  	p1 =	sne.s32 s14, $0xA000;
	_ =	swait.ge @!p2 [sflag:s7], $0x2000  }
.Ltmp0:
0xcd: {  	[sflag:s7] =	ssyncset.done @!p2 $0x0;
	(pc) =	sbr.rel @p1 .LBB2_3-.Ltmp0, $4  }
0xce: {  	s5 =	simm.s32 @!p2 $0xB000;
	[sflag:s7] =	ssyncadd.s32 @!p2 $0xFFFFE000  }
0xcf: {  	[tilespmem:s5], [sflag:$0x4] =	stream.indirect.gather @!p2 [hbm4b:s4+s21], $0x40, s23, s21, $0xb8;
	[tilespmem:$0x1F000] =	vst v63  }
0xd0: {  	_ =	swait.ge [sflag:s1], $0x2000  }
0xd1: {  	s3 =	sadd.s32 $0x2B80, s3;
	p2 =	seq.s32 s13, $0x0;
	[sflag:s1] =	ssyncset.done $0x0  }
0xd2: {  	s5 =	simm.s32 @!p2 $0xD;
	[sflag:s1] =	ssyncadd.s32 $0xFFFFE000  }
0xd3: {  	[spmem:s2] =	stream.indirect.scatter.add.f32 [tilespmem:s28], [sflag:$0x10], $0x40, s3, s18, $0xb8;
	[tilespmem:$0x1F000] =	vst v63  }
0xd4: {  	_ =	swait.ge @!p2 [sflag:s5], $0x2000  }
0xd5: {  	s3 =	sshra.s32 s13, $0x2;
	[sflag:s5] =	ssyncset.done @!p2 $0x0  }
0xd6: {  	s14 =	sadd.s32 $0x200, s3;
	s6 =	rddreg [dreg:$0x3];
	[sflag:s5] =	ssyncadd.s32 @!p2 $0xFFFFE000  }
0xd7: {  	[tilespmem:s6], [sflag:$0x5] =	stream.indirect.gather [hbm4b:s4+s18], $0x40, s14, s18, $0xb8;
	[tilespmem:$0x1F000] =	vst v63  }
0xd8: {  	_ =	swait.ge [sflag:s16], $0x2000  }
0xd9: {  	[sflag:s16] =	ssyncset.done $0x0  }
0xda: {  	s15 =	sadd.s32 $0x2800, s3;
	s6 =	simm.s32 @!p2 $0xE;
	[sflag:s16] =	ssyncadd.s32 $0xFFFFE000  }
0xdb: {  	[spmem:s2] =	stream.indirect.scatter.add.f32 [tilespmem:s19], [sflag:$0x9], $0x40, s15, s18, $0xb8;
	[tilespmem:$0x1F000] =	vst v63  }
0xdc: {  	_ =	swait.ge @!p2 [sflag:s6], $0x2000  }
0xdd: {  	[sflag:s6] =	ssyncset.done @!p2 $0x0  }
0xde: {  	s21 =	sadd.s32 $0x280, s3;
	[sflag:s6] =	ssyncadd.s32 @!p2 $0xFFFFE000  }
0xdf: {  	[tilespmem:s25], [sflag:$0x6] =	stream.indirect.gather [hbm4b:s4+s18], $0x40, s21, s18, $0xb8;
	[tilespmem:$0x1F000] =	vst v63  }
0xe0: {  	_ =	swait.ge [sflag:s17], $0x2000  }
0xe1: {  	[sflag:s17] =	ssyncset.done $0x0  }
0xe2: {  	s23 =	sadd.s32 $0x2880, s3;
	s6 =	simm.s32 @!p2 $0xF;
	[sflag:s17] =	ssyncadd.s32 $0xFFFFE000  }
0xe3: {  	[spmem:s2] =	stream.indirect.scatter.add.f32 [tilespmem:s20], [sflag:$0xA], $0x40, s23, s18, $0xb8;
	[tilespmem:$0x1F000] =	vst v63  }
0xe4: {  	_ =	swait.ge @!p2 [sflag:s6], $0x2000  }
0xe5: {  	[sflag:s6] =	ssyncset.done @!p2 $0x0  }
0xe6: {  	s8 =	sadd.s32 $0x300, s3;
	s7 =	rddreg [dreg:$0x4];
	[sflag:s6] =	ssyncadd.s32 @!p2 $0xFFFFE000  }
0xe7: {  	[tilespmem:s7], [sflag:$0x7] =	stream.indirect.gather [hbm4b:s4+s18], $0x40, s8, s18, $0xb8;
	[tilespmem:$0x1F000] =	vst v63  }
0xe8: {  	_ =	swait.ge [sflag:s26], $0x2000  }
0xe9: {  	[sflag:s26] =	ssyncset.done $0x0  }
0xea: {  	s10 =	sadd.s32 $0x2900, s3;
	s6 =	simm.s32 @!p2 $0x10;
	[sflag:s26] =	ssyncadd.s32 $0xFFFFE000  }
0xeb: {  	[spmem:s2] =	stream.indirect.scatter.add.f32 [tilespmem:s22], [sflag:$0xB], $0x40, s10, s18, $0xb8;
	[tilespmem:$0x1F000] =	vst v63  }
0xec: {  	_ =	swait.ge @!p2 [sflag:s6], $0x2000  }
0xed: {  	[sflag:s6] =	ssyncset.done @!p2 $0x0  }
0xee: {  	s11 =	sadd.s32 $0x380, s3;
	[sflag:s6] =	ssyncadd.s32 @!p2 $0xFFFFE000  }
0xef: {  	[tilespmem:s28], [sflag:$0x8] =	stream.indirect.gather [hbm4b:s4+s18], $0x40, s11, s18, $0xb8;
	[tilespmem:$0x1F000] =	vst v63  }
0xf0: {  	_ =	swait.ge [sflag:s29], $0x2000  }
0xf1: {  	[sflag:s29] =	ssyncset.done $0x0  }
0xf2: {  	s12 =	sadd.s32 $0x2980, s3;
	[sflag:s29] =	ssyncadd.s32 $0xFFFFE000  }
0xf3: {  	[spmem:s2] =	stream.indirect.scatter.add.f32 [tilespmem:s24], [sflag:$0xC], $0x40, s12, s18, $0xb8;
	[tilespmem:$0x1F000] =	vst v63  }
0xf4: {  	_ =	swait.ge [sflag:s30], $0x2000  }
0xf5: {  	p1 =	seq.s32 s13, $0x9000;
	[sflag:s30] =	ssyncset.done $0x0  }
0xf6: {  	s5 =	simm.s32 @p1 $0x5;
	[sflag:s30] =	ssyncadd.s32 $0xFFFFE000  }
0xf7: {  	s8 =	simm.s32 @p1 $0xA;
	_ =	swait.ge @p1 [sflag:s5], $0x2000  }
0xf8: {  	s10 =	simm.s32 @p1 $0xD000;
	s6 =	sshra.s32 @p1 s13, $0x2;
	[sflag:s5] =	ssyncset.done @p1 $0x0  }
0xf9: {  	s7 =	sadd.s32 @p1 $0x2A00, s6;
	[sflag:s5] =	ssyncadd.s32 @p1 $0xFFFFE000;
	s5 =	simm.s32 @p1 $0x80  }
0xfa: {  	[spmem:s2] =	stream.indirect.scatter.add.f32 @p1 [tilespmem:s10], [sflag:$0xD], $0x40, s7, s5, $0xb8;
	[tilespmem:$0x1F000] =	vst v63  }
0xfb: {  	_ =	swait.ge @p1 [sflag:s8], $0x2000  }
0xfc: {  	s11 =	simm.s32 @!p1 $0x5000;
	s7 =	sshra.s32 @!p1 s13, $0x2;
	[sflag:s8] =	ssyncset.done @p1 $0x0  }
0xfd: {  	s10 =	sadd.s32 @!p1 $0x400, s7;
	[sflag:s8] =	ssyncadd.s32 @p1 $0xFFFFE000;
	s8 =	simm.s32 @!p1 $0x80  }
0xfe: {  	[tilespmem:s11], [sflag:$0x1] =	stream.indirect.gather @!p1 [hbm4b:s4+s8], $0x40, s10, s8, $0xb8;
	[tilespmem:$0x1F000] =	vst v63  }
0xff: {  	s10 =	simm.s32 @!p1 $0x5  }
0x100: {  	_ =	swait.ge @!p1 [sflag:s10], $0x2000  }
0x101: {  	[sflag:s10] =	ssyncset.done @!p1 $0x0  }
0x102: {  	s11 =	sadd.s32 @!p1 $0x2A00, s7;
	[sflag:s10] =	ssyncadd.s32 @!p1 $0xFFFFE000;
	s10 =	simm.s32 @!p1 $0xD000  }
0x103: {  	[spmem:s2] =	stream.indirect.scatter.add.f32 @!p1 [tilespmem:s10], [sflag:$0xD], $0x40, s11, s8, $0xb8;
	[tilespmem:$0x1F000] =	vst v63  }
0x104: {  	s10 =	simm.s32 @!p1 $0xA  }
0x105: {  	_ =	swait.ge @!p1 [sflag:s10], $0x2000  }
0x106: {  	[sflag:s10] =	ssyncset.done @!p1 $0x0  }
0x107: {  	s11 =	sadd.s32 @!p1 $0x480, s7;
	[sflag:s10] =	ssyncadd.s32 @!p1 $0xFFFFE000;
	s10 =	simm.s32 @!p1 $0x7000  }
0x108: {  	[tilespmem:s10], [sflag:$0x2] =	stream.indirect.gather @!p1 [hbm4b:s4+s8], $0x40, s11, s8, $0xb8;
	[tilespmem:$0x1F000] =	vst v63  }
0x109: {  	_ =	swait.ge [sflag:s31], $0x2000  }
0x10a: {  	[sflag:s31] =	ssyncset.done $0x0  }
0x10b: {  	s14 =	sadd.s32 $0x2A80, s3;
	[sflag:s31] =	ssyncadd.s32 $0xFFFFE000  }
0x10c: {  	[spmem:s2] =	stream.indirect.scatter.add.f32 [tilespmem:s25], [sflag:$0xE], $0x40, s14, s18, $0xb8;
	[tilespmem:$0x1F000] =	vst v63  }
0x10d: {  	_ =	swait.ge [sflag:s0], $0x2000  }
0x10e: {  	[sflag:s0] =	ssyncset.done $0x0  }
0x10f: {  	s10 =	simm.s32 @p1 $0x7;
	[sflag:s0] =	ssyncadd.s32 $0xFFFFE000  }
0x110: {  	_ =	swait.ge @p1 [sflag:s10], $0x2000  }
0x111: {  	[sflag:s10] =	ssyncset.done @p1 $0x0  }
0x112: {  	s6 =	sadd.s32 @p1 $0x2B00, s6;
	[sflag:s10] =	ssyncadd.s32 @p1 $0xFFFFE000;
	s10 =	simm.s32 @p1 $0x11000  }
0x113: {  	[spmem:s2] =	stream.indirect.scatter.add.f32 @p1 [tilespmem:s10], [sflag:$0xF], $0x40, s6, s5, $0xb8;
	[tilespmem:$0x1F000] =	vst v63  }
0x114: {  	s5 =	simm.s32 @p1 $0xC  }
0x115: {  	_ =	swait.ge @p1 [sflag:s5], $0x2000  }
0x116: {  	[sflag:s5] =	ssyncset.done @p1 $0x0  }
0x117: {  	s6 =	sadd.s32 @!p1 $0x500, s7;
	[sflag:s5] =	ssyncadd.s32 @p1 $0xFFFFE000;
	s5 =	simm.s32 @!p1 $0x9000  }
0x118: {  	[tilespmem:s5], [sflag:$0x3] =	stream.indirect.gather @!p1 [hbm4b:s4+s8], $0x40, s6, s8, $0xb8;
	[tilespmem:$0x1F000] =	vst v63  }
0x119: {  	s5 =	simm.s32 @!p1 $0x7  }
0x11a: {  	_ =	swait.ge @!p1 [sflag:s5], $0x2000  }
0x11b: {  	[sflag:s5] =	ssyncset.done @!p1 $0x0  }
0x11c: {  	s6 =	sadd.s32 @!p1 $0x2B00, s7;
	[sflag:s5] =	ssyncadd.s32 @!p1 $0xFFFFE000;
	s5 =	simm.s32 @!p1 $0x11000  }
0x11d: {  	[spmem:s2] =	stream.indirect.scatter.add.f32 @!p1 [tilespmem:s5], [sflag:$0xF], $0x40, s6, s8, $0xb8;
	[tilespmem:$0x1F000] =	vst v63  }
0x11e: {  	s5 =	simm.s32 @!p1 $0xC  }
0x11f: {  	_ =	swait.ge @!p1 [sflag:s5], $0x2000  }
0x120: {  	[sflag:s5] =	ssyncset.done @!p1 $0x0  }
0x121: {  	s6 =	sadd.s32 @!p1 $0x580, s7;
	[sflag:s5] =	ssyncadd.s32 @!p1 $0xFFFFE000;
	s5 =	simm.s32 @!p1 $0xB000  }
0x122: {  	[tilespmem:s5], [sflag:$0x4] =	stream.indirect.gather @!p1 [hbm4b:s4+s8], $0x40, s6, s8, $0xb8;
	[tilespmem:$0x1F000] =	vst v63  }
0x123: {  	_ =	swait.ge [sflag:s1], $0x2000  }
0x124: {  	[sflag:s1] =	ssyncset.done $0x0  }
0x125: {  	s3 =	sadd.s32 $0x2B80, s3;
	s15 =	simm.s32 $0xD;
	[sflag:s1] =	ssyncadd.s32 $0xFFFFE000  }
0x126: {  	[spmem:s2] =	stream.indirect.scatter.add.f32 [tilespmem:s28], [sflag:$0x10], $0x40, s3, s18, $0xb8;
	[tilespmem:$0x1F000] =	vst v63  }
0x127: {  	_ =	swait.ge [sflag:s15], $0x2000  }
0x128: {  	[sflag:s15] =	ssyncset.done $0x0  }
0x129: {  	s21 =	simm.s32 $0xE;
	[sflag:s15] =	ssyncadd.s32 $0xFFFFE000  }
0x12a: {  	_ =	swait.ge [sflag:s21], $0x2000  }
0x12b: {  	[sflag:s21] =	ssyncset.done $0x0  }
0x12c: {  	s23 =	simm.s32 $0xF;
	[sflag:s21] =	ssyncadd.s32 $0xFFFFE000  }
0x12d: {  	_ =	swait.ge [sflag:s23], $0x2000  }
.Ltmp1:
0x12e: {  	[sflag:s23] =	ssyncset.done $0x0;
	(pc) =	sbr.rel @p0 .LBB2_2-.Ltmp1, $4  }
0x12f: {  	[sflag:s23] =	ssyncadd.s32 $0xFFFFE000  }
0x130: {  	_ =	swait.ge [sflag:s9], $0x2000  }
0x131: {  	[sflag:s9] =	ssyncset.done $0x0  }
0x132: {  	p1 =	por $0x0, $0x0;
	s3 =	simm.s32 $0x2800;
	[sflag:s9] =	ssyncadd.s32 $0xFFFFE000  }
0x133: {  	[bflag:$0x0] =	sbarrier.arrive $0xFFFF  }
0x134: {  	s6 =	rddreg [dreg:$0xa]  }
0x135: {  	s3 =	rddreg [dreg:$0xc]  }
0x136: {  	s7 =	simm.s32 $0x11;
	s5 =	rddreg [dreg:$0xe]  }
0x137: {  	[hbm:s3@s9], [sflag:s6] =	dma.strided [spmem:s5@s1], $0x1400, s16, $0x8   }
0x138: {  	_ =	swait.ge [sflag:s7], $0x1400  }
0x139: {  	s10 =	rddreg [dreg:$0x5]  }
0x13a: {  	s23 =	rddreg [dreg:$0xd];
	s10 =	sadd.s32 $0x1, s10  }
0x13b: {  	p0 =	sne.s32 s10, s23  }
.Ltmp2:
0x13c: {  	_ = 	snop;
	(pc) =	sbr.rel @p0 .LBB2_1-.Ltmp2, $3  }
0x13d: {  	_ =	sdelay $0x1  }
0x13e: {  	[sflag:s7] =	ssyncset.done $0x0  }
0x13f: {  	[sflag:s7] =	ssyncadd.s32 $0xFFFFEC00  }
0x140: {  	_ =	sfence.sel $0x180000  }
0x141: {  	[bflag:$0x0] =	sbarrier.arrive $0xFFFF  }
0x142: {  	_ =	strace $0x9000004D  }
0x143: {  	s0 =	stileid.u32;
	[bflag:$0x2] =	sbarrier.arrive $0xFFFF  }
0x144: {  	p0 =	sne.s32 s0, $0x0;
	s0 =	rddreg [dreg:$0x2]  }
0x145: {  	s0 =	sadd.s32 @!p0 $0x100000, s0  }
0x146: {  	[sflag:s0] =	ssyncadd.tile.s32 @!p0 $0x1;
	_ =	shalt  }
.Lfunc_end2:
_tile_overlayer_lowered:
.L_overlay_start_2:
0x147: {  	(tag) =	ssettag $0x2  }
0x148: {  	s0 =	rddreg [dreg:$0x0];
	s2 =	stileid.u32  }
0x149: {  	s1 =	rddreg [dreg:$0x1];
	p0 =	sne.s32 s2, $0x0  }
0x14a: {  	s3 =	rddreg [dreg:$0x2];
	[bflag:$0x3] =	sbarrier.arrive $0xFFFF;
	s2 =	simm.s32 @!p0 $0x1C12  }
0x14b: {  	[timem:s3], [sflag:s2] =	dma.local @!p0 [hbm:s0], s1  }
0x14c: {  	s0 =	simm.s32 @!p0 $0x12  }
0x14d: {  	_ =	swait.ge @!p0 [sflag:s0], s1  }
0x14e: {  	s1 =	ssub.s32 @!p0 $0x0, s1;
	[sflag:s0] =	ssyncset.done @!p0 $0x0  }
0x14f: {  	[sflag:s0] =	ssyncadd.s32 @!p0 s1  }
0x150: {  	[bflag:$0x3] =	sbarrier.arrive $0xFFFF  }
0x151: {  	_ =	shalt  }

// kernel: kernel.8.cloned.1.call-start
scs
__scs_entry_jumppad:
0x0: {  	(pc) =	sbr.rel $0x88, $3  }
0x1: {  	(tag) =	ssettag $0x0;
	lr =	simm.s32 $0x1  }
0x2: {  	[smem:$0x3F94] =	sst lr;
	_ =	strace $0xD0000000  }
0x3: {  	_ = 	snop  }
0x4: {  	_ = 	snop  }
0x5: {  	_ = 	snop  }
0x6: {  	_ = 	snop  }
0x7: {  	_ = 	snop  }
__scs_overlays_trampoline_lowered:
0x8: {  	[smem:$0x3FA3] =	sst s0  }
0x9: {  	[smem:$0x3FA4] =	sst s1  }
0xa: {  	[smem:$0x3FA5] =	sst s2  }
0xb: {  	[smem:$0x3FA6] =	sst s3  }
0xc: {  	[smem:$0x3FA7] =	sst s4  }
0xd: {  	[smem:$0x3FA8] =	sst s5  }
0xe: {  	[smem:$0x3FA9] =	sst s6  }
0xf: {  	[smem:$0x3FAA] =	sst s7  }
0x10: {  	[smem:$0x3FAB] =	sst s8  }
0x11: {  	[smem:$0x3FAC] =	sst s9;
	s0 =	simm.s32 @!p0 $0x0  }
0x12: {  	s1 =	sld [smem:$0x3F92];
	s0 =	simm.s32 @p0 $0x1  }
0x13: {  	[smem:$0x3FAD] =	sst s0;
	s0 =	simm.s32 @!p1 $0x0  }
0x14: {  	s2 =	sld [smem:$0x3F91];
	s0 =	simm.s32 @p1 $0x1  }
0x15: {  	[smem:$0x3FAE] =	sst s0;
	s0 =	simm.s32 @!p2 $0x0  }
0x16: {  	s3 =	sld [smem:$0x3FDB];
	s0 =	simm.s32 @p2 $0x1  }
0x17: {  	s4 =	simm.s32 $0x1BF5;
	[smem:$0x3FB0] =	sst s0  }
0x18: {  	s0 =	sld [smem:$0x3F93];
	_ =	swait.ge [sflag:s4], $0x0  }
0x19: {  	s7 =	sld [smem:$0x3F94]  }
0x1a: {  	s8 =	sadd.s32 $0xFFFFE003, lr  }
0x1b: {  	s9 =	sadd.s32 $0xFFFFFEF7, lr;
	s5 =	simm.s32 $0xFFFFFFFF;
	p2 =	slt.u32 s8, $0xFFFFF086  }
0x1c: {  	p1 =	slt.u32 s9, $0xF7A;
	s5 =	simm.s32 @!p2 $0x0  }
0x1d: {  	s5 =	simm.s32 @p1 $0x1;
	p0 =	seq.s32 s7, s2  }
0x1e: {  	s7 =	smul.u32 @!p0 $0xF7A, s2;
	p2 =	seq.s32 @!p0 s5, $0x0  }
0x1f: {  	s9 =	smul.u32 $0xF7A, s1;
	s8 =	simm.s32 @!p0 $0x1BF5;
	p2 =	por !p2, p0  }
0x20: {  	[sflag:s8] =	ssyncset.s32 @!p0 $0xFFFFF086;
	s6 =	sadd.s32 @!p0 s3, s7;
	s7 =	simm.s32 @!p0 $0x108  }
0x21: {  	s3 =	sadd.s32 s3, s9;
	s6 =	sadd.s32 @!p0 $0x88, s6;
	s7 =	simm.s32 @p2 $0x1082  }
0x22: {  	[simem:s7], [sflag:s8] =	dma.local @!p0 [hbm:s6], $0xF7A  }
0x23: {  	s9 =	sor.u32 $0xD0000000, s2;
	s6 =	simm.s32 $0x108;
	_ =	swait.ge @!p0 [sflag:s8], $0x0  }
0x24: {  	s3 =	sadd.s32 $0x88, s3;
	s6 =	simm.s32 @!p1 $0x1082;
	[sflag:s4] =	ssyncset.s32 $0xFFFFF086  }
0x25: {  	[simem:s6], [sflag:s4] =	dma.local [hbm:s3], $0xF7A  }
0x26: {  	[smem:$0x3F94] =	sst s1;
	(tag) =	ssettag s2;
	_ =	strace s9  }
0x27: {  	s1 =	sld [smem:$0x3FA4]  }
0x28: {  	s2 =	sld [smem:$0x3FA5]  }
0x29: {  	s4 =	sld [smem:$0x3FA7]  }
0x2a: {  	p0 =	seq.s32 s5, $0x0;
	s5 =	sld [smem:$0x3FA8]  }
0x2b: {  	s6 =	sld [smem:$0x3FA9]  }
0x2c: {  	s7 =	sld [smem:$0x3FAA]  }
0x2d: {  	s3 =	simm.s32 $0x108;
	s8 =	sld [smem:$0x3FAB]  }
0x2e: {  	s3 =	simm.s32 @!p0 $0x1082;
	s9 =	sld [smem:$0x3FAC]  }
0x2f: {  	lr =	sadd.s32 s0, s3;
	s0 =	sld [smem:$0x3FA3]  }
0x30: {  	s3 =	sld [smem:$0x3FA6]  }
0x31: {  	[smem:$0x3FAF] =	sst s10  }
0x32: {  	s10 =	sld [smem:$0x3FAD];
	_ =	sdelay $0x3  }
0x33: {  	p0 =	seq.s32 s10, $0x1;
	s10 =	sld [smem:$0x3FAF];
	_ =	sdelay $0x3  }
0x34: {  	[smem:$0x3FAF] =	sst s10  }
0x35: {  	s10 =	sld [smem:$0x3FAE];
	_ =	sdelay $0x3  }
0x36: {  	p1 =	seq.s32 s10, $0x1;
	s10 =	sld [smem:$0x3FAF];
	_ =	sdelay $0x3  }
0x37: {  	[smem:$0x3FAF] =	sst s10  }
0x38: {  	s10 =	sld [smem:$0x3FB0]  }
0x39: {  	_ = 	snop;
	(pc) =	sbr.ind lr, $3  }
0x3a: {  	_ = 	snop  }
0x3b: {  	_ = 	snop  }
0x3c: {  	p2 =	seq.s32 s10, $0x1;
	s10 =	sld [smem:$0x3FAF]  }
0x3d: {  	_ =	shalt  }
0x3e: {  	_ =	shalt  }
0x3f: {  	_ =	shalt  }
0x40: {  	_ =	shalt  }
0x41: {  	_ =	shalt  }
0x42: {  	_ =	shalt  }
0x43: {  	_ =	shalt  }
0x44: {  	_ =	shalt  }
0x45: {  	_ =	shalt  }
0x46: {  	_ =	shalt  }
0x47: {  	_ =	shalt  }
0x48: {  	_ =	shalt  }
0x49: {  	_ =	shalt  }
0x4a: {  	_ =	shalt  }
0x4b: {  	_ =	shalt  }
0x4c: {  	_ =	shalt  }
0x4d: {  	_ =	shalt  }
0x4e: {  	_ =	shalt  }
0x4f: {  	_ =	shalt  }
0x50: {  	_ =	shalt  }
0x51: {  	_ =	shalt  }
0x52: {  	_ =	shalt  }
0x53: {  	_ =	shalt  }
0x54: {  	_ =	shalt  }
0x55: {  	_ =	shalt  }
0x56: {  	_ =	shalt  }
0x57: {  	_ =	shalt  }
0x58: {  	_ =	shalt  }
0x59: {  	_ =	shalt  }
0x5a: {  	_ =	shalt  }
0x5b: {  	_ =	shalt  }
0x5c: {  	_ =	shalt  }
0x5d: {  	_ =	shalt  }
0x5e: {  	_ =	shalt  }
0x5f: {  	_ =	shalt  }
0x60: {  	_ =	shalt  }
0x61: {  	_ =	shalt  }
0x62: {  	_ =	shalt  }
0x63: {  	_ =	shalt  }
0x64: {  	_ =	shalt  }
0x65: {  	_ =	shalt  }
0x66: {  	_ =	shalt  }
0x67: {  	_ =	shalt  }
0x68: {  	_ =	shalt  }
0x69: {  	_ =	shalt  }
0x6a: {  	_ =	shalt  }
0x6b: {  	_ =	shalt  }
0x6c: {  	_ =	shalt  }
0x6d: {  	_ =	shalt  }
0x6e: {  	_ =	shalt  }
0x6f: {  	_ =	shalt  }
0x70: {  	_ =	shalt  }
0x71: {  	_ =	shalt  }
0x72: {  	_ =	shalt  }
0x73: {  	_ =	shalt  }
0x74: {  	_ =	shalt  }
0x75: {  	_ =	shalt  }
0x76: {  	_ =	shalt  }
0x77: {  	_ =	shalt  }
0x78: {  	_ =	shalt  }
0x79: {  	_ =	shalt  }
0x7a: {  	_ =	shalt  }
0x7b: {  	_ =	shalt  }
0x7c: {  	_ =	shalt  }
0x7d: {  	_ =	shalt  }
0x7e: {  	_ =	shalt  }
0x7f: {  	_ =	shalt  }
0x80: {  	_ =	shalt  }
0x81: {  	_ =	shalt  }
0x82: {  	_ =	shalt  }
0x83: {  	_ =	shalt  }
0x84: {  	_ =	shalt  }
0x85: {  	_ =	shalt  }
0x86: {  	_ =	shalt  }
0x87: {  	_ =	shalt  }
.Lfunc_end0:
.L_simem_size_0:
called_computation_lowered:
.L_overlay_start_0:
0x88: {  	s2 =	sld [smem:$0x3FD9]  }
0x89: {  	s3 =	sld [smem:$0x3FFE];
	_ =	sdelay $0x1  }
0x8a: {  	s1 =	srdreg.scid  }
0x8b: {  	s0 =	sand.u32 $0x1, s1  }
0x8c: {  	s16 =	sshll.u32 s0, $0xA;
	s2 =	sadd.s32 s3, s2  }
0x8d: {  	s2 =	sadd.s32 s2, s16  }
0x8e: {  	[smem:$0x3FBB] =	sst s2  }
0x8f: {  	_ = 	snop  }
0x90: {  	(tm) =	ssettm $0x1  }
0x91: {  	s17 =	sld [smem:$0x3FFB];
	_ =	sdelay $0x3  }
0x92: {  	_ =	strace s17  }
0x93: {  	s2 =	sld [smem:$0x3FFC];
	_ =	sdelay $0x3  }
0x94: {  	_ =	strace s2  }
0x95: {  	s2 =	sld [smem:$0x3FFD];
	_ =	sdelay $0x3  }
0x96: {  	_ =	strace s2  }
0x97: {  	_ =	strace $0x8FFFFFFF  }
0x98: {  	s18 =	sld [smem:$0x3FDB];
	_ =	sdelay $0x1  }
0x99: {  	s19 =	simm.s32 $_scs_section_size  }
0x9a: {  	s4 =	simm.s32 $_size__tile_overlayer_lowered;
	s5 =	simm.s32 $_tile_overlayer_lowered  }
0x9b: {  	s22 =	simm.s32 $0x1BFF;
	s21 =	sshll.u32 s5, $0x1;
	s2 =	sadd.s32 s19, s18  }
0x9c: {  	s6 =	simm.s32 $0x0;
	s20 =	sshll.u32 s4, $0x1;
	s4 =	sadd.s32 s21, s2  }
0x9d: {  	[timem:s6], [sflag:s22] =	dma.local [hbm:s4], s20  }
0x9e: {  	_ =	swait.ge [sflag:s22], s20  }
0x9f: {  	s3 =	ssub.s32 $0x0, s20;
	[sflag:s22] =	ssyncset.done $0x0  }
0xa0: {  	[sflag:s22] =	ssyncadd.s32 s3;
	_ =	sdelay $0x1  }
0xa1: {  	s23 =	simm.s32 $0x1B8B  }
0xa2: {  	_ =	swait.ge [sflag:s23], $0x1  }
0xa3: {  	[sflag:s23] =	ssyncset.done $0x0  }
0xa4: {  	s25 =	simm.s32 $0x1B8E;
	s24 =	sld [smem:$0x3FFE];
	[sflag:s23] =	ssyncadd.s32 $0xFFFFFFFF  }
0xa5: {  	s26 =	simm.s32 $execute0_lowered;
	[smem:$0x3FD2] =	sst s25  }
0xa6: {  	s4 =	sshll.u32 s26, $0x1;
	_ =	strace $0x80000046;
	[dreg:$0x1] =	wrdreg $0xFFFFFFFF  }
0xa7: {  	s28 =	simm.s32 $_size_execute0_lowered;
	s2 =	sadd.s32 s2, s4;
	[dreg:$0x0] =	wrdreg $0x0  }
0xa8: {  	s4 =	sshll.u32 s28, $0x1;
	[dreg:$0x2] =	wrdreg s2  }
0xa9: {  	[dreg:$0x3] =	wrdreg s4  }
0xaa: {  	[dreg:$0x4] =	wrdreg $0xC0  }
0xab: {  	_ =	task [dreg:s6], $0x5FFFF  }
0xac: {  	[dreg:$0x1] =	wrdreg $0xFFFFFFFF  }
0xad: {  	[dreg:$0x0] =	wrdreg $0x60  }
0xae: {  	[dreg:$0x2] =	wrdreg s24  }
0xaf: {  	[dreg:$0x3] =	wrdreg $0x9  }
0xb0: {  	_ =	task.clear_ibuf [dreg:s6], $0x4FFFF;
	_ =	strace $0x90000046  }
0xb1: {  	s29 =	simm.s32 $0x9;
	_ =	strace $0x80000048  }
0xb2: {  	_ =	swait.ge [sflag:s29], $0x1  }
0xb3: {  	[sflag:s29] =	ssyncadd.s32 $0xFFFFFFFF  }
0xb4: {  	_ =	strace $0x90000048  }
0xb5: {  	_ =	sfence  }
0xb6: {  	s30 =	sld [smem:$0x0];
	_ =	sdelay $0x2  }
0xb7: {  	s31 =	sshll.u32 s1, $0xD;
	s1 =	sshrl.u32 s1, $0x2  }
0xb8: {  	s3 =	sand.u32 $0x4000, s31;
	s1 =	sadd.s32 s1, s30  }
0xb9: {  	s0 =	sor.u32 s3, s0;
	s1 =	sshll.u32 s1, $0x11  }
0xba: {  	s0 =	sor.u32 s1, s0  }
0xbb: {  	s0 =	sadd.s32 $0x8F2B, s0  }
0xbc: {  	[sflag:s0] =	ssyncadd.remote.s32 $0x1  }
0xbd: {  	_ =	sfence.sel $0xFFFF  }
0xbe: {  	[dreg:$0x0] =	wrdreg $0xFFFFFFFF;
	(pc) =	sbr.abs _section_cstart, $3  }
0xbf: {  	[dreg:$0x1] =	wrdreg $0xFFFFFFFF  }
0xc0: {  	_ =	task.clear_ibuf [dreg:s6], $0x2FFFF;
	_ =	strace $0x9FFFFFFF  }
0xc1: {  	(tm) =	ssettm $0x7FFFFFFF  }
tec
execute0_lowered:
.L_overlay_start_1:
0x0: {  	(tag) =	ssettag $0x1  }
0x1: {  	s3 =	rddreg [dreg:$0x0]  }
0x2: {  	s0 =	rddreg [dreg:$0x1];
	s4 =	srdreg.scid  }
0x3: {  	s1 =	stileid.u32;
	s2 =	simm.s32 $0x0;
	s10 =	simm.s32 $0x0  }
0x4: {  	s4 =	sand.u32 $0x1, s4;
	s5 =	smul.u32 $0x5000, s1;
	s7 =	sshrl.u32 s1, $0x2  }
0x5: {  	s8 =	sshll.u32 s1, $0x8;
	[smem:$0x7FF] =	sst s2;
	s6 =	smul.u32 $0x2800, s4  }
0x6: {  	s7 =	smul.u32 $0x14000, s7;
	s9 =	sshll.u32 s4, $0x7;
	s8 =	sand.u32 $0x300, s8  }
0x7: {  	_ =	strace $0x80000047;
	s4 =	ssub.s32 $0x2, s4;
	s8 =	sor.u32 s9, s8  }
0x8: {  	s30 =	sshrl.u32 s4, $0x1;
	s9 =	simm.s32 $0x400;
	s5 =	sadd.s32 s6, s5  }
0x9: {  	s29 =	sor.u32 s7, s8;
	s31 =	ssub.s32 s4, s30;
	s5 =	sshrl.u32 s5, $0x3  }
0xa: {  	s7 =	simm.s32 $0x2800;
	s6 =	sshrl.u32 s29, $0x3;
	s5 =	sadd.s32 s5, s3  }
0xb: {  	s8 =	simm.s32 $0x80;
	s6 =	sadd.s32 s6, s3;
	s3 =	sadd.s32 $0x4A00, s5  }
0xc: {  	v0 =	vimm.f32 $0.0e+00;
	v1 =	vimm.f32 $1.000000000e+00;
	s4 =	sadd.s32 $0x18A00, s6;
	s5 =	smax.u32 s31, $0x1;
	s6 =	simm.s32 $0x1  }
.LBB2_1:
0xd: {  	[tilespmem:s2], [sflag:$0x1] =	stream.linear.gather [hbm4b:s3+s2], $0x2800, $0x38;
	[tilespmem:$0x5000] =	vst v63  }
0xe: {  	_ =	swait.ge [sflag:s6], $0x2800  }
0xf: {  	[sflag:s6] =	ssyncset.done $0x0  }
0x10: {  	s11 =	simm.s32 $0x0;
	[sflag:s6] =	ssyncadd.s32 $0xFFFFD800  }
.LBB2_2:
0x11: {  	p0 =	sne.s32 s11, $0x9FC0  }
.Ltmp0:
0x12: {  	_ = 	snop;
	(pc) =	sbr.rel @p0 .LBB2_2-.Ltmp0, $3  }
0x13: {  	_ =	sdelay $0x1  }
0x14: {  	s12 =	sshra.s32 s11, $0x2  }
0x15: {  	s11 =	sadd.s32 $0x40, s11;
	[tilespmem:s12+$0x2800] =	vst v0  }
0x16: {  	s11 =	simm.s32 $0x1C0  }
.LBB2_4:
0x17: {  	s12 =	sshra.s32 s11, $0x2  }
0x18: {  	v2 =	vld [tilespmem:s12+$0xFFFFFF90];
	_ =	sdelay $0x7  }
0x19: {  	[tilespmem:v2+s7+$0x0] =	vst.idx.add.f32.msk $0xffff, v1  }
0x1a: {  	v2 =	vld [tilespmem:s12+$0xFFFFFFA0];
	_ =	sdelay $0x7  }
0x1b: {  	[tilespmem:v2+s7+$0x0] =	vst.idx.add.f32.msk $0xffff, v1  }
0x1c: {  	v2 =	vld [tilespmem:s12+$0xFFFFFFB0];
	_ =	sdelay $0x7  }
0x1d: {  	[tilespmem:v2+s7+$0x0] =	vst.idx.add.f32.msk $0xffff, v1  }
0x1e: {  	v2 =	vld [tilespmem:s12+$0xFFFFFFC0];
	_ =	sdelay $0x7  }
0x1f: {  	[tilespmem:v2+s7+$0x0] =	vst.idx.add.f32.msk $0xffff, v1  }
0x20: {  	v2 =	vld [tilespmem:s12+$0xFFFFFFD0];
	_ =	sdelay $0x7  }
0x21: {  	[tilespmem:v2+s7+$0x0] =	vst.idx.add.f32.msk $0xffff, v1  }
0x22: {  	v2 =	vld [tilespmem:s12+$0xFFFFFFE0];
	_ =	sdelay $0x7  }
0x23: {  	[tilespmem:v2+s7+$0x0] =	vst.idx.add.f32.msk $0xffff, v1  }
0x24: {  	v2 =	vld [tilespmem:s12+$0xFFFFFFF0];
	_ =	sdelay $0x7  }
0x25: {  	[tilespmem:v2+s7+$0x0] =	vst.idx.add.f32.msk $0xffff, v1  }
0x26: {  	v2 =	vld [tilespmem:s12+$0x0];
	_ =	sdelay $0x2  }
0x27: {  	p0 =	sne.s32 s11, $0x9FC0  }
.Ltmp1:
0x28: {  	_ = 	snop;
	(pc) =	sbr.rel @p0 .LBB2_4-.Ltmp1, $2  }
0x29: {  	_ =	sdelay $0x2  }
0x2a: {  	s11 =	sadd.s32 $0x200, s11;
	[tilespmem:v2+s7+$0x0] =	vst.idx.add.f32.msk $0xffff, v1  }
0x2b: {  	s10 =	sadd.s32 $0x1, s10  }
0x2c: {  	p0 =	sne.s32 s10, s5  }
.Ltmp2:
0x2d: {  	_ = 	snop;
	(pc) =	sbr.rel @p0 .LBB2_1-.Ltmp2, $4  }
0x2e: {  	[hbm4b:s4+s8] =	stream.strided.scatter [tilespmem:s7], [sflag:$0x1], $0x2800, s9, s8, $0x38;
	[tilespmem:$0x5000] =	vst v63  }
0x2f: {  	_ =	swait.ge [sflag:s6], $0x2800  }
0x30: {  	[sflag:s6] =	ssyncset.done $0x0  }
0x31: {  	[sflag:s6] =	ssyncadd.s32 $0xFFFFD800  }
0x32: {  	_ =	sfence.sel $0x180000  }
0x33: {  	[bflag:$0x0] =	sbarrier.arrive $0xFFFF  }
0x34: {  	p0 =	sne.s32 s1, $0x0;
	_ =	strace $0x90000047  }
0x35: {  	s0 =	sadd.s32 @!p0 $0x100000, s0;
	[bflag:$0x2] =	sbarrier.arrive $0xFFFF  }
0x36: {  	[sflag:s0] =	ssyncadd.tile.s32 @!p0 $0x1;
	_ =	shalt  }
.Lfunc_end2:
_tile_overlayer_lowered:
.L_overlay_start_2:
0x37: {  	(tag) =	ssettag $0x2  }
0x38: {  	s0 =	rddreg [dreg:$0x0];
	s2 =	stileid.u32  }
0x39: {  	s1 =	rddreg [dreg:$0x1];
	p0 =	sne.s32 s2, $0x0  }
0x3a: {  	s3 =	rddreg [dreg:$0x2];
	[bflag:$0x3] =	sbarrier.arrive $0xFFFF;
	s2 =	simm.s32 @!p0 $0x1C02  }
0x3b: {  	[timem:s3], [sflag:s2] =	dma.local @!p0 [hbm:s0], s1  }
0x3c: {  	s0 =	simm.s32 @!p0 $0x2  }
0x3d: {  	_ =	swait.ge @!p0 [sflag:s0], s1  }
0x3e: {  	s1 =	ssub.s32 @!p0 $0x0, s1;
	[sflag:s0] =	ssyncset.done @!p0 $0x0  }
0x3f: {  	[sflag:s0] =	ssyncadd.s32 @!p0 s1  }
0x40: {  	[bflag:$0x3] =	sbarrier.arrive $0xFFFF  }
0x41: {  	_ =	shalt  }

</sc_bundles>
